<compile_context>
chip_gen: v7x
topology: tpu7x:2x2x1
jax: 0.10.2.dev20260603
libtpu: 0.0.44.dev20260713+nightly
codegen_flags: <defaults>
</compile_context>

<pallas_src>
import functools

import jax
import jax.numpy as jnp
from jax import lax
from jax.experimental import pallas as pl
from jax.experimental.pallas import tpu as pltpu
from jax.experimental.pallas import tpu_sc as plsc

_NC = 2
_NS = 16
_NW = _NC * _NS



@functools.lru_cache(maxsize=None)
def _make_deg(E, N, C, NCH, NCHP, NK, SEG):
    mesh = plsc.VectorSubcoreMesh(core_axis_name="c", subcore_axis_name="s")

    @functools.partial(
        pl.kernel, mesh=mesh,
        out_type=jax.ShapeDtypeStruct((NK * _NW * SEG,), jnp.float32),
        compiler_params=pltpu.CompilerParams(needs_layout_passes=False),
        scratch_types=[
            pltpu.VMEM((NCHP, C), jnp.int32),
            pltpu.VMEM((N + 16,), jnp.float32),
        ],
    )
    def deg_k(dst_hbm, out_hbm, dst_v, hist):
        c = lax.axis_index("c")
        s = lax.axis_index("s")
        w = c * _NS + s

        def zero(i, _):
            hist[pl.ds(i * 16, 16)] = jnp.zeros((16,), jnp.float32)
            return 0
        lax.fori_loop(0, N // 16 + 1, zero, 0)

        pltpu.sync_copy(dst_hbm.at[pl.ds(w * NCHP, NCHP)], dst_v)
        ones = jnp.full((16,), 1.0, jnp.float32)

        def body(r, _):
            for k in range(C // 16):
                idx = dst_v[r, pl.ds(k * 16, 16)]
                plsc.addupdate_scatter(hist, [idx], ones)
            return 0
        lax.fori_loop(0, NCH, body, 0)

        for k in range(NK):
            pltpu.sync_copy(hist.at[pl.ds(k * SEG, SEG)],
                            out_hbm.at[pl.ds((k * _NW + w) * SEG, SEG)])

    return deg_k


@functools.lru_cache(maxsize=None)
def _make_agg(N, D, C, NCH, NCHP):
    mesh = plsc.VectorSubcoreMesh(core_axis_name="c", subcore_axis_name="s")
    NP = N + 8
    RPT = (N // (8 * _NS)) * 8
    TAIL = N - _NS * RPT
    NZ = RPT // C
    REM = RPT - NZ * C
    NPAIR = NCH // 2

    SRC_W = NCHP * C

    @functools.partial(
        pl.kernel, mesh=mesh,
        out_type=jax.ShapeDtypeStruct((_NC * N, D), jnp.float32),
        scratch_types=[
            pltpu.VMEM((SRC_W,), jnp.int32),
            pltpu.VMEM((NCHP, C), jnp.int32),
            pltpu.VMEM((C, D), jnp.float32),
            pltpu.VMEM((C, D), jnp.float32),
            pltpu.VMEM_SHARED((NP, D), jnp.float32),
            pltpu.SemaphoreType.DMA((2,)),
        ],
    )
    def agg_k(hp_hbm, src_hbm, dst_hbm, out_hbm,
              src_v, dst_v, rows0, rows1, acc, gsems):
        gsem0, gsem1 = gsems.at[0], gsems.at[1]
        c = lax.axis_index("c")
        s = lax.axis_index("s")
        w = c * _NS + s

        def zrow(r, _):
            for j in range(D // 16):
                rows0[r, pl.ds(j * 16, 16)] = jnp.zeros((16,), jnp.float32)
            return 0
        lax.fori_loop(0, C, zrow, 0)
        for k in range(NZ):
            pltpu.sync_copy(rows0, acc.at[pl.ds(s * RPT + k * C, C)])
        if REM:
            pltpu.sync_copy(rows0.at[pl.ds(0, REM)],
                            acc.at[pl.ds(s * RPT + NZ * C, REM)])

        @pl.when(s == _NS - 1)
        def _():
            pltpu.sync_copy(rows0.at[pl.ds(0, TAIL)],
                            acc.at[pl.ds(_NS * RPT, TAIL)])
            pltpu.sync_copy(rows0.at[pl.ds(0, NP - N)], acc.at[pl.ds(N, NP - N)])

        pltpu.sync_copy(src_hbm.at[pl.ds(w * SRC_W, SRC_W)], src_v)
        pltpu.sync_copy(dst_hbm.at[pl.ds(w * NCHP, NCHP)], dst_v)
        plsc.subcore_barrier()

        def sidx(j):
            return src_v.at[pl.ds(j * C, C)]

        pltpu.async_copy(hp_hbm.at[sidx(0)], rows0, gsem0)

        def pair(i, _):
            j0 = 2 * i
            pltpu.async_copy(hp_hbm.at[sidx(j0 + 1)], rows1, gsem1)
            pltpu.make_async_copy(hp_hbm.at[sidx(j0)], rows0, gsem0).wait()
            pltpu.sync_copy(rows0, acc.at[dst_v.at[j0]], add=True)
            pltpu.async_copy(hp_hbm.at[sidx(j0 + 2)], rows0, gsem0)
            pltpu.make_async_copy(hp_hbm.at[sidx(j0 + 1)], rows1, gsem1).wait()
            pltpu.sync_copy(rows1, acc.at[dst_v.at[j0 + 1]], add=True)
            return 0
        lax.fori_loop(0, NPAIR, pair, 0)

        if NCH % 2:
            pltpu.make_async_copy(hp_hbm.at[sidx(NCH - 1)], rows0, gsem0).wait()
            pltpu.sync_copy(rows0, acc.at[dst_v.at[NCH - 1]], add=True)

        plsc.subcore_barrier()
        pltpu.sync_copy(acc.at[pl.ds(s * RPT, RPT)],
                        out_hbm.at[pl.ds(c * N + s * RPT, RPT)])

        @pl.when(s == _NS - 1)
        def _():
            pltpu.sync_copy(acc.at[pl.ds(_NS * RPT, TAIL)],
                            out_hbm.at[pl.ds(c * N + _NS * RPT, TAIL)])

    return agg_k



def _dinv_of(deg_ref):
    deg = jnp.sum(deg_ref[0], axis=0) + 2.0
    return lax.rsqrt(deg)[:, None]


def _tc1_body(deg_ref, x_ref, w_ref, hp_ref):
    h = jnp.dot(x_ref[...], w_ref[...], preferred_element_type=jnp.float32)
    hp_ref[...] = h * _dinv_of(deg_ref)


def _tc2_body(deg_ref, p0_ref, p1_ref, hp_ref, b_ref, w_ref, o_ref):
    dinv = _dinv_of(deg_ref)
    agg = p0_ref[...] + p1_ref[...] + 2.0 * hp_ref[...]
    h = jnp.maximum(agg * dinv + b_ref[...], 0.0)
    o_ref[...] = dinv * jnp.dot(h, w_ref[...],
                                preferred_element_type=jnp.float32)


def _make_tc3_body(G, NB, R):
    def _tc3_body(deg_ref, p0_ref, p1_ref, hp_ref, b_ref, batch_ref,
                  wf_ref, bf_ref, o_ref, pooled):
        i = pl.program_id(0)
        dinv = _dinv_of(deg_ref)
        agg = p0_ref[...] + p1_ref[...] + 2.0 * hp_ref[...]
        h2 = jnp.maximum(agg * dinv + b_ref[...], 0.0)

        @pl.when(i == 0)
        def _():
            pooled[...] = jnp.full(pooled.shape, -jnp.inf, jnp.float32)

        b = batch_ref[0]
        g0 = batch_ref[0, 0, 0]
        g1 = batch_ref[0, R - 1, 0]

        def seg(g, _):
            mask = (b == g)
            m = jnp.max(jnp.where(mask, h2, -jnp.inf), axis=0, keepdims=True)
            cur = pooled[pl.ds(g, 1), :]
            pooled[pl.ds(g, 1), :] = jnp.maximum(cur, m)
            return 0
        lax.fori_loop(g0, g1 + 1, seg, 0)

        @pl.when(i == NB - 1)
        def _():
            o_ref[...] = jnp.dot(pooled[...], wf_ref[...],
                                 preferred_element_type=jnp.float32) + bf_ref[...]
    return _tc3_body



def kernel(x, edge_index, batch, W1, b1, W2, b2, Wf, bf):
    N, D = x.shape
    E = edge_index.shape[1]
    G = 64
    OUT = Wf.shape[1]
    C = 80
    EPW = E // _NW
    NCH = -(-EPW // C)
    assert NCH % 2 == 1
    EPP = NCH * C
    NCHP = (NCH + 7) // 8 * 8
    R = 1000
    NB = N // R

    d2 = edge_index[1].reshape(_NW, EPW)
    d2 = jnp.pad(d2, ((0, 0), (0, EPP - EPW)), constant_values=N)
    d3 = d2.reshape(_NW, NCH, C)
    d3 = jnp.pad(d3, ((0, 0), (0, NCHP - NCH), (0, 0)))
    dst2 = d3.reshape(_NW * NCHP, C)

    s2 = edge_index[0].reshape(_NW, EPW)
    s2 = jnp.pad(s2, ((0, 0), (0, NCHP * C - EPW)))
    src2 = s2.reshape(_NW * NCHP * C)

    deg_flat = _make_deg(E, N, C, NCH, NCHP, NB, R)(dst2)
    deg3 = deg_flat.reshape(NB, _NW, R)

    deg_spec = pl.BlockSpec((1, _NW, R), lambda i: (i, 0, 0))
    row_spec = pl.BlockSpec((R, D), lambda i: (i, 0))
    p0_spec = pl.BlockSpec((R, D), lambda i: (i, 0))
    p1_spec = pl.BlockSpec((R, D), lambda i, _nb=NB: (i + _nb, 0))
    w_spec = pl.BlockSpec((D, D), lambda i: (0, 0))
    b_spec = pl.BlockSpec((1, D), lambda i: (0, 0))

    hp1 = pl.pallas_call(
        _tc1_body,
        grid=(NB,),
        in_specs=[deg_spec, row_spec, w_spec],
        out_specs=row_spec,
        out_shape=jax.ShapeDtypeStruct((N, D), jnp.float32),
    )(deg3, x, W1)

    agg = _make_agg(N, D, C, NCH, NCHP)
    parts1 = agg(hp1, src2, dst2)

    hp2 = pl.pallas_call(
        _tc2_body,
        grid=(NB,),
        in_specs=[deg_spec, p0_spec, p1_spec, row_spec, b_spec, w_spec],
        out_specs=row_spec,
        out_shape=jax.ShapeDtypeStruct((N, D), jnp.float32),
    )(deg3, parts1, parts1, hp1, b1.reshape(1, D), W2)

    parts2 = agg(hp2, src2, dst2)

    out = pl.pallas_call(
        _make_tc3_body(G, NB, R),
        grid=(NB,),
        in_specs=[deg_spec, p0_spec, p1_spec, row_spec, b_spec,
                  pl.BlockSpec((1, R, 1), lambda i: (i, 0, 0)),
                  pl.BlockSpec((D, OUT), lambda i: (0, 0)),
                  pl.BlockSpec((1, OUT), lambda i: (0, 0))],
        out_specs=pl.BlockSpec((G, OUT), lambda i: (0, 0)),
        out_shape=jax.ShapeDtypeStruct((G, OUT), jnp.float32),
        scratch_shapes=[pltpu.VMEM((G, D), jnp.float32)],
    )(deg3, parts2, parts2, hp2, b2.reshape(1, D),
      batch.reshape(NB, R, 1), Wf, bf.reshape(1, OUT))

    return out

# --- scband reference (transcript-rebuilt; emitter-appended) ---
"""Pipeline reference for scband-gcnmodel-37031208026375 (READ-ONLY COPY).

The authoritative reference and input builder live on the scoring server;
editing this copy changes nothing except your own understanding.
"""

import jax, jax.numpy as jnp
import numpy as np

N = 10000
E = 320000
D = 128
G = 64
OUT = 64


def _gcn_conv_improved(x, src, dst, W, b, num_nodes):
    # PyG GCNConv with improved=True: A_hat = A + 2I, sym-normalized.
    # deg includes self-loop weight 2.0
    deg = jnp.zeros((num_nodes,), dtype=x.dtype).at[dst].add(1.0) + 2.0
    dinv = jax.lax.rsqrt(deg)
    h = x @ W
    norm = dinv[src] * dinv[dst]  # edge_weight = 1.0
    msg = h[src] * norm[:, None]
    out = jnp.zeros_like(h).at[dst].add(msg)
    # self-loop contribution: weight 2.0, norm = dinv[i]*2*dinv[i]
    out = out + (2.0 * dinv * dinv)[:, None] * h
    return out + b


def setup_inputs(seed: int = 0) -> dict:
    key = jax.random.key(seed)
    ks = jax.random.split(key, 10)
    x = jax.random.normal(ks[0], (N, D), dtype=jnp.float32)
    edge_index = jax.random.randint(ks[1], (2, E), 0, N, dtype=jnp.int32)
    batch = jnp.sort(jax.random.randint(ks[2], (N,), 0, G, dtype=jnp.int32))
    s = 1.0 / np.sqrt(D)
    W1 = jax.random.uniform(ks[3], (D, D), jnp.float32, -s, s)
    b1 = jax.random.uniform(ks[4], (D,), jnp.float32, -s, s)
    W2 = jax.random.uniform(ks[5], (D, D), jnp.float32, -s, s)
    b2 = jax.random.uniform(ks[6], (D,), jnp.float32, -s, s)
    Wf = jax.random.uniform(ks[7], (D, OUT), jnp.float32, -s, s)
    bf = jax.random.uniform(ks[8], (OUT,), jnp.float32, -s, s)
    return {"x": x, "edge_index": edge_index, "batch": batch,
            "W1": W1, "b1": b1, "W2": W2, "b2": b2, "Wf": Wf, "bf": bf}


def reference(x, edge_index, batch, W1, b1, W2, b2, Wf, bf):
    src, dst = edge_index[0], edge_index[1]
    h = _gcn_conv_improved(x, src, dst, W1, b1, N)
    h = jax.nn.relu(h)
    h = _gcn_conv_improved(h, src, dst, W2, b2, N)
    h = jax.nn.relu(h)
    # F.dropout treated as identity (eval-mode / deterministic reference)
    pooled = jax.ops.segment_max(h, batch, num_segments=G)
    out = pooled @ Wf + bf
    return out

if __name__ == "__main__":
    import jax
    _d = setup_inputs()
    print(jax.jit(kernel)(*tuple(_d.values())))

</pallas_src>

<mosaic_0001>
#map = affine_map<(d0, d1) -> (0, 0)>
#map1 = affine_map<(d0, d1) -> (0)>
module attributes {stable_mosaic.version = 14 : i64} {
  func.func @agg_k(%arg0: i32, %arg1: i32, %arg2: memref<10000x128xf32, #tpu.memory_space<hbm>>, %arg3: memref<327680xi32, #tpu.memory_space<hbm>>, %arg4: memref<4096x80xi32, #tpu.memory_space<hbm>>, %arg5: memref<20000x128xf32, #tpu.memory_space<hbm>>, %arg6: memref<10240xi32, #tpu.memory_space<vmem>>, %arg7: memref<128x80xi32, #tpu.memory_space<vmem>>, %arg8: memref<80x128xf32, #tpu.memory_space<vmem>>, %arg9: memref<80x128xf32, #tpu.memory_space<vmem>>, %arg10: memref<10008x128xf32, #tpu.memory_space<vmem_shared>>, %arg11: memref<2x!tpu.dma_semaphore, #tpu.memory_space<semaphore_mem>>) attributes {dimension_semantics = [#tpu.dimension_semantics<core_parallel>, #tpu.dimension_semantics<subcore_parallel>], iteration_bounds = array<i64: 2, 16>, scalar_prefetch = 0 : i64, scratch_operands = 6 : i64, tpu.core_type = #tpu.core_type<sc_vector_subcore>, window_params = [{transform_indices = #map}, {transform_indices = #map1}, {transform_indices = #map}, {transform_indices = #map}]} {
    %mul3A = arith.constant 16 : i32
    %mul3A_0 = arith.muli %arg0, %mul3A : i32
    %add3A = arith.addi %mul3A_0, %arg1 : i32
    %scan3A = arith.constant 0 : i32
    %scan3A_1 = arith.constant 0 : i32
    %scan3A_2 = arith.constant 80 : i32
    %scan3A_3 = arith.addi %scan3A_1, %scan3A_2 : i32
    %scan3A_4 = arith.constant 1 : i32
    %scan3A_5 = scf.for %scan3A_81 = %scan3A_1 to %scan3A_3 step %scan3A_4 iter_args(%scan3A_82 = %scan3A) -> (i32)  : i32 {
      %broadcast_in_dim3A = arith.constant 0.000000e+00 : f32
      %broadcast_in_dim3A_83 = vector.broadcast %broadcast_in_dim3A : f32 to vector<16xf32>
      %swap3A = arith.index_cast %scan3A_81 : i32 to index
      %swap3A_84 = arith.constant 0 : index
      %swap3A_85 = tpu.vector_load %arg8[%swap3A, %swap3A_84] {strides = array<i32>} : memref<80x128xf32, #tpu.memory_space<vmem>>, vector<1x16xf32>,
      %swap3A_86 = vector.shape_cast %swap3A_85 : vector<1x16xf32> to vector<16xf32>
      %swap3A_87 = vector.shape_cast %broadcast_in_dim3A_83 : vector<16xf32> to vector<1x16xf32>
      tpu.vector_store %arg8[%swap3A, %swap3A_84], %swap3A_87 {strides = array<i32>} : memref<80x128xf32, #tpu.memory_space<vmem>>, vector<1x16xf32>,
      %broadcast_in_dim3A_88 = arith.constant 0.000000e+00 : f32
      %broadcast_in_dim3A_89 = vector.broadcast %broadcast_in_dim3A_88 : f32 to vector<16xf32>
      %swap3A_90 = arith.index_cast %scan3A_81 : i32 to index
      %swap3A_91 = arith.constant 16 : index
      %swap3A_92 = tpu.vector_load %arg8[%swap3A_90, %swap3A_91] {strides = array<i32>} : memref<80x128xf32, #tpu.memory_space<vmem>>, vector<1x16xf32>,
      %swap3A_93 = vector.shape_cast %swap3A_92 : vector<1x16xf32> to vector<16xf32>
      %swap3A_94 = vector.shape_cast %broadcast_in_dim3A_89 : vector<16xf32> to vector<1x16xf32>
      tpu.vector_store %arg8[%swap3A_90, %swap3A_91], %swap3A_94 {strides = array<i32>} : memref<80x128xf32, #tpu.memory_space<vmem>>, vector<1x16xf32>,
      %broadcast_in_dim3A_95 = arith.constant 0.000000e+00 : f32
      %broadcast_in_dim3A_96 = vector.broadcast %broadcast_in_dim3A_95 : f32 to vector<16xf32>
      %swap3A_97 = arith.index_cast %scan3A_81 : i32 to index
      %swap3A_98 = arith.constant 32 : index
      %swap3A_99 = tpu.vector_load %arg8[%swap3A_97, %swap3A_98] {strides = array<i32>} : memref<80x128xf32, #tpu.memory_space<vmem>>, vector<1x16xf32>,
      %swap3A_100 = vector.shape_cast %swap3A_99 : vector<1x16xf32> to vector<16xf32>
      %swap3A_101 = vector.shape_cast %broadcast_in_dim3A_96 : vector<16xf32> to vector<1x16xf32>
      tpu.vector_store %arg8[%swap3A_97, %swap3A_98], %swap3A_101 {strides = array<i32>} : memref<80x128xf32, #tpu.memory_space<vmem>>, vector<1x16xf32>,
      %broadcast_in_dim3A_102 = arith.constant 0.000000e+00 : f32
      %broadcast_in_dim3A_103 = vector.broadcast %broadcast_in_dim3A_102 : f32 to vector<16xf32>
      %swap3A_104 = arith.index_cast %scan3A_81 : i32 to index
      %swap3A_105 = arith.constant 48 : index
      %swap3A_106 = tpu.vector_load %arg8[%swap3A_104, %swap3A_105] {strides = array<i32>} : memref<80x128xf32, #tpu.memory_space<vmem>>, vector<1x16xf32>,
      %swap3A_107 = vector.shape_cast %swap3A_106 : vector<1x16xf32> to vector<16xf32>
      %swap3A_108 = vector.shape_cast %broadcast_in_dim3A_103 : vector<16xf32> to vector<1x16xf32>
      tpu.vector_store %arg8[%swap3A_104, %swap3A_105], %swap3A_108 {strides = array<i32>} : memref<80x128xf32, #tpu.memory_space<vmem>>, vector<1x16xf32>,
      %broadcast_in_dim3A_109 = arith.constant 0.000000e+00 : f32
      %broadcast_in_dim3A_110 = vector.broadcast %broadcast_in_dim3A_109 : f32 to vector<16xf32>
      %swap3A_111 = arith.index_cast %scan3A_81 : i32 to index
      %swap3A_112 = arith.constant 64 : index
      %swap3A_113 = tpu.vector_load %arg8[%swap3A_111, %swap3A_112] {strides = array<i32>} : memref<80x128xf32, #tpu.memory_space<vmem>>, vector<1x16xf32>,
      %swap3A_114 = vector.shape_cast %swap3A_113 : vector<1x16xf32> to vector<16xf32>
      %swap3A_115 = vector.shape_cast %broadcast_in_dim3A_110 : vector<16xf32> to vector<1x16xf32>
      tpu.vector_store %arg8[%swap3A_111, %swap3A_112], %swap3A_115 {strides = array<i32>} : memref<80x128xf32, #tpu.memory_space<vmem>>, vector<1x16xf32>,
      %broadcast_in_dim3A_116 = arith.constant 0.000000e+00 : f32
      %broadcast_in_dim3A_117 = vector.broadcast %broadcast_in_dim3A_116 : f32 to vector<16xf32>
      %swap3A_118 = arith.index_cast %scan3A_81 : i32 to index
      %swap3A_119 = arith.constant 80 : index
      %swap3A_120 = tpu.vector_load %arg8[%swap3A_118, %swap3A_119] {strides = array<i32>} : memref<80x128xf32, #tpu.memory_space<vmem>>, vector<1x16xf32>,
      %swap3A_121 = vector.shape_cast %swap3A_120 : vector<1x16xf32> to vector<16xf32>
      %swap3A_122 = vector.shape_cast %broadcast_in_dim3A_117 : vector<16xf32> to vector<1x16xf32>
      tpu.vector_store %arg8[%swap3A_118, %swap3A_119], %swap3A_122 {strides = array<i32>} : memref<80x128xf32, #tpu.memory_space<vmem>>, vector<1x16xf32>,
      %broadcast_in_dim3A_123 = arith.constant 0.000000e+00 : f32
      %broadcast_in_dim3A_124 = vector.broadcast %broadcast_in_dim3A_123 : f32 to vector<16xf32>
      %swap3A_125 = arith.index_cast %scan3A_81 : i32 to index
      %swap3A_126 = arith.constant 96 : index
      %swap3A_127 = tpu.vector_load %arg8[%swap3A_125, %swap3A_126] {strides = array<i32>} : memref<80x128xf32, #tpu.memory_space<vmem>>, vector<1x16xf32>,
      %swap3A_128 = vector.shape_cast %swap3A_127 : vector<1x16xf32> to vector<16xf32>
      %swap3A_129 = vector.shape_cast %broadcast_in_dim3A_124 : vector<16xf32> to vector<1x16xf32>
      tpu.vector_store %arg8[%swap3A_125, %swap3A_126], %swap3A_129 {strides = array<i32>} : memref<80x128xf32, #tpu.memory_space<vmem>>, vector<1x16xf32>,
      %broadcast_in_dim3A_130 = arith.constant 0.000000e+00 : f32
      %broadcast_in_dim3A_131 = vector.broadcast %broadcast_in_dim3A_130 : f32 to vector<16xf32>
      %swap3A_132 = arith.index_cast %scan3A_81 : i32 to index
      %swap3A_133 = arith.constant 112 : index
      %swap3A_134 = tpu.vector_load %arg8[%swap3A_132, %swap3A_133] {strides = array<i32>} : memref<80x128xf32, #tpu.memory_space<vmem>>, vector<1x16xf32>,
      %swap3A_135 = vector.shape_cast %swap3A_134 : vector<1x16xf32> to vector<16xf32>
      %swap3A_136 = vector.shape_cast %broadcast_in_dim3A_131 : vector<16xf32> to vector<1x16xf32>
      tpu.vector_store %arg8[%swap3A_132, %swap3A_133], %swap3A_136 {strides = array<i32>} : memref<80x128xf32, #tpu.memory_space<vmem>>, vector<1x16xf32>,
      %scan3A_137 = arith.constant 0 : i32
      scf.yield %scan3A_137 : i32
    }
    %scan3A_6 = arith.constant 80 : i32
    %mul3A_7 = arith.constant 624 : i32
    %mul3A_8 = arith.muli %arg1, %mul3A_7 : i32
    %add3A_9 = arith.constant 0 : i32
    %add3A_10 = arith.addi %mul3A_8, %add3A_9 : i32
    "tpu.region"() ({
      %run_scoped3A_81 = tpu.sem_alloc : memref<!tpu.dma_semaphore, #tpu.memory_space<semaphore_mem>>
      %dma_start3A_82 = arith.constant 0 : i32
      %dma_start3A_83 = tpu.memref_slice %arg10[%add3A_10, %dma_start3A_82] : memref<10008x128xf32, #tpu.memory_space<vmem_shared>> -> memref<80x128xf32, #tpu.memory_space<vmem_shared>>
      %dma_start3A_84 = arith.constant 0 : i32
      %dma_start3A_85 = tpu.memref_slice %arg10[%add3A_10, %dma_start3A_84] : memref<10008x128xf32, #tpu.memory_space<vmem_shared>> -> memref<80x128xf32, #tpu.memory_space<vmem_shared>>
      tpu.enqueue_dma source(%arg8 : memref<80x128xf32, #tpu.memory_space<vmem>>) target(%dma_start3A_85 : memref<80x128xf32, #tpu.memory_space<vmem_shared>>) target_semaphore(%run_scoped3A_81 : memref<!tpu.dma_semaphore, #tpu.memory_space<semaphore_mem>>)
      %dma_wait3A_86 = arith.constant 0 : i32
      %dma_wait3A_87 = tpu.memref_slice %arg10[%add3A_10, %dma_wait3A_86] : memref<10008x128xf32, #tpu.memory_space<vmem_shared>> -> memref<80x128xf32, #tpu.memory_space<vmem_shared>>
      %dma_wait3A_88 = arith.constant 0 : i32
      %dma_wait3A_89 = tpu.memref_slice %arg10[%add3A_10, %dma_wait3A_88] : memref<10008x128xf32, #tpu.memory_space<vmem_shared>> -> memref<80x128xf32, #tpu.memory_space<vmem_shared>>
      tpu.wait_dma2 semaphore(%run_scoped3A_81 : memref<!tpu.dma_semaphore, #tpu.memory_space<semaphore_mem>>) src(%arg8 : memref<80x128xf32, #tpu.memory_space<vmem>>) dst(%dma_wait3A_89 : memref<80x128xf32, #tpu.memory_space<vmem_shared>>)
      tpu.yield
    }) : () -> ()
    %mul3A_11 = arith.constant 624 : i32
    %mul3A_12 = arith.muli %arg1, %mul3A_11 : i32
    %add3A_13 = arith.constant 80 : i32
    %add3A_14 = arith.addi %mul3A_12, %add3A_13 : i32
    "tpu.region"() ({
      %run_scoped3A_81 = tpu.sem_alloc : memref<!tpu.dma_semaphore, #tpu.memory_space<semaphore_mem>>
      %dma_start3A_82 = arith.constant 0 : i32
      %dma_start3A_83 = tpu.memref_slice %arg10[%add3A_14, %dma_start3A_82] : memref<10008x128xf32, #tpu.memory_space<vmem_shared>> -> memref<80x128xf32, #tpu.memory_space<vmem_shared>>
      %dma_start3A_84 = arith.constant 0 : i32
      %dma_start3A_85 = tpu.memref_slice %arg10[%add3A_14, %dma_start3A_84] : memref<10008x128xf32, #tpu.memory_space<vmem_shared>> -> memref<80x128xf32, #tpu.memory_space<vmem_shared>>
      tpu.enqueue_dma source(%arg8 : memref<80x128xf32, #tpu.memory_space<vmem>>) target(%dma_start3A_85 : memref<80x128xf32, #tpu.memory_space<vmem_shared>>) target_semaphore(%run_scoped3A_81 : memref<!tpu.dma_semaphore, #tpu.memory_space<semaphore_mem>>)
      %dma_wait3A_86 = arith.constant 0 : i32
      %dma_wait3A_87 = tpu.memref_slice %arg10[%add3A_14, %dma_wait3A_86] : memref<10008x128xf32, #tpu.memory_space<vmem_shared>> -> memref<80x128xf32, #tpu.memory_space<vmem_shared>>
      %dma_wait3A_88 = arith.constant 0 : i32
      %dma_wait3A_89 = tpu.memref_slice %arg10[%add3A_14, %dma_wait3A_88] : memref<10008x128xf32, #tpu.memory_space<vmem_shared>> -> memref<80x128xf32, #tpu.memory_space<vmem_shared>>
      tpu.wait_dma2 semaphore(%run_scoped3A_81 : memref<!tpu.dma_semaphore, #tpu.memory_space<semaphore_mem>>) src(%arg8 : memref<80x128xf32, #tpu.memory_space<vmem>>) dst(%dma_wait3A_89 : memref<80x128xf32, #tpu.memory_space<vmem_shared>>)
      tpu.yield
    }) : () -> ()
    %mul3A_15 = arith.constant 624 : i32
    %mul3A_16 = arith.muli %arg1, %mul3A_15 : i32
    %add3A_17 = arith.constant 160 : i32
    %add3A_18 = arith.addi %mul3A_16, %add3A_17 : i32
    "tpu.region"() ({
      %run_scoped3A_81 = tpu.sem_alloc : memref<!tpu.dma_semaphore, #tpu.memory_space<semaphore_mem>>
      %dma_start3A_82 = arith.constant 0 : i32
      %dma_start3A_83 = tpu.memref_slice %arg10[%add3A_18, %dma_start3A_82] : memref<10008x128xf32, #tpu.memory_space<vmem_shared>> -> memref<80x128xf32, #tpu.memory_space<vmem_shared>>
      %dma_start3A_84 = arith.constant 0 : i32
      %dma_start3A_85 = tpu.memref_slice %arg10[%add3A_18, %dma_start3A_84] : memref<10008x128xf32, #tpu.memory_space<vmem_shared>> -> memref<80x128xf32, #tpu.memory_space<vmem_shared>>
      tpu.enqueue_dma source(%arg8 : memref<80x128xf32, #tpu.memory_space<vmem>>) target(%dma_start3A_85 : memref<80x128xf32, #tpu.memory_space<vmem_shared>>) target_semaphore(%run_scoped3A_81 : memref<!tpu.dma_semaphore, #tpu.memory_space<semaphore_mem>>)
      %dma_wait3A_86 = arith.constant 0 : i32
      %dma_wait3A_87 = tpu.memref_slice %arg10[%add3A_18, %dma_wait3A_86] : memref<10008x128xf32, #tpu.memory_space<vmem_shared>> -> memref<80x128xf32, #tpu.memory_space<vmem_shared>>
      %dma_wait3A_88 = arith.constant 0 : i32
      %dma_wait3A_89 = tpu.memref_slice %arg10[%add3A_18, %dma_wait3A_88] : memref<10008x128xf32, #tpu.memory_space<vmem_shared>> -> memref<80x128xf32, #tpu.memory_space<vmem_shared>>
      tpu.wait_dma2 semaphore(%run_scoped3A_81 : memref<!tpu.dma_semaphore, #tpu.memory_space<semaphore_mem>>) src(%arg8 : memref<80x128xf32, #tpu.memory_space<vmem>>) dst(%dma_wait3A_89 : memref<80x128xf32, #tpu.memory_space<vmem_shared>>)
      tpu.yield
    }) : () -> ()
    %mul3A_19 = arith.constant 624 : i32
    %mul3A_20 = arith.muli %arg1, %mul3A_19 : i32
    %add3A_21 = arith.constant 240 : i32
    %add3A_22 = arith.addi %mul3A_20, %add3A_21 : i32
    "tpu.region"() ({
      %run_scoped3A_81 = tpu.sem_alloc : memref<!tpu.dma_semaphore, #tpu.memory_space<semaphore_mem>>
      %dma_start3A_82 = arith.constant 0 : i32
      %dma_start3A_83 = tpu.memref_slice %arg10[%add3A_22, %dma_start3A_82] : memref<10008x128xf32, #tpu.memory_space<vmem_shared>> -> memref<80x128xf32, #tpu.memory_space<vmem_shared>>
      %dma_start3A_84 = arith.constant 0 : i32
      %dma_start3A_85 = tpu.memref_slice %arg10[%add3A_22, %dma_start3A_84] : memref<10008x128xf32, #tpu.memory_space<vmem_shared>> -> memref<80x128xf32, #tpu.memory_space<vmem_shared>>
      tpu.enqueue_dma source(%arg8 : memref<80x128xf32, #tpu.memory_space<vmem>>) target(%dma_start3A_85 : memref<80x128xf32, #tpu.memory_space<vmem_shared>>) target_semaphore(%run_scoped3A_81 : memref<!tpu.dma_semaphore, #tpu.memory_space<semaphore_mem>>)
      %dma_wait3A_86 = arith.constant 0 : i32
      %dma_wait3A_87 = tpu.memref_slice %arg10[%add3A_22, %dma_wait3A_86] : memref<10008x128xf32, #tpu.memory_space<vmem_shared>> -> memref<80x128xf32, #tpu.memory_space<vmem_shared>>
      %dma_wait3A_88 = arith.constant 0 : i32
      %dma_wait3A_89 = tpu.memref_slice %arg10[%add3A_22, %dma_wait3A_88] : memref<10008x128xf32, #tpu.memory_space<vmem_shared>> -> memref<80x128xf32, #tpu.memory_space<vmem_shared>>
      tpu.wait_dma2 semaphore(%run_scoped3A_81 : memref<!tpu.dma_semaphore, #tpu.memory_space<semaphore_mem>>) src(%arg8 : memref<80x128xf32, #tpu.memory_space<vmem>>) dst(%dma_wait3A_89 : memref<80x128xf32, #tpu.memory_space<vmem_shared>>)
      tpu.yield
    }) : () -> ()
    %mul3A_23 = arith.constant 624 : i32
    %mul3A_24 = arith.muli %arg1, %mul3A_23 : i32
    %add3A_25 = arith.constant 320 : i32
    %add3A_26 = arith.addi %mul3A_24, %add3A_25 : i32
    "tpu.region"() ({
      %run_scoped3A_81 = tpu.sem_alloc : memref<!tpu.dma_semaphore, #tpu.memory_space<semaphore_mem>>
      %dma_start3A_82 = arith.constant 0 : i32
      %dma_start3A_83 = tpu.memref_slice %arg10[%add3A_26, %dma_start3A_82] : memref<10008x128xf32, #tpu.memory_space<vmem_shared>> -> memref<80x128xf32, #tpu.memory_space<vmem_shared>>
      %dma_start3A_84 = arith.constant 0 : i32
      %dma_start3A_85 = tpu.memref_slice %arg10[%add3A_26, %dma_start3A_84] : memref<10008x128xf32, #tpu.memory_space<vmem_shared>> -> memref<80x128xf32, #tpu.memory_space<vmem_shared>>
      tpu.enqueue_dma source(%arg8 : memref<80x128xf32, #tpu.memory_space<vmem>>) target(%dma_start3A_85 : memref<80x128xf32, #tpu.memory_space<vmem_shared>>) target_semaphore(%run_scoped3A_81 : memref<!tpu.dma_semaphore, #tpu.memory_space<semaphore_mem>>)
      %dma_wait3A_86 = arith.constant 0 : i32
      %dma_wait3A_87 = tpu.memref_slice %arg10[%add3A_26, %dma_wait3A_86] : memref<10008x128xf32, #tpu.memory_space<vmem_shared>> -> memref<80x128xf32, #tpu.memory_space<vmem_shared>>
      %dma_wait3A_88 = arith.constant 0 : i32
      %dma_wait3A_89 = tpu.memref_slice %arg10[%add3A_26, %dma_wait3A_88] : memref<10008x128xf32, #tpu.memory_space<vmem_shared>> -> memref<80x128xf32, #tpu.memory_space<vmem_shared>>
      tpu.wait_dma2 semaphore(%run_scoped3A_81 : memref<!tpu.dma_semaphore, #tpu.memory_space<semaphore_mem>>) src(%arg8 : memref<80x128xf32, #tpu.memory_space<vmem>>) dst(%dma_wait3A_89 : memref<80x128xf32, #tpu.memory_space<vmem_shared>>)
      tpu.yield
    }) : () -> ()
    %mul3A_27 = arith.constant 624 : i32
    %mul3A_28 = arith.muli %arg1, %mul3A_27 : i32
    %add3A_29 = arith.constant 400 : i32
    %add3A_30 = arith.addi %mul3A_28, %add3A_29 : i32
    "tpu.region"() ({
      %run_scoped3A_81 = tpu.sem_alloc : memref<!tpu.dma_semaphore, #tpu.memory_space<semaphore_mem>>
      %dma_start3A_82 = arith.constant 0 : i32
      %dma_start3A_83 = tpu.memref_slice %arg10[%add3A_30, %dma_start3A_82] : memref<10008x128xf32, #tpu.memory_space<vmem_shared>> -> memref<80x128xf32, #tpu.memory_space<vmem_shared>>
      %dma_start3A_84 = arith.constant 0 : i32
      %dma_start3A_85 = tpu.memref_slice %arg10[%add3A_30, %dma_start3A_84] : memref<10008x128xf32, #tpu.memory_space<vmem_shared>> -> memref<80x128xf32, #tpu.memory_space<vmem_shared>>
      tpu.enqueue_dma source(%arg8 : memref<80x128xf32, #tpu.memory_space<vmem>>) target(%dma_start3A_85 : memref<80x128xf32, #tpu.memory_space<vmem_shared>>) target_semaphore(%run_scoped3A_81 : memref<!tpu.dma_semaphore, #tpu.memory_space<semaphore_mem>>)
      %dma_wait3A_86 = arith.constant 0 : i32
      %dma_wait3A_87 = tpu.memref_slice %arg10[%add3A_30, %dma_wait3A_86] : memref<10008x128xf32, #tpu.memory_space<vmem_shared>> -> memref<80x128xf32, #tpu.memory_space<vmem_shared>>
      %dma_wait3A_88 = arith.constant 0 : i32
      %dma_wait3A_89 = tpu.memref_slice %arg10[%add3A_30, %dma_wait3A_88] : memref<10008x128xf32, #tpu.memory_space<vmem_shared>> -> memref<80x128xf32, #tpu.memory_space<vmem_shared>>
      tpu.wait_dma2 semaphore(%run_scoped3A_81 : memref<!tpu.dma_semaphore, #tpu.memory_space<semaphore_mem>>) src(%arg8 : memref<80x128xf32, #tpu.memory_space<vmem>>) dst(%dma_wait3A_89 : memref<80x128xf32, #tpu.memory_space<vmem_shared>>)
      tpu.yield
    }) : () -> ()
    %mul3A_31 = arith.constant 624 : i32
    %mul3A_32 = arith.muli %arg1, %mul3A_31 : i32
    %add3A_33 = arith.constant 480 : i32
    %add3A_34 = arith.addi %mul3A_32, %add3A_33 : i32
    "tpu.region"() ({
      %run_scoped3A_81 = tpu.sem_alloc : memref<!tpu.dma_semaphore, #tpu.memory_space<semaphore_mem>>
      %dma_start3A_82 = arith.constant 0 : i32
      %dma_start3A_83 = tpu.memref_slice %arg10[%add3A_34, %dma_start3A_82] : memref<10008x128xf32, #tpu.memory_space<vmem_shared>> -> memref<80x128xf32, #tpu.memory_space<vmem_shared>>
      %dma_start3A_84 = arith.constant 0 : i32
      %dma_start3A_85 = tpu.memref_slice %arg10[%add3A_34, %dma_start3A_84] : memref<10008x128xf32, #tpu.memory_space<vmem_shared>> -> memref<80x128xf32, #tpu.memory_space<vmem_shared>>
      tpu.enqueue_dma source(%arg8 : memref<80x128xf32, #tpu.memory_space<vmem>>) target(%dma_start3A_85 : memref<80x128xf32, #tpu.memory_space<vmem_shared>>) target_semaphore(%run_scoped3A_81 : memref<!tpu.dma_semaphore, #tpu.memory_space<semaphore_mem>>)
      %dma_wait3A_86 = arith.constant 0 : i32
      %dma_wait3A_87 = tpu.memref_slice %arg10[%add3A_34, %dma_wait3A_86] : memref<10008x128xf32, #tpu.memory_space<vmem_shared>> -> memref<80x128xf32, #tpu.memory_space<vmem_shared>>
      %dma_wait3A_88 = arith.constant 0 : i32
      %dma_wait3A_89 = tpu.memref_slice %arg10[%add3A_34, %dma_wait3A_88] : memref<10008x128xf32, #tpu.memory_space<vmem_shared>> -> memref<80x128xf32, #tpu.memory_space<vmem_shared>>
      tpu.wait_dma2 semaphore(%run_scoped3A_81 : memref<!tpu.dma_semaphore, #tpu.memory_space<semaphore_mem>>) src(%arg8 : memref<80x128xf32, #tpu.memory_space<vmem>>) dst(%dma_wait3A_89 : memref<80x128xf32, #tpu.memory_space<vmem_shared>>)
      tpu.yield
    }) : () -> ()
    %mul3A_35 = arith.constant 624 : i32
    %mul3A_36 = arith.muli %arg1, %mul3A_35 : i32
    %add3A_37 = arith.constant 560 : i32
    %add3A_38 = arith.addi %mul3A_36, %add3A_37 : i32
    "tpu.region"() ({
      %run_scoped3A_81 = tpu.sem_alloc : memref<!tpu.dma_semaphore, #tpu.memory_space<semaphore_mem>>
      %dma_start3A_82 = arith.constant 0 : i32
      %dma_start3A_83 = arith.constant 0 : i32
      %dma_start3A_84 = tpu.memref_slice %arg8[%dma_start3A_82, %dma_start3A_83] : memref<80x128xf32, #tpu.memory_space<vmem>> -> memref<64x128xf32, #tpu.memory_space<vmem>>
      %dma_start3A_85 = arith.constant 0 : i32
      %dma_start3A_86 = tpu.memref_slice %arg10[%add3A_38, %dma_start3A_85] : memref<10008x128xf32, #tpu.memory_space<vmem_shared>> -> memref<64x128xf32, #tpu.memory_space<vmem_shared>>
      %dma_start3A_87 = arith.constant 0 : i32
      %dma_start3A_88 = tpu.memref_slice %arg10[%add3A_38, %dma_start3A_87] : memref<10008x128xf32, #tpu.memory_space<vmem_shared>> -> memref<64x128xf32, #tpu.memory_space<vmem_shared>>
      %dma_start3A_89 = arith.constant 0 : i32
      %dma_start3A_90 = arith.constant 0 : i32
      %dma_start3A_91 = tpu.memref_slice %arg8[%dma_start3A_89, %dma_start3A_90] : memref<80x128xf32, #tpu.memory_space<vmem>> -> memref<64x128xf32, #tpu.memory_space<vmem>>
      tpu.enqueue_dma source(%dma_start3A_91 : memref<64x128xf32, #tpu.memory_space<vmem>>) target(%dma_start3A_88 : memref<64x128xf32, #tpu.memory_space<vmem_shared>>) target_semaphore(%run_scoped3A_81 : memref<!tpu.dma_semaphore, #tpu.memory_space<semaphore_mem>>)
      %dma_wait3A_92 = arith.constant 0 : i32
      %dma_wait3A_93 = arith.constant 0 : i32
      %dma_wait3A_94 = tpu.memref_slice %arg8[%dma_wait3A_92, %dma_wait3A_93] : memref<80x128xf32, #tpu.memory_space<vmem>> -> memref<64x128xf32, #tpu.memory_space<vmem>>
      %dma_wait3A_95 = arith.constant 0 : i32
      %dma_wait3A_96 = tpu.memref_slice %arg10[%add3A_38, %dma_wait3A_95] : memref<10008x128xf32, #tpu.memory_space<vmem_shared>> -> memref<64x128xf32, #tpu.memory_space<vmem_shared>>
      %dma_wait3A_97 = arith.constant 0 : i32
      %dma_wait3A_98 = tpu.memref_slice %arg10[%add3A_38, %dma_wait3A_97] : memref<10008x128xf32, #tpu.memory_space<vmem_shared>> -> memref<64x128xf32, #tpu.memory_space<vmem_shared>>
      %dma_wait3A_99 = arith.constant 0 : i32
      %dma_wait3A_100 = arith.constant 0 : i32
      %dma_wait3A_101 = tpu.memref_slice %arg8[%dma_wait3A_99, %dma_wait3A_100] : memref<80x128xf32, #tpu.memory_space<vmem>> -> memref<64x128xf32, #tpu.memory_space<vmem>>
      tpu.wait_dma2 semaphore(%run_scoped3A_81 : memref<!tpu.dma_semaphore, #tpu.memory_space<semaphore_mem>>) src(%dma_wait3A_101 : memref<64x128xf32, #tpu.memory_space<vmem>>) dst(%dma_wait3A_98 : memref<64x128xf32, #tpu.memory_space<vmem_shared>>)
      tpu.yield
    }) : () -> ()
    %eq3A = arith.constant 15 : i32
    %eq3A_39 = arith.cmpi eq, %arg1, %eq3A : i32
    %convert_element_type3A = arith.extui %eq3A_39 : i1 to i32
    %cond3A = arith.constant 0 : i32
    %cond3A_40 = arith.cmpi ne, %convert_element_type3A, %cond3A : i32
    scf.if %cond3A_40 {
      "tpu.region"() ({
        %run_scoped3A_81 = tpu.sem_alloc : memref<!tpu.dma_semaphore, #tpu.memory_space<semaphore_mem>>
        %dma_start3A_82 = arith.constant 0 : i32
        %dma_start3A_83 = arith.constant 0 : i32
        %dma_start3A_84 = tpu.memref_slice %arg8[%dma_start3A_82, %dma_start3A_83] : memref<80x128xf32, #tpu.memory_space<vmem>> -> memref<16x128xf32, #tpu.memory_space<vmem>>
        %dma_start3A_85 = arith.constant 9984 : i32
        %dma_start3A_86 = arith.constant 0 : i32
        %dma_start3A_87 = tpu.memref_slice %arg10[%dma_start3A_85, %dma_start3A_86] : memref<10008x128xf32, #tpu.memory_space<vmem_shared>> -> memref<16x128xf32, #tpu.memory_space<vmem_shared>>
        %dma_start3A_88 = arith.constant 9984 : i32
        %dma_start3A_89 = arith.constant 0 : i32
        %dma_start3A_90 = tpu.memref_slice %arg10[%dma_start3A_88, %dma_start3A_89] : memref<10008x128xf32, #tpu.memory_space<vmem_shared>> -> memref<16x128xf32, #tpu.memory_space<vmem_shared>>
        %dma_start3A_91 = arith.constant 0 : i32
        %dma_start3A_92 = arith.constant 0 : i32
        %dma_start3A_93 = tpu.memref_slice %arg8[%dma_start3A_91, %dma_start3A_92] : memref<80x128xf32, #tpu.memory_space<vmem>> -> memref<16x128xf32, #tpu.memory_space<vmem>>
        tpu.enqueue_dma source(%dma_start3A_93 : memref<16x128xf32, #tpu.memory_space<vmem>>) target(%dma_start3A_90 : memref<16x128xf32, #tpu.memory_space<vmem_shared>>) target_semaphore(%run_scoped3A_81 : memref<!tpu.dma_semaphore, #tpu.memory_space<semaphore_mem>>)
        %dma_wait3A_94 = arith.constant 0 : i32
        %dma_wait3A_95 = arith.constant 0 : i32
        %dma_wait3A_96 = tpu.memref_slice %arg8[%dma_wait3A_94, %dma_wait3A_95] : memref<80x128xf32, #tpu.memory_space<vmem>> -> memref<16x128xf32, #tpu.memory_space<vmem>>
        %dma_wait3A_97 = arith.constant 9984 : i32
        %dma_wait3A_98 = arith.constant 0 : i32
        %dma_wait3A_99 = tpu.memref_slice %arg10[%dma_wait3A_97, %dma_wait3A_98] : memref<10008x128xf32, #tpu.memory_space<vmem_shared>> -> memref<16x128xf32, #tpu.memory_space<vmem_shared>>
        %dma_wait3A_100 = arith.constant 9984 : i32
        %dma_wait3A_101 = arith.constant 0 : i32
        %dma_wait3A_102 = tpu.memref_slice %arg10[%dma_wait3A_100, %dma_wait3A_101] : memref<10008x128xf32, #tpu.memory_space<vmem_shared>> -> memref<16x128xf32, #tpu.memory_space<vmem_shared>>
        %dma_wait3A_103 = arith.constant 0 : i32
        %dma_wait3A_104 = arith.constant 0 : i32
        %dma_wait3A_105 = tpu.memref_slice %arg8[%dma_wait3A_103, %dma_wait3A_104] : memref<80x128xf32, #tpu.memory_space<vmem>> -> memref<16x128xf32, #tpu.memory_space<vmem>>
        tpu.wait_dma2 semaphore(%run_scoped3A_81 : memref<!tpu.dma_semaphore, #tpu.memory_space<semaphore_mem>>) src(%dma_wait3A_105 : memref<16x128xf32, #tpu.memory_space<vmem>>) dst(%dma_wait3A_102 : memref<16x128xf32, #tpu.memory_space<vmem_shared>>)
        tpu.yield
      }) : () -> ()
      "tpu.region"() ({
        %run_scoped3A_81 = tpu.sem_alloc : memref<!tpu.dma_semaphore, #tpu.memory_space<semaphore_mem>>
        %dma_start3A_82 = arith.constant 0 : i32
        %dma_start3A_83 = arith.constant 0 : i32
        %dma_start3A_84 = tpu.memref_slice %arg8[%dma_start3A_82, %dma_start3A_83] : memref<80x128xf32, #tpu.memory_space<vmem>> -> memref<8x128xf32, #tpu.memory_space<vmem>>
        %dma_start3A_85 = arith.constant 10000 : i32
        %dma_start3A_86 = arith.constant 0 : i32
        %dma_start3A_87 = tpu.memref_slice %arg10[%dma_start3A_85, %dma_start3A_86] : memref<10008x128xf32, #tpu.memory_space<vmem_shared>> -> memref<8x128xf32, #tpu.memory_space<vmem_shared>>
        %dma_start3A_88 = arith.constant 10000 : i32
        %dma_start3A_89 = arith.constant 0 : i32
        %dma_start3A_90 = tpu.memref_slice %arg10[%dma_start3A_88, %dma_start3A_89] : memref<10008x128xf32, #tpu.memory_space<vmem_shared>> -> memref<8x128xf32, #tpu.memory_space<vmem_shared>>
        %dma_start3A_91 = arith.constant 0 : i32
        %dma_start3A_92 = arith.constant 0 : i32
        %dma_start3A_93 = tpu.memref_slice %arg8[%dma_start3A_91, %dma_start3A_92] : memref<80x128xf32, #tpu.memory_space<vmem>> -> memref<8x128xf32, #tpu.memory_space<vmem>>
        tpu.enqueue_dma source(%dma_start3A_93 : memref<8x128xf32, #tpu.memory_space<vmem>>) target(%dma_start3A_90 : memref<8x128xf32, #tpu.memory_space<vmem_shared>>) target_semaphore(%run_scoped3A_81 : memref<!tpu.dma_semaphore, #tpu.memory_space<semaphore_mem>>)
        %dma_wait3A_94 = arith.constant 0 : i32
        %dma_wait3A_95 = arith.constant 0 : i32
        %dma_wait3A_96 = tpu.memref_slice %arg8[%dma_wait3A_94, %dma_wait3A_95] : memref<80x128xf32, #tpu.memory_space<vmem>> -> memref<8x128xf32, #tpu.memory_space<vmem>>
        %dma_wait3A_97 = arith.constant 10000 : i32
        %dma_wait3A_98 = arith.constant 0 : i32
        %dma_wait3A_99 = tpu.memref_slice %arg10[%dma_wait3A_97, %dma_wait3A_98] : memref<10008x128xf32, #tpu.memory_space<vmem_shared>> -> memref<8x128xf32, #tpu.memory_space<vmem_shared>>
        %dma_wait3A_100 = arith.constant 10000 : i32
        %dma_wait3A_101 = arith.constant 0 : i32
        %dma_wait3A_102 = tpu.memref_slice %arg10[%dma_wait3A_100, %dma_wait3A_101] : memref<10008x128xf32, #tpu.memory_space<vmem_shared>> -> memref<8x128xf32, #tpu.memory_space<vmem_shared>>
        %dma_wait3A_103 = arith.constant 0 : i32
        %dma_wait3A_104 = arith.constant 0 : i32
        %dma_wait3A_105 = tpu.memref_slice %arg8[%dma_wait3A_103, %dma_wait3A_104] : memref<80x128xf32, #tpu.memory_space<vmem>> -> memref<8x128xf32, #tpu.memory_space<vmem>>
        tpu.wait_dma2 semaphore(%run_scoped3A_81 : memref<!tpu.dma_semaphore, #tpu.memory_space<semaphore_mem>>) src(%dma_wait3A_105 : memref<8x128xf32, #tpu.memory_space<vmem>>) dst(%dma_wait3A_102 : memref<8x128xf32, #tpu.memory_space<vmem_shared>>)
        tpu.yield
      }) : () -> ()
    } else {
    }
    %mul3A_41 = arith.constant 10240 : i32
    %mul3A_42 = arith.muli %add3A, %mul3A_41 : i32
    "tpu.region"() ({
      %run_scoped3A_81 = tpu.sem_alloc : memref<!tpu.dma_semaphore, #tpu.memory_space<semaphore_mem>>
      %dma_start3A_82 = tpu.memref_slice %arg3[%mul3A_42] : memref<327680xi32, #tpu.memory_space<hbm>> -> memref<10240xi32, #tpu.memory_space<hbm>>
      %dma_start3A_83 = tpu.memref_slice %arg3[%mul3A_42] : memref<327680xi32, #tpu.memory_space<hbm>> -> memref<10240xi32, #tpu.memory_space<hbm>>
      tpu.enqueue_dma source(%dma_start3A_83 : memref<10240xi32, #tpu.memory_space<hbm>>) target(%arg6 : memref<10240xi32, #tpu.memory_space<vmem>>) target_semaphore(%run_scoped3A_81 : memref<!tpu.dma_semaphore, #tpu.memory_space<semaphore_mem>>)
      %dma_wait3A_84 = tpu.memref_slice %arg3[%mul3A_42] : memref<327680xi32, #tpu.memory_space<hbm>> -> memref<10240xi32, #tpu.memory_space<hbm>>
      %dma_wait3A_85 = tpu.memref_slice %arg3[%mul3A_42] : memref<327680xi32, #tpu.memory_space<hbm>> -> memref<10240xi32, #tpu.memory_space<hbm>>
      tpu.wait_dma2 semaphore(%run_scoped3A_81 : memref<!tpu.dma_semaphore, #tpu.memory_space<semaphore_mem>>) src(%dma_wait3A_85 : memref<10240xi32, #tpu.memory_space<hbm>>) dst(%arg6 : memref<10240xi32, #tpu.memory_space<vmem>>)
      tpu.yield
    }) : () -> ()
    %mul3A_43 = arith.constant 128 : i32
    %mul3A_44 = arith.muli %add3A, %mul3A_43 : i32
    "tpu.region"() ({
      %run_scoped3A_81 = tpu.sem_alloc : memref<!tpu.dma_semaphore, #tpu.memory_space<semaphore_mem>>
      %dma_start3A_82 = arith.constant 0 : i32
      %dma_start3A_83 = tpu.memref_slice %arg4[%mul3A_44, %dma_start3A_82] : memref<4096x80xi32, #tpu.memory_space<hbm>> -> memref<128x80xi32, #tpu.memory_space<hbm>>
      %dma_start3A_84 = arith.constant 0 : i32
      %dma_start3A_85 = tpu.memref_slice %arg4[%mul3A_44, %dma_start3A_84] : memref<4096x80xi32, #tpu.memory_space<hbm>> -> memref<128x80xi32, #tpu.memory_space<hbm>>
      tpu.enqueue_dma source(%dma_start3A_85 : memref<128x80xi32, #tpu.memory_space<hbm>>) target(%arg7 : memref<128x80xi32, #tpu.memory_space<vmem>>) target_semaphore(%run_scoped3A_81 : memref<!tpu.dma_semaphore, #tpu.memory_space<semaphore_mem>>)
      %dma_wait3A_86 = arith.constant 0 : i32
      %dma_wait3A_87 = tpu.memref_slice %arg4[%mul3A_44, %dma_wait3A_86] : memref<4096x80xi32, #tpu.memory_space<hbm>> -> memref<128x80xi32, #tpu.memory_space<hbm>>
      %dma_wait3A_88 = arith.constant 0 : i32
      %dma_wait3A_89 = tpu.memref_slice %arg4[%mul3A_44, %dma_wait3A_88] : memref<4096x80xi32, #tpu.memory_space<hbm>> -> memref<128x80xi32, #tpu.memory_space<hbm>>
      tpu.wait_dma2 semaphore(%run_scoped3A_81 : memref<!tpu.dma_semaphore, #tpu.memory_space<semaphore_mem>>) src(%dma_wait3A_89 : memref<128x80xi32, #tpu.memory_space<hbm>>) dst(%arg7 : memref<128x80xi32, #tpu.memory_space<vmem>>)
      tpu.yield
    }) : () -> ()
    %barrier3A = arith.constant 0 : index
    tpu.barrier barrier_id(%barrier3A)
    %dma_start3A = arith.constant 0 : i32
    %dma_start3A_45 = arith.constant 0 : i32
    %dma_start3A_46 = tpu.memref_slice %arg6[%dma_start3A_45] : memref<10240xi32, #tpu.memory_space<vmem>> -> memref<80xi32, #tpu.memory_space<vmem>>
    %dma_start3A_47 = arith.constant 0 : i32
    %dma_start3A_48 = arith.constant 0 : i32
    %dma_start3A_49 = tpu.memref_slice %arg2[%dma_start3A_47, %dma_start3A_48] : memref<10000x128xf32, #tpu.memory_space<hbm>> -> memref<10000x128xf32, #tpu.memory_space<hbm>>
    %dma_start3A_50 = tpu.memref_slice %arg11[%dma_start3A] : memref<2x!tpu.dma_semaphore, #tpu.memory_space<semaphore_mem>> -> memref<1x!tpu.dma_semaphore, #tpu.memory_space<semaphore_mem>>
    %dma_start3A_51 = tpu.memref_squeeze %dma_start3A_50 : memref<1x!tpu.dma_semaphore, #tpu.memory_space<semaphore_mem>> -> memref<!tpu.dma_semaphore, #tpu.memory_space<semaphore_mem>>
    tpu.enqueue_indirect_dma source(%dma_start3A_49 : memref<10000x128xf32, #tpu.memory_space<hbm>>) target(%arg8 : memref<80x128xf32, #tpu.memory_space<vmem>>) offsets(%dma_start3A_46 : memref<80xi32, #tpu.memory_space<vmem>>) semaphore(%dma_start3A_51 : memref<!tpu.dma_semaphore, #tpu.memory_space<semaphore_mem>>)
    %scan3A_52 = arith.constant 1 : i32
    %scan3A_53 = arith.constant 0 : i32
    %scan3A_54 = arith.constant 0 : i32
    %scan3A_55 = arith.constant 0 : i32
    %scan3A_56 = arith.constant 62 : i32
    %scan3A_57 = arith.addi %scan3A_55, %scan3A_56 : i32
    %scan3A_58 = arith.constant 1 : i32
    %scan3A_59 = scf.for %scan3A_81 = %scan3A_55 to %scan3A_57 step %scan3A_58 iter_args(%scan3A_82 = %scan3A_54) -> (i32)  : i32 {
      %mul3A_83 = arith.constant 2 : i32
      %mul3A_84 = arith.muli %mul3A_83, %scan3A_81 : i32
      %add3A_85 = arith.constant 1 : i32
      %add3A_86 = arith.addi %mul3A_84, %add3A_85 : i32
      %mul3A_87 = arith.constant 80 : i32
      %mul3A_88 = arith.muli %add3A_86, %mul3A_87 : i32
      %dma_start3A_89 = tpu.memref_slice %arg6[%mul3A_88] : memref<10240xi32, #tpu.memory_space<vmem>> -> memref<80xi32, #tpu.memory_space<vmem>>
      %dma_start3A_90 = arith.constant 0 : i32
      %dma_start3A_91 = arith.constant 0 : i32
      %dma_start3A_92 = tpu.memref_slice %arg2[%dma_start3A_90, %dma_start3A_91] : memref<10000x128xf32, #tpu.memory_space<hbm>> -> memref<10000x128xf32, #tpu.memory_space<hbm>>
      %dma_start3A_93 = tpu.memref_slice %arg11[%scan3A_52] : memref<2x!tpu.dma_semaphore, #tpu.memory_space<semaphore_mem>> -> memref<1x!tpu.dma_semaphore, #tpu.memory_space<semaphore_mem>>
      %dma_start3A_94 = tpu.memref_squeeze %dma_start3A_93 : memref<1x!tpu.dma_semaphore, #tpu.memory_space<semaphore_mem>> -> memref<!tpu.dma_semaphore, #tpu.memory_space<semaphore_mem>>
      tpu.enqueue_indirect_dma source(%dma_start3A_92 : memref<10000x128xf32, #tpu.memory_space<hbm>>) target(%arg9 : memref<80x128xf32, #tpu.memory_space<vmem>>) offsets(%dma_start3A_89 : memref<80xi32, #tpu.memory_space<vmem>>) semaphore(%dma_start3A_94 : memref<!tpu.dma_semaphore, #tpu.memory_space<semaphore_mem>>)
      %mul3A_95 = arith.constant 80 : i32
      %mul3A_96 = arith.muli %mul3A_84, %mul3A_95 : i32
      %dma_wait3A_97 = tpu.memref_slice %arg6[%mul3A_96] : memref<10240xi32, #tpu.memory_space<vmem>> -> memref<80xi32, #tpu.memory_space<vmem>>
      %dma_wait3A_98 = arith.constant 0 : i32
      %dma_wait3A_99 = arith.constant 0 : i32
      %dma_wait3A_100 = tpu.memref_slice %arg2[%dma_wait3A_98, %dma_wait3A_99] : memref<10000x128xf32, #tpu.memory_space<hbm>> -> memref<10000x128xf32, #tpu.memory_space<hbm>>
      %dma_wait3A_101 = tpu.memref_slice %arg11[%scan3A_53] : memref<2x!tpu.dma_semaphore, #tpu.memory_space<semaphore_mem>> -> memref<1x!tpu.dma_semaphore, #tpu.memory_space<semaphore_mem>>
      %dma_wait3A_102 = tpu.memref_squeeze %dma_wait3A_101 : memref<1x!tpu.dma_semaphore, #tpu.memory_space<semaphore_mem>> -> memref<!tpu.dma_semaphore, #tpu.memory_space<semaphore_mem>>
      tpu.wait_indirect_dma semaphore(%dma_wait3A_102 : memref<!tpu.dma_semaphore, #tpu.memory_space<semaphore_mem>>) src(%dma_wait3A_100 : memref<10000x128xf32, #tpu.memory_space<hbm>>) dst(%arg8 : memref<80x128xf32, #tpu.memory_space<vmem>>)
      "tpu.region"() ({
        %run_scoped3A_126 = tpu.sem_alloc : memref<!tpu.dma_semaphore, #tpu.memory_space<semaphore_mem>>
        %dma_start3A_127 = arith.constant 0 : i32
        %dma_start3A_128 = tpu.memref_slice %arg7[%mul3A_84, %dma_start3A_127] : memref<128x80xi32, #tpu.memory_space<vmem>> -> memref<1x80xi32, #tpu.memory_space<vmem>>
        %dma_start3A_129 = tpu.memref_squeeze %dma_start3A_128 : memref<1x80xi32, #tpu.memory_space<vmem>> -> memref<80xi32, #tpu.memory_space<vmem>>
        %dma_start3A_130 = arith.constant 0 : i32
        %dma_start3A_131 = arith.constant 0 : i32
        %dma_start3A_132 = tpu.memref_slice %arg10[%dma_start3A_130, %dma_start3A_131] : memref<10008x128xf32, #tpu.memory_space<vmem_shared>> -> memref<10008x128xf32, #tpu.memory_space<vmem_shared>>
        tpu.enqueue_indirect_dma source(%arg8 : memref<80x128xf32, #tpu.memory_space<vmem>>) target(%dma_start3A_132 : memref<10008x128xf32, #tpu.memory_space<vmem_shared>>) offsets(%dma_start3A_129 : memref<80xi32, #tpu.memory_space<vmem>>) semaphore(%run_scoped3A_126 : memref<!tpu.dma_semaphore, #tpu.memory_space<semaphore_mem>>) {add = true}
        %dma_wait3A_133 = arith.constant 0 : i32
        %dma_wait3A_134 = tpu.memref_slice %arg7[%mul3A_84, %dma_wait3A_133] : memref<128x80xi32, #tpu.memory_space<vmem>> -> memref<1x80xi32, #tpu.memory_space<vmem>>
        %dma_wait3A_135 = tpu.memref_squeeze %dma_wait3A_134 : memref<1x80xi32, #tpu.memory_space<vmem>> -> memref<80xi32, #tpu.memory_space<vmem>>
        %dma_wait3A_136 = arith.constant 0 : i32
        %dma_wait3A_137 = arith.constant 0 : i32
        %dma_wait3A_138 = tpu.memref_slice %arg10[%dma_wait3A_136, %dma_wait3A_137] : memref<10008x128xf32, #tpu.memory_space<vmem_shared>> -> memref<10008x128xf32, #tpu.memory_space<vmem_shared>>
        tpu.wait_indirect_dma semaphore(%run_scoped3A_126 : memref<!tpu.dma_semaphore, #tpu.memory_space<semaphore_mem>>) src(%arg8 : memref<80x128xf32, #tpu.memory_space<vmem>>) dst(%dma_wait3A_138 : memref<10008x128xf32, #tpu.memory_space<vmem_shared>>)
        tpu.yield
      }) : () -> ()
      %add3A_103 = arith.constant 2 : i32
      %add3A_104 = arith.addi %mul3A_84, %add3A_103 : i32
      %mul3A_105 = arith.constant 80 : i32
      %mul3A_106 = arith.muli %add3A_104, %mul3A_105 : i32
      %dma_start3A_107 = tpu.memref_slice %arg6[%mul3A_106] : memref<10240xi32, #tpu.memory_space<vmem>> -> memref<80xi32, #tpu.memory_space<vmem>>
      %dma_start3A_108 = arith.constant 0 : i32
      %dma_start3A_109 = arith.constant 0 : i32
      %dma_start3A_110 = tpu.memref_slice %arg2[%dma_start3A_108, %dma_start3A_109] : memref<10000x128xf32, #tpu.memory_space<hbm>> -> memref<10000x128xf32, #tpu.memory_space<hbm>>
      %dma_start3A_111 = tpu.memref_slice %arg11[%scan3A_53] : memref<2x!tpu.dma_semaphore, #tpu.memory_space<semaphore_mem>> -> memref<1x!tpu.dma_semaphore, #tpu.memory_space<semaphore_mem>>
      %dma_start3A_112 = tpu.memref_squeeze %dma_start3A_111 : memref<1x!tpu.dma_semaphore, #tpu.memory_space<semaphore_mem>> -> memref<!tpu.dma_semaphore, #tpu.memory_space<semaphore_mem>>
      tpu.enqueue_indirect_dma source(%dma_start3A_110 : memref<10000x128xf32, #tpu.memory_space<hbm>>) target(%arg8 : memref<80x128xf32, #tpu.memory_space<vmem>>) offsets(%dma_start3A_107 : memref<80xi32, #tpu.memory_space<vmem>>) semaphore(%dma_start3A_112 : memref<!tpu.dma_semaphore, #tpu.memory_space<semaphore_mem>>)
      %add3A_113 = arith.constant 1 : i32
      %add3A_114 = arith.addi %mul3A_84, %add3A_113 : i32
      %mul3A_115 = arith.constant 80 : i32
      %mul3A_116 = arith.muli %add3A_114, %mul3A_115 : i32
      %dma_wait3A_117 = tpu.memref_slice %arg6[%mul3A_116] : memref<10240xi32, #tpu.memory_space<vmem>> -> memref<80xi32, #tpu.memory_space<vmem>>
      %dma_wait3A_118 = arith.constant 0 : i32
      %dma_wait3A_119 = arith.constant 0 : i32
      %dma_wait3A_120 = tpu.memref_slice %arg2[%dma_wait3A_118, %dma_wait3A_119] : memref<10000x128xf32, #tpu.memory_space<hbm>> -> memref<10000x128xf32, #tpu.memory_space<hbm>>
      %dma_wait3A_121 = tpu.memref_slice %arg11[%scan3A_52] : memref<2x!tpu.dma_semaphore, #tpu.memory_space<semaphore_mem>> -> memref<1x!tpu.dma_semaphore, #tpu.memory_space<semaphore_mem>>
      %dma_wait3A_122 = tpu.memref_squeeze %dma_wait3A_121 : memref<1x!tpu.dma_semaphore, #tpu.memory_space<semaphore_mem>> -> memref<!tpu.dma_semaphore, #tpu.memory_space<semaphore_mem>>
      tpu.wait_indirect_dma semaphore(%dma_wait3A_122 : memref<!tpu.dma_semaphore, #tpu.memory_space<semaphore_mem>>) src(%dma_wait3A_120 : memref<10000x128xf32, #tpu.memory_space<hbm>>) dst(%arg9 : memref<80x128xf32, #tpu.memory_space<vmem>>)
      %add3A_123 = arith.constant 1 : i32
      %add3A_124 = arith.addi %mul3A_84, %add3A_123 : i32
      "tpu.region"() ({
        %run_scoped3A_126 = tpu.sem_alloc : memref<!tpu.dma_semaphore, #tpu.memory_space<semaphore_mem>>
        %dma_start3A_127 = arith.constant 0 : i32
        %dma_start3A_128 = tpu.memref_slice %arg7[%add3A_124, %dma_start3A_127] : memref<128x80xi32, #tpu.memory_space<vmem>> -> memref<1x80xi32, #tpu.memory_space<vmem>>
        %dma_start3A_129 = tpu.memref_squeeze %dma_start3A_128 : memref<1x80xi32, #tpu.memory_space<vmem>> -> memref<80xi32, #tpu.memory_space<vmem>>
        %dma_start3A_130 = arith.constant 0 : i32
        %dma_start3A_131 = arith.constant 0 : i32
        %dma_start3A_132 = tpu.memref_slice %arg10[%dma_start3A_130, %dma_start3A_131] : memref<10008x128xf32, #tpu.memory_space<vmem_shared>> -> memref<10008x128xf32, #tpu.memory_space<vmem_shared>>
        tpu.enqueue_indirect_dma source(%arg9 : memref<80x128xf32, #tpu.memory_space<vmem>>) target(%dma_start3A_132 : memref<10008x128xf32, #tpu.memory_space<vmem_shared>>) offsets(%dma_start3A_129 : memref<80xi32, #tpu.memory_space<vmem>>) semaphore(%run_scoped3A_126 : memref<!tpu.dma_semaphore, #tpu.memory_space<semaphore_mem>>) {add = true}
        %dma_wait3A_133 = arith.constant 0 : i32
        %dma_wait3A_134 = tpu.memref_slice %arg7[%add3A_124, %dma_wait3A_133] : memref<128x80xi32, #tpu.memory_space<vmem>> -> memref<1x80xi32, #tpu.memory_space<vmem>>
        %dma_wait3A_135 = tpu.memref_squeeze %dma_wait3A_134 : memref<1x80xi32, #tpu.memory_space<vmem>> -> memref<80xi32, #tpu.memory_space<vmem>>
        %dma_wait3A_136 = arith.constant 0 : i32
        %dma_wait3A_137 = arith.constant 0 : i32
        %dma_wait3A_138 = tpu.memref_slice %arg10[%dma_wait3A_136, %dma_wait3A_137] : memref<10008x128xf32, #tpu.memory_space<vmem_shared>> -> memref<10008x128xf32, #tpu.memory_space<vmem_shared>>
        tpu.wait_indirect_dma semaphore(%run_scoped3A_126 : memref<!tpu.dma_semaphore, #tpu.memory_space<semaphore_mem>>) src(%arg9 : memref<80x128xf32, #tpu.memory_space<vmem>>) dst(%dma_wait3A_138 : memref<10008x128xf32, #tpu.memory_space<vmem_shared>>)
        tpu.yield
      }) : () -> ()
      %scan3A_125 = arith.constant 0 : i32
      scf.yield %scan3A_125 : i32
    }
    %scan3A_60 = arith.constant 62 : i32
    %dma_wait3A = arith.constant 0 : i32
    %dma_wait3A_61 = arith.constant 9920 : i32
    %dma_wait3A_62 = tpu.memref_slice %arg6[%dma_wait3A_61] : memref<10240xi32, #tpu.memory_space<vmem>> -> memref<80xi32, #tpu.memory_space<vmem>>
    %dma_wait3A_63 = arith.constant 0 : i32
    %dma_wait3A_64 = arith.constant 0 : i32
    %dma_wait3A_65 = tpu.memref_slice %arg2[%dma_wait3A_63, %dma_wait3A_64] : memref<10000x128xf32, #tpu.memory_space<hbm>> -> memref<10000x128xf32, #tpu.memory_space<hbm>>
    %dma_wait3A_66 = tpu.memref_slice %arg11[%dma_wait3A] : memref<2x!tpu.dma_semaphore, #tpu.memory_space<semaphore_mem>> -> memref<1x!tpu.dma_semaphore, #tpu.memory_space<semaphore_mem>>
    %dma_wait3A_67 = tpu.memref_squeeze %dma_wait3A_66 : memref<1x!tpu.dma_semaphore, #tpu.memory_space<semaphore_mem>> -> memref<!tpu.dma_semaphore, #tpu.memory_space<semaphore_mem>>
    tpu.wait_indirect_dma semaphore(%dma_wait3A_67 : memref<!tpu.dma_semaphore, #tpu.memory_space<semaphore_mem>>) src(%dma_wait3A_65 : memref<10000x128xf32, #tpu.memory_space<hbm>>) dst(%arg8 : memref<80x128xf32, #tpu.memory_space<vmem>>)
    %run_scoped3A = arith.constant 124 : i32
    "tpu.region"() ({
      %run_scoped3A_81 = tpu.sem_alloc : memref<!tpu.dma_semaphore, #tpu.memory_space<semaphore_mem>>
      %dma_start3A_82 = arith.constant 0 : i32
      %dma_start3A_83 = tpu.memref_slice %arg7[%run_scoped3A, %dma_start3A_82] : memref<128x80xi32, #tpu.memory_space<vmem>> -> memref<1x80xi32, #tpu.memory_space<vmem>>
      %dma_start3A_84 = tpu.memref_squeeze %dma_start3A_83 : memref<1x80xi32, #tpu.memory_space<vmem>> -> memref<80xi32, #tpu.memory_space<vmem>>
      %dma_start3A_85 = arith.constant 0 : i32
      %dma_start3A_86 = arith.constant 0 : i32
      %dma_start3A_87 = tpu.memref_slice %arg10[%dma_start3A_85, %dma_start3A_86] : memref<10008x128xf32, #tpu.memory_space<vmem_shared>> -> memref<10008x128xf32, #tpu.memory_space<vmem_shared>>
      tpu.enqueue_indirect_dma source(%arg8 : memref<80x128xf32, #tpu.memory_space<vmem>>) target(%dma_start3A_87 : memref<10008x128xf32, #tpu.memory_space<vmem_shared>>) offsets(%dma_start3A_84 : memref<80xi32, #tpu.memory_space<vmem>>) semaphore(%run_scoped3A_81 : memref<!tpu.dma_semaphore, #tpu.memory_space<semaphore_mem>>) {add = true}
      %dma_wait3A_88 = arith.constant 0 : i32
      %dma_wait3A_89 = tpu.memref_slice %arg7[%run_scoped3A, %dma_wait3A_88] : memref<128x80xi32, #tpu.memory_space<vmem>> -> memref<1x80xi32, #tpu.memory_space<vmem>>
      %dma_wait3A_90 = tpu.memref_squeeze %dma_wait3A_89 : memref<1x80xi32, #tpu.memory_space<vmem>> -> memref<80xi32, #tpu.memory_space<vmem>>
      %dma_wait3A_91 = arith.constant 0 : i32
      %dma_wait3A_92 = arith.constant 0 : i32
      %dma_wait3A_93 = tpu.memref_slice %arg10[%dma_wait3A_91, %dma_wait3A_92] : memref<10008x128xf32, #tpu.memory_space<vmem_shared>> -> memref<10008x128xf32, #tpu.memory_space<vmem_shared>>
      tpu.wait_indirect_dma semaphore(%run_scoped3A_81 : memref<!tpu.dma_semaphore, #tpu.memory_space<semaphore_mem>>) src(%arg8 : memref<80x128xf32, #tpu.memory_space<vmem>>) dst(%dma_wait3A_93 : memref<10008x128xf32, #tpu.memory_space<vmem_shared>>)
      tpu.yield
    }) : () -> ()
    %barrier3A_68 = arith.constant 0 : index
    tpu.barrier barrier_id(%barrier3A_68)
    %mul3A_69 = arith.constant 624 : i32
    %mul3A_70 = arith.muli %arg1, %mul3A_69 : i32
    %mul3A_71 = arith.constant 10000 : i32
    %mul3A_72 = arith.muli %arg0, %mul3A_71 : i32
    %mul3A_73 = arith.constant 624 : i32
    %mul3A_74 = arith.muli %arg1, %mul3A_73 : i32
    %add3A_75 = arith.addi %mul3A_72, %mul3A_74 : i32
    "tpu.region"() ({
      %run_scoped3A_81 = tpu.sem_alloc : memref<!tpu.dma_semaphore, #tpu.memory_space<semaphore_mem>>
      %dma_start3A_82 = arith.constant 0 : i32
      %dma_start3A_83 = tpu.memref_slice %arg5[%add3A_75, %dma_start3A_82] : memref<20000x128xf32, #tpu.memory_space<hbm>> -> memref<624x128xf32, #tpu.memory_space<hbm>>
      %dma_start3A_84 = arith.constant 0 : i32
      %dma_start3A_85 = tpu.memref_slice %arg10[%mul3A_70, %dma_start3A_84] : memref<10008x128xf32, #tpu.memory_space<vmem_shared>> -> memref<624x128xf32, #tpu.memory_space<vmem_shared>>
      tpu.enqueue_dma source(%dma_start3A_85 : memref<624x128xf32, #tpu.memory_space<vmem_shared>>) target(%dma_start3A_83 : memref<624x128xf32, #tpu.memory_space<hbm>>) target_semaphore(%run_scoped3A_81 : memref<!tpu.dma_semaphore, #tpu.memory_space<semaphore_mem>>)
      %dma_wait3A_86 = arith.constant 0 : i32
      %dma_wait3A_87 = tpu.memref_slice %arg5[%add3A_75, %dma_wait3A_86] : memref<20000x128xf32, #tpu.memory_space<hbm>> -> memref<624x128xf32, #tpu.memory_space<hbm>>
      %dma_wait3A_88 = arith.constant 0 : i32
      %dma_wait3A_89 = tpu.memref_slice %arg10[%mul3A_70, %dma_wait3A_88] : memref<10008x128xf32, #tpu.memory_space<vmem_shared>> -> memref<624x128xf32, #tpu.memory_space<vmem_shared>>
      tpu.wait_dma2 semaphore(%run_scoped3A_81 : memref<!tpu.dma_semaphore, #tpu.memory_space<semaphore_mem>>) src(%dma_wait3A_89 : memref<624x128xf32, #tpu.memory_space<vmem_shared>>) dst(%dma_wait3A_87 : memref<624x128xf32, #tpu.memory_space<hbm>>)
      tpu.yield
    }) : () -> ()
    %eq3A_76 = arith.constant 15 : i32
    %eq3A_77 = arith.cmpi eq, %arg1, %eq3A_76 : i32
    %convert_element_type3A_78 = arith.extui %eq3A_77 : i1 to i32
    %cond3A_79 = arith.constant 0 : i32
    %cond3A_80 = arith.cmpi ne, %convert_element_type3A_78, %cond3A_79 : i32
    scf.if %cond3A_80 {
      %mul3A_81 = arith.constant 10000 : i32
      %mul3A_82 = arith.muli %arg0, %mul3A_81 : i32
      %add3A_83 = arith.constant 9984 : i32
      %add3A_84 = arith.addi %mul3A_82, %add3A_83 : i32
      "tpu.region"() ({
        %run_scoped3A_85 = tpu.sem_alloc : memref<!tpu.dma_semaphore, #tpu.memory_space<semaphore_mem>>
        %dma_start3A_86 = arith.constant 0 : i32
        %dma_start3A_87 = tpu.memref_slice %arg5[%add3A_84, %dma_start3A_86] : memref<20000x128xf32, #tpu.memory_space<hbm>> -> memref<16x128xf32, #tpu.memory_space<hbm>>
        %dma_start3A_88 = arith.constant 9984 : i32
        %dma_start3A_89 = arith.constant 0 : i32
        %dma_start3A_90 = tpu.memref_slice %arg10[%dma_start3A_88, %dma_start3A_89] : memref<10008x128xf32, #tpu.memory_space<vmem_shared>> -> memref<16x128xf32, #tpu.memory_space<vmem_shared>>
        tpu.enqueue_dma source(%dma_start3A_90 : memref<16x128xf32, #tpu.memory_space<vmem_shared>>) target(%dma_start3A_87 : memref<16x128xf32, #tpu.memory_space<hbm>>) target_semaphore(%run_scoped3A_85 : memref<!tpu.dma_semaphore, #tpu.memory_space<semaphore_mem>>)
        %dma_wait3A_91 = arith.constant 0 : i32
        %dma_wait3A_92 = tpu.memref_slice %arg5[%add3A_84, %dma_wait3A_91] : memref<20000x128xf32, #tpu.memory_space<hbm>> -> memref<16x128xf32, #tpu.memory_space<hbm>>
        %dma_wait3A_93 = arith.constant 9984 : i32
        %dma_wait3A_94 = arith.constant 0 : i32
        %dma_wait3A_95 = tpu.memref_slice %arg10[%dma_wait3A_93, %dma_wait3A_94] : memref<10008x128xf32, #tpu.memory_space<vmem_shared>> -> memref<16x128xf32, #tpu.memory_space<vmem_shared>>
        tpu.wait_dma2 semaphore(%run_scoped3A_85 : memref<!tpu.dma_semaphore, #tpu.memory_space<semaphore_mem>>) src(%dma_wait3A_95 : memref<16x128xf32, #tpu.memory_space<vmem_shared>>) dst(%dma_wait3A_92 : memref<16x128xf32, #tpu.memory_space<hbm>>)
        tpu.yield
      }) : () -> ()
    } else {
    }
    return
  }
}

#map = affine_map<(d0, d1) -> (0, 0)>
#map1 = affine_map<(d0, d1) -> (0)>
module attributes {stable_mosaic.version = 14 : i64} {
  func.func @agg_k(%arg0: i32, %arg1: i32, %arg2: memref<10000x128xf32, #tpu.memory_space<hbm>>, %arg3: memref<327680xi32, #tpu.memory_space<hbm>>, %arg4: memref<4096x80xi32, #tpu.memory_space<hbm>>, %arg5: memref<20000x128xf32, #tpu.memory_space<hbm>>, %arg6: memref<10240xi32, #tpu.memory_space<vmem>>, %arg7: memref<128x80xi32, #tpu.memory_space<vmem>>, %arg8: memref<80x128xf32, #tpu.memory_space<vmem>>, %arg9: memref<80x128xf32, #tpu.memory_space<vmem>>, %arg10: memref<10008x128xf32, #tpu.memory_space<vmem_shared>>, %arg11: memref<2x!tpu.dma_semaphore, #tpu.memory_space<semaphore_mem>>) attributes {dimension_semantics = [#tpu.dimension_semantics<core_parallel>, #tpu.dimension_semantics<subcore_parallel>], iteration_bounds = array<i64: 2, 16>, scalar_prefetch = 0 : i64, scratch_operands = 6 : i64, tpu.core_type = #tpu.core_type<sc_vector_subcore>, window_params = [{transform_indices = #map}, {transform_indices = #map1}, {transform_indices = #map}, {transform_indices = #map}]} {
    %mul3A = arith.constant 16 : i32
    %mul3A_0 = arith.muli %arg0, %mul3A : i32
    %add3A = arith.addi %mul3A_0, %arg1 : i32
    %scan3A = arith.constant 0 : i32
    %scan3A_1 = arith.constant 0 : i32
    %scan3A_2 = arith.constant 80 : i32
    %scan3A_3 = arith.addi %scan3A_1, %scan3A_2 : i32
    %scan3A_4 = arith.constant 1 : i32
    %scan3A_5 = scf.for %scan3A_81 = %scan3A_1 to %scan3A_3 step %scan3A_4 iter_args(%scan3A_82 = %scan3A) -> (i32)  : i32 {
      %broadcast_in_dim3A = arith.constant 0.000000e+00 : f32
      %broadcast_in_dim3A_83 = vector.broadcast %broadcast_in_dim3A : f32 to vector<16xf32>
      %swap3A = arith.index_cast %scan3A_81 : i32 to index
      %swap3A_84 = arith.constant 0 : index
      %swap3A_85 = tpu.vector_load %arg8[%swap3A, %swap3A_84] {strides = array<i32>} : memref<80x128xf32, #tpu.memory_space<vmem>>, vector<1x16xf32>,
      %swap3A_86 = vector.shape_cast %swap3A_85 : vector<1x16xf32> to vector<16xf32>
      %swap3A_87 = vector.shape_cast %broadcast_in_dim3A_83 : vector<16xf32> to vector<1x16xf32>
      tpu.vector_store %arg8[%swap3A, %swap3A_84], %swap3A_87 {strides = array<i32>} : memref<80x128xf32, #tpu.memory_space<vmem>>, vector<1x16xf32>,
      %broadcast_in_dim3A_88 = arith.constant 0.000000e+00 : f32
      %broadcast_in_dim3A_89 = vector.broadcast %broadcast_in_dim3A_88 : f32 to vector<16xf32>
      %swap3A_90 = arith.index_cast %scan3A_81 : i32 to index
      %swap3A_91 = arith.constant 16 : index
      %swap3A_92 = tpu.vector_load %arg8[%swap3A_90, %swap3A_91] {strides = array<i32>} : memref<80x128xf32, #tpu.memory_space<vmem>>, vector<1x16xf32>,
      %swap3A_93 = vector.shape_cast %swap3A_92 : vector<1x16xf32> to vector<16xf32>
      %swap3A_94 = vector.shape_cast %broadcast_in_dim3A_89 : vector<16xf32> to vector<1x16xf32>
      tpu.vector_store %arg8[%swap3A_90, %swap3A_91], %swap3A_94 {strides = array<i32>} : memref<80x128xf32, #tpu.memory_space<vmem>>, vector<1x16xf32>,
      %broadcast_in_dim3A_95 = arith.constant 0.000000e+00 : f32
      %broadcast_in_dim3A_96 = vector.broadcast %broadcast_in_dim3A_95 : f32 to vector<16xf32>
      %swap3A_97 = arith.index_cast %scan3A_81 : i32 to index
      %swap3A_98 = arith.constant 32 : index
      %swap3A_99 = tpu.vector_load %arg8[%swap3A_97, %swap3A_98] {strides = array<i32>} : memref<80x128xf32, #tpu.memory_space<vmem>>, vector<1x16xf32>,
      %swap3A_100 = vector.shape_cast %swap3A_99 : vector<1x16xf32> to vector<16xf32>
      %swap3A_101 = vector.shape_cast %broadcast_in_dim3A_96 : vector<16xf32> to vector<1x16xf32>
      tpu.vector_store %arg8[%swap3A_97, %swap3A_98], %swap3A_101 {strides = array<i32>} : memref<80x128xf32, #tpu.memory_space<vmem>>, vector<1x16xf32>,
      %broadcast_in_dim3A_102 = arith.constant 0.000000e+00 : f32
      %broadcast_in_dim3A_103 = vector.broadcast %broadcast_in_dim3A_102 : f32 to vector<16xf32>
      %swap3A_104 = arith.index_cast %scan3A_81 : i32 to index
      %swap3A_105 = arith.constant 48 : index
      %swap3A_106 = tpu.vector_load %arg8[%swap3A_104, %swap3A_105] {strides = array<i32>} : memref<80x128xf32, #tpu.memory_space<vmem>>, vector<1x16xf32>,
      %swap3A_107 = vector.shape_cast %swap3A_106 : vector<1x16xf32> to vector<16xf32>
      %swap3A_108 = vector.shape_cast %broadcast_in_dim3A_103 : vector<16xf32> to vector<1x16xf32>
      tpu.vector_store %arg8[%swap3A_104, %swap3A_105], %swap3A_108 {strides = array<i32>} : memref<80x128xf32, #tpu.memory_space<vmem>>, vector<1x16xf32>,
      %broadcast_in_dim3A_109 = arith.constant 0.000000e+00 : f32
      %broadcast_in_dim3A_110 = vector.broadcast %broadcast_in_dim3A_109 : f32 to vector<16xf32>
      %swap3A_111 = arith.index_cast %scan3A_81 : i32 to index
      %swap3A_112 = arith.constant 64 : index
      %swap3A_113 = tpu.vector_load %arg8[%swap3A_111, %swap3A_112] {strides = array<i32>} : memref<80x128xf32, #tpu.memory_space<vmem>>, vector<1x16xf32>,
      %swap3A_114 = vector.shape_cast %swap3A_113 : vector<1x16xf32> to vector<16xf32>
      %swap3A_115 = vector.shape_cast %broadcast_in_dim3A_110 : vector<16xf32> to vector<1x16xf32>
      tpu.vector_store %arg8[%swap3A_111, %swap3A_112], %swap3A_115 {strides = array<i32>} : memref<80x128xf32, #tpu.memory_space<vmem>>, vector<1x16xf32>,
      %broadcast_in_dim3A_116 = arith.constant 0.000000e+00 : f32
      %broadcast_in_dim3A_117 = vector.broadcast %broadcast_in_dim3A_116 : f32 to vector<16xf32>
      %swap3A_118 = arith.index_cast %scan3A_81 : i32 to index
      %swap3A_119 = arith.constant 80 : index
      %swap3A_120 = tpu.vector_load %arg8[%swap3A_118, %swap3A_119] {strides = array<i32>} : memref<80x128xf32, #tpu.memory_space<vmem>>, vector<1x16xf32>,
      %swap3A_121 = vector.shape_cast %swap3A_120 : vector<1x16xf32> to vector<16xf32>
      %swap3A_122 = vector.shape_cast %broadcast_in_dim3A_117 : vector<16xf32> to vector<1x16xf32>
      tpu.vector_store %arg8[%swap3A_118, %swap3A_119], %swap3A_122 {strides = array<i32>} : memref<80x128xf32, #tpu.memory_space<vmem>>, vector<1x16xf32>,
      %broadcast_in_dim3A_123 = arith.constant 0.000000e+00 : f32
      %broadcast_in_dim3A_124 = vector.broadcast %broadcast_in_dim3A_123 : f32 to vector<16xf32>
      %swap3A_125 = arith.index_cast %scan3A_81 : i32 to index
      %swap3A_126 = arith.constant 96 : index
      %swap3A_127 = tpu.vector_load %arg8[%swap3A_125, %swap3A_126] {strides = array<i32>} : memref<80x128xf32, #tpu.memory_space<vmem>>, vector<1x16xf32>,
      %swap3A_128 = vector.shape_cast %swap3A_127 : vector<1x16xf32> to vector<16xf32>
      %swap3A_129 = vector.shape_cast %broadcast_in_dim3A_124 : vector<16xf32> to vector<1x16xf32>
      tpu.vector_store %arg8[%swap3A_125, %swap3A_126], %swap3A_129 {strides = array<i32>} : memref<80x128xf32, #tpu.memory_space<vmem>>, vector<1x16xf32>,
      %broadcast_in_dim3A_130 = arith.constant 0.000000e+00 : f32
      %broadcast_in_dim3A_131 = vector.broadcast %broadcast_in_dim3A_130 : f32 to vector<16xf32>
      %swap3A_132 = arith.index_cast %scan3A_81 : i32 to index
      %swap3A_133 = arith.constant 112 : index
      %swap3A_134 = tpu.vector_load %arg8[%swap3A_132, %swap3A_133] {strides = array<i32>} : memref<80x128xf32, #tpu.memory_space<vmem>>, vector<1x16xf32>,
      %swap3A_135 = vector.shape_cast %swap3A_134 : vector<1x16xf32> to vector<16xf32>
      %swap3A_136 = vector.shape_cast %broadcast_in_dim3A_131 : vector<16xf32> to vector<1x16xf32>
      tpu.vector_store %arg8[%swap3A_132, %swap3A_133], %swap3A_136 {strides = array<i32>} : memref<80x128xf32, #tpu.memory_space<vmem>>, vector<1x16xf32>,
      %scan3A_137 = arith.constant 0 : i32
      scf.yield %scan3A_137 : i32
    }
    %scan3A_6 = arith.constant 80 : i32
    %mul3A_7 = arith.constant 624 : i32
    %mul3A_8 = arith.muli %arg1, %mul3A_7 : i32
    %add3A_9 = arith.constant 0 : i32
    %add3A_10 = arith.addi %mul3A_8, %add3A_9 : i32
    "tpu.region"() ({
      %run_scoped3A_81 = tpu.sem_alloc : memref<!tpu.dma_semaphore, #tpu.memory_space<semaphore_mem>>
      %dma_start3A_82 = arith.constant 0 : i32
      %dma_start3A_83 = tpu.memref_slice %arg10[%add3A_10, %dma_start3A_82] : memref<10008x128xf32, #tpu.memory_space<vmem_shared>> -> memref<80x128xf32, #tpu.memory_space<vmem_shared>>
      %dma_start3A_84 = arith.constant 0 : i32
      %dma_start3A_85 = tpu.memref_slice %arg10[%add3A_10, %dma_start3A_84] : memref<10008x128xf32, #tpu.memory_space<vmem_shared>> -> memref<80x128xf32, #tpu.memory_space<vmem_shared>>
      tpu.enqueue_dma source(%arg8 : memref<80x128xf32, #tpu.memory_space<vmem>>) target(%dma_start3A_85 : memref<80x128xf32, #tpu.memory_space<vmem_shared>>) target_semaphore(%run_scoped3A_81 : memref<!tpu.dma_semaphore, #tpu.memory_space<semaphore_mem>>)
      %dma_wait3A_86 = arith.constant 0 : i32
      %dma_wait3A_87 = tpu.memref_slice %arg10[%add3A_10, %dma_wait3A_86] : memref<10008x128xf32, #tpu.memory_space<vmem_shared>> -> memref<80x128xf32, #tpu.memory_space<vmem_shared>>
      %dma_wait3A_88 = arith.constant 0 : i32
      %dma_wait3A_89 = tpu.memref_slice %arg10[%add3A_10, %dma_wait3A_88] : memref<10008x128xf32, #tpu.memory_space<vmem_shared>> -> memref<80x128xf32, #tpu.memory_space<vmem_shared>>
      tpu.wait_dma2 semaphore(%run_scoped3A_81 : memref<!tpu.dma_semaphore, #tpu.memory_space<semaphore_mem>>) src(%arg8 : memref<80x128xf32, #tpu.memory_space<vmem>>) dst(%dma_wait3A_89 : memref<80x128xf32, #tpu.memory_space<vmem_shared>>)
      tpu.yield
    }) : () -> ()
    %mul3A_11 = arith.constant 624 : i32
    %mul3A_12 = arith.muli %arg1, %mul3A_11 : i32
    %add3A_13 = arith.constant 80 : i32
    %add3A_14 = arith.addi %mul3A_12, %add3A_13 : i32
    "tpu.region"() ({
      %run_scoped3A_81 = tpu.sem_alloc : memref<!tpu.dma_semaphore, #tpu.memory_space<semaphore_mem>>
      %dma_start3A_82 = arith.constant 0 : i32
      %dma_start3A_83 = tpu.memref_slice %arg10[%add3A_14, %dma_start3A_82] : memref<10008x128xf32, #tpu.memory_space<vmem_shared>> -> memref<80x128xf32, #tpu.memory_space<vmem_shared>>
      %dma_start3A_84 = arith.constant 0 : i32
      %dma_start3A_85 = tpu.memref_slice %arg10[%add3A_14, %dma_start3A_84] : memref<10008x128xf32, #tpu.memory_space<vmem_shared>> -> memref<80x128xf32, #tpu.memory_space<vmem_shared>>
      tpu.enqueue_dma source(%arg8 : memref<80x128xf32, #tpu.memory_space<vmem>>) target(%dma_start3A_85 : memref<80x128xf32, #tpu.memory_space<vmem_shared>>) target_semaphore(%run_scoped3A_81 : memref<!tpu.dma_semaphore, #tpu.memory_space<semaphore_mem>>)
      %dma_wait3A_86 = arith.constant 0 : i32
      %dma_wait3A_87 = tpu.memref_slice %arg10[%add3A_14, %dma_wait3A_86] : memref<10008x128xf32, #tpu.memory_space<vmem_shared>> -> memref<80x128xf32, #tpu.memory_space<vmem_shared>>
      %dma_wait3A_88 = arith.constant 0 : i32
      %dma_wait3A_89 = tpu.memref_slice %arg10[%add3A_14, %dma_wait3A_88] : memref<10008x128xf32, #tpu.memory_space<vmem_shared>> -> memref<80x128xf32, #tpu.memory_space<vmem_shared>>
      tpu.wait_dma2 semaphore(%run_scoped3A_81 : memref<!tpu.dma_semaphore, #tpu.memory_space<semaphore_mem>>) src(%arg8 : memref<80x128xf32, #tpu.memory_space<vmem>>) dst(%dma_wait3A_89 : memref<80x128xf32, #tpu.memory_space<vmem_shared>>)
      tpu.yield
    }) : () -> ()
    %mul3A_15 = arith.constant 624 : i32
    %mul3A_16 = arith.muli %arg1, %mul3A_15 : i32
    %add3A_17 = arith.constant 160 : i32
    %add3A_18 = arith.addi %mul3A_16, %add3A_17 : i32
    "tpu.region"() ({
      %run_scoped3A_81 = tpu.sem_alloc : memref<!tpu.dma_semaphore, #tpu.memory_space<semaphore_mem>>
      %dma_start3A_82 = arith.constant 0 : i32
      %dma_start3A_83 = tpu.memref_slice %arg10[%add3A_18, %dma_start3A_82] : memref<10008x128xf32, #tpu.memory_space<vmem_shared>> -> memref<80x128xf32, #tpu.memory_space<vmem_shared>>
      %dma_start3A_84 = arith.constant 0 : i32
      %dma_start3A_85 = tpu.memref_slice %arg10[%add3A_18, %dma_start3A_84] : memref<10008x128xf32, #tpu.memory_space<vmem_shared>> -> memref<80x128xf32, #tpu.memory_space<vmem_shared>>
      tpu.enqueue_dma source(%arg8 : memref<80x128xf32, #tpu.memory_space<vmem>>) target(%dma_start3A_85 : memref<80x128xf32, #tpu.memory_space<vmem_shared>>) target_semaphore(%run_scoped3A_81 : memref<!tpu.dma_semaphore, #tpu.memory_space<semaphore_mem>>)
      %dma_wait3A_86 = arith.constant 0 : i32
      %dma_wait3A_87 = tpu.memref_slice %arg10[%add3A_18, %dma_wait3A_86] : memref<10008x128xf32, #tpu.memory_space<vmem_shared>> -> memref<80x128xf32, #tpu.memory_space<vmem_shared>>
      %dma_wait3A_88 = arith.constant 0 : i32
      %dma_wait3A_89 = tpu.memref_slice %arg10[%add3A_18, %dma_wait3A_88] : memref<10008x128xf32, #tpu.memory_space<vmem_shared>> -> memref<80x128xf32, #tpu.memory_space<vmem_shared>>
      tpu.wait_dma2 semaphore(%run_scoped3A_81 : memref<!tpu.dma_semaphore, #tpu.memory_space<semaphore_mem>>) src(%arg8 : memref<80x128xf32, #tpu.memory_space<vmem>>) dst(%dma_wait3A_89 : memref<80x128xf32, #tpu.memory_space<vmem_shared>>)
      tpu.yield
    }) : () -> ()
    %mul3A_19 = arith.constant 624 : i32
    %mul3A_20 = arith.muli %arg1, %mul3A_19 : i32
    %add3A_21 = arith.constant 240 : i32
    %add3A_22 = arith.addi %mul3A_20, %add3A_21 : i32
    "tpu.region"() ({
      %run_scoped3A_81 = tpu.sem_alloc : memref<!tpu.dma_semaphore, #tpu.memory_space<semaphore_mem>>
      %dma_start3A_82 = arith.constant 0 : i32
      %dma_start3A_83 = tpu.memref_slice %arg10[%add3A_22, %dma_start3A_82] : memref<10008x128xf32, #tpu.memory_space<vmem_shared>> -> memref<80x128xf32, #tpu.memory_space<vmem_shared>>
      %dma_start3A_84 = arith.constant 0 : i32
      %dma_start3A_85 = tpu.memref_slice %arg10[%add3A_22, %dma_start3A_84] : memref<10008x128xf32, #tpu.memory_space<vmem_shared>> -> memref<80x128xf32, #tpu.memory_space<vmem_shared>>
      tpu.enqueue_dma source(%arg8 : memref<80x128xf32, #tpu.memory_space<vmem>>) target(%dma_start3A_85 : memref<80x128xf32, #tpu.memory_space<vmem_shared>>) target_semaphore(%run_scoped3A_81 : memref<!tpu.dma_semaphore, #tpu.memory_space<semaphore_mem>>)
      %dma_wait3A_86 = arith.constant 0 : i32
      %dma_wait3A_87 = tpu.memref_slice %arg10[%add3A_22, %dma_wait3A_86] : memref<10008x128xf32, #tpu.memory_space<vmem_shared>> -> memref<80x128xf32, #tpu.memory_space<vmem_shared>>
      %dma_wait3A_88 = arith.constant 0 : i32
      %dma_wait3A_89 = tpu.memref_slice %arg10[%add3A_22, %dma_wait3A_88] : memref<10008x128xf32, #tpu.memory_space<vmem_shared>> -> memref<80x128xf32, #tpu.memory_space<vmem_shared>>
      tpu.wait_dma2 semaphore(%run_scoped3A_81 : memref<!tpu.dma_semaphore, #tpu.memory_space<semaphore_mem>>) src(%arg8 : memref<80x128xf32, #tpu.memory_space<vmem>>) dst(%dma_wait3A_89 : memref<80x128xf32, #tpu.memory_space<vmem_shared>>)
      tpu.yield
    }) : () -> ()
    %mul3A_23 = arith.constant 624 : i32
    %mul3A_24 = arith.muli %arg1, %mul3A_23 : i32
    %add3A_25 = arith.constant 320 : i32
    %add3A_26 = arith.addi %mul3A_24, %add3A_25 : i32
    "tpu.region"() ({
      %run_scoped3A_81 = tpu.sem_alloc : memref<!tpu.dma_semaphore, #tpu.memory_space<semaphore_mem>>
      %dma_start3A_82 = arith.constant 0 : i32
      %dma_start3A_83 = tpu.memref_slice %arg10[%add3A_26, %dma_start3A_82] : memref<10008x128xf32, #tpu.memory_space<vmem_shared>> -> memref<80x128xf32, #tpu.memory_space<vmem_shared>>
      %dma_start3A_84 = arith.constant 0 : i32
      %dma_start3A_85 = tpu.memref_slice %arg10[%add3A_26, %dma_start3A_84] : memref<10008x128xf32, #tpu.memory_space<vmem_shared>> -> memref<80x128xf32, #tpu.memory_space<vmem_shared>>
      tpu.enqueue_dma source(%arg8 : memref<80x128xf32, #tpu.memory_space<vmem>>) target(%dma_start3A_85 : memref<80x128xf32, #tpu.memory_space<vmem_shared>>) target_semaphore(%run_scoped3A_81 : memref<!tpu.dma_semaphore, #tpu.memory_space<semaphore_mem>>)
      %dma_wait3A_86 = arith.constant 0 : i32
      %dma_wait3A_87 = tpu.memref_slice %arg10[%add3A_26, %dma_wait3A_86] : memref<10008x128xf32, #tpu.memory_space<vmem_shared>> -> memref<80x128xf32, #tpu.memory_space<vmem_shared>>
      %dma_wait3A_88 = arith.constant 0 : i32
      %dma_wait3A_89 = tpu.memref_slice %arg10[%add3A_26, %dma_wait3A_88] : memref<10008x128xf32, #tpu.memory_space<vmem_shared>> -> memref<80x128xf32, #tpu.memory_space<vmem_shared>>
      tpu.wait_dma2 semaphore(%run_scoped3A_81 : memref<!tpu.dma_semaphore, #tpu.memory_space<semaphore_mem>>) src(%arg8 : memref<80x128xf32, #tpu.memory_space<vmem>>) dst(%dma_wait3A_89 : memref<80x128xf32, #tpu.memory_space<vmem_shared>>)
      tpu.yield
    }) : () -> ()
    %mul3A_27 = arith.constant 624 : i32
    %mul3A_28 = arith.muli %arg1, %mul3A_27 : i32
    %add3A_29 = arith.constant 400 : i32
    %add3A_30 = arith.addi %mul3A_28, %add3A_29 : i32
    "tpu.region"() ({
      %run_scoped3A_81 = tpu.sem_alloc : memref<!tpu.dma_semaphore, #tpu.memory_space<semaphore_mem>>
      %dma_start3A_82 = arith.constant 0 : i32
      %dma_start3A_83 = tpu.memref_slice %arg10[%add3A_30, %dma_start3A_82] : memref<10008x128xf32, #tpu.memory_space<vmem_shared>> -> memref<80x128xf32, #tpu.memory_space<vmem_shared>>
      %dma_start3A_84 = arith.constant 0 : i32
      %dma_start3A_85 = tpu.memref_slice %arg10[%add3A_30, %dma_start3A_84] : memref<10008x128xf32, #tpu.memory_space<vmem_shared>> -> memref<80x128xf32, #tpu.memory_space<vmem_shared>>
      tpu.enqueue_dma source(%arg8 : memref<80x128xf32, #tpu.memory_space<vmem>>) target(%dma_start3A_85 : memref<80x128xf32, #tpu.memory_space<vmem_shared>>) target_semaphore(%run_scoped3A_81 : memref<!tpu.dma_semaphore, #tpu.memory_space<semaphore_mem>>)
      %dma_wait3A_86 = arith.constant 0 : i32
      %dma_wait3A_87 = tpu.memref_slice %arg10[%add3A_30, %dma_wait3A_86] : memref<10008x128xf32, #tpu.memory_space<vmem_shared>> -> memref<80x128xf32, #tpu.memory_space<vmem_shared>>
      %dma_wait3A_88 = arith.constant 0 : i32
      %dma_wait3A_89 = tpu.memref_slice %arg10[%add3A_30, %dma_wait3A_88] : memref<10008x128xf32, #tpu.memory_space<vmem_shared>> -> memref<80x128xf32, #tpu.memory_space<vmem_shared>>
      tpu.wait_dma2 semaphore(%run_scoped3A_81 : memref<!tpu.dma_semaphore, #tpu.memory_space<semaphore_mem>>) src(%arg8 : memref<80x128xf32, #tpu.memory_space<vmem>>) dst(%dma_wait3A_89 : memref<80x128xf32, #tpu.memory_space<vmem_shared>>)
      tpu.yield
    }) : () -> ()
    %mul3A_31 = arith.constant 624 : i32
    %mul3A_32 = arith.muli %arg1, %mul3A_31 : i32
    %add3A_33 = arith.constant 480 : i32
    %add3A_34 = arith.addi %mul3A_32, %add3A_33 : i32
    "tpu.region"() ({
      %run_scoped3A_81 = tpu.sem_alloc : memref<!tpu.dma_semaphore, #tpu.memory_space<semaphore_mem>>
      %dma_start3A_82 = arith.constant 0 : i32
      %dma_start3A_83 = tpu.memref_slice %arg10[%add3A_34, %dma_start3A_82] : memref<10008x128xf32, #tpu.memory_space<vmem_shared>> -> memref<80x128xf32, #tpu.memory_space<vmem_shared>>
      %dma_start3A_84 = arith.constant 0 : i32
      %dma_start3A_85 = tpu.memref_slice %arg10[%add3A_34, %dma_start3A_84] : memref<10008x128xf32, #tpu.memory_space<vmem_shared>> -> memref<80x128xf32, #tpu.memory_space<vmem_shared>>
      tpu.enqueue_dma source(%arg8 : memref<80x128xf32, #tpu.memory_space<vmem>>) target(%dma_start3A_85 : memref<80x128xf32, #tpu.memory_space<vmem_shared>>) target_semaphore(%run_scoped3A_81 : memref<!tpu.dma_semaphore, #tpu.memory_space<semaphore_mem>>)
      %dma_wait3A_86 = arith.constant 0 : i32
      %dma_wait3A_87 = tpu.memref_slice %arg10[%add3A_34, %dma_wait3A_86] : memref<10008x128xf32, #tpu.memory_space<vmem_shared>> -> memref<80x128xf32, #tpu.memory_space<vmem_shared>>
      %dma_wait3A_88 = arith.constant 0 : i32
      %dma_wait3A_89 = tpu.memref_slice %arg10[%add3A_34, %dma_wait3A_88] : memref<10008x128xf32, #tpu.memory_space<vmem_shared>> -> memref<80x128xf32, #tpu.memory_space<vmem_shared>>
      tpu.wait_dma2 semaphore(%run_scoped3A_81 : memref<!tpu.dma_semaphore, #tpu.memory_space<semaphore_mem>>) src(%arg8 : memref<80x128xf32, #tpu.memory_space<vmem>>) dst(%dma_wait3A_89 : memref<80x128xf32, #tpu.memory_space<vmem_shared>>)
      tpu.yield
    }) : () -> ()
    %mul3A_35 = arith.constant 624 : i32
    %mul3A_36 = arith.muli %arg1, %mul3A_35 : i32
    %add3A_37 = arith.constant 560 : i32
    %add3A_38 = arith.addi %mul3A_36, %add3A_37 : i32
    "tpu.region"() ({
      %run_scoped3A_81 = tpu.sem_alloc : memref<!tpu.dma_semaphore, #tpu.memory_space<semaphore_mem>>
      %dma_start3A_82 = arith.constant 0 : i32
      %dma_start3A_83 = arith.constant 0 : i32
      %dma_start3A_84 = tpu.memref_slice %arg8[%dma_start3A_82, %dma_start3A_83] : memref<80x128xf32, #tpu.memory_space<vmem>> -> memref<64x128xf32, #tpu.memory_space<vmem>>
      %dma_start3A_85 = arith.constant 0 : i32
      %dma_start3A_86 = tpu.memref_slice %arg10[%add3A_38, %dma_start3A_85] : memref<10008x128xf32, #tpu.memory_space<vmem_shared>> -> memref<64x128xf32, #tpu.memory_space<vmem_shared>>
      %dma_start3A_87 = arith.constant 0 : i32
      %dma_start3A_88 = tpu.memref_slice %arg10[%add3A_38, %dma_start3A_87] : memref<10008x128xf32, #tpu.memory_space<vmem_shared>> -> memref<64x128xf32, #tpu.memory_space<vmem_shared>>
      %dma_start3A_89 = arith.constant 0 : i32
      %dma_start3A_90 = arith.constant 0 : i32
      %dma_start3A_91 = tpu.memref_slice %arg8[%dma_start3A_89, %dma_start3A_90] : memref<80x128xf32, #tpu.memory_space<vmem>> -> memref<64x128xf32, #tpu.memory_space<vmem>>
      tpu.enqueue_dma source(%dma_start3A_91 : memref<64x128xf32, #tpu.memory_space<vmem>>) target(%dma_start3A_88 : memref<64x128xf32, #tpu.memory_space<vmem_shared>>) target_semaphore(%run_scoped3A_81 : memref<!tpu.dma_semaphore, #tpu.memory_space<semaphore_mem>>)
      %dma_wait3A_92 = arith.constant 0 : i32
      %dma_wait3A_93 = arith.constant 0 : i32
      %dma_wait3A_94 = tpu.memref_slice %arg8[%dma_wait3A_92, %dma_wait3A_93] : memref<80x128xf32, #tpu.memory_space<vmem>> -> memref<64x128xf32, #tpu.memory_space<vmem>>
      %dma_wait3A_95 = arith.constant 0 : i32
      %dma_wait3A_96 = tpu.memref_slice %arg10[%add3A_38, %dma_wait3A_95] : memref<10008x128xf32, #tpu.memory_space<vmem_shared>> -> memref<64x128xf32, #tpu.memory_space<vmem_shared>>
      %dma_wait3A_97 = arith.constant 0 : i32
      %dma_wait3A_98 = tpu.memref_slice %arg10[%add3A_38, %dma_wait3A_97] : memref<10008x128xf32, #tpu.memory_space<vmem_shared>> -> memref<64x128xf32, #tpu.memory_space<vmem_shared>>
      %dma_wait3A_99 = arith.constant 0 : i32
      %dma_wait3A_100 = arith.constant 0 : i32
      %dma_wait3A_101 = tpu.memref_slice %arg8[%dma_wait3A_99, %dma_wait3A_100] : memref<80x128xf32, #tpu.memory_space<vmem>> -> memref<64x128xf32, #tpu.memory_space<vmem>>
      tpu.wait_dma2 semaphore(%run_scoped3A_81 : memref<!tpu.dma_semaphore, #tpu.memory_space<semaphore_mem>>) src(%dma_wait3A_101 : memref<64x128xf32, #tpu.memory_space<vmem>>) dst(%dma_wait3A_98 : memref<64x128xf32, #tpu.memory_space<vmem_shared>>)
      tpu.yield
    }) : () -> ()
    %eq3A = arith.constant 15 : i32
    %eq3A_39 = arith.cmpi eq, %arg1, %eq3A : i32
    %convert_element_type3A = arith.extui %eq3A_39 : i1 to i32
    %cond3A = arith.constant 0 : i32
    %cond3A_40 = arith.cmpi ne, %convert_element_type3A, %cond3A : i32
    scf.if %cond3A_40 {
      "tpu.region"() ({
        %run_scoped3A_81 = tpu.sem_alloc : memref<!tpu.dma_semaphore, #tpu.memory_space<semaphore_mem>>
        %dma_start3A_82 = arith.constant 0 : i32
        %dma_start3A_83 = arith.constant 0 : i32
        %dma_start3A_84 = tpu.memref_slice %arg8[%dma_start3A_82, %dma_start3A_83] : memref<80x128xf32, #tpu.memory_space<vmem>> -> memref<16x128xf32, #tpu.memory_space<vmem>>
        %dma_start3A_85 = arith.constant 9984 : i32
        %dma_start3A_86 = arith.constant 0 : i32
        %dma_start3A_87 = tpu.memref_slice %arg10[%dma_start3A_85, %dma_start3A_86] : memref<10008x128xf32, #tpu.memory_space<vmem_shared>> -> memref<16x128xf32, #tpu.memory_space<vmem_shared>>
        %dma_start3A_88 = arith.constant 9984 : i32
        %dma_start3A_89 = arith.constant 0 : i32
        %dma_start3A_90 = tpu.memref_slice %arg10[%dma_start3A_88, %dma_start3A_89] : memref<10008x128xf32, #tpu.memory_space<vmem_shared>> -> memref<16x128xf32, #tpu.memory_space<vmem_shared>>
        %dma_start3A_91 = arith.constant 0 : i32
        %dma_start3A_92 = arith.constant 0 : i32
        %dma_start3A_93 = tpu.memref_slice %arg8[%dma_start3A_91, %dma_start3A_92] : memref<80x128xf32, #tpu.memory_space<vmem>> -> memref<16x128xf32, #tpu.memory_space<vmem>>
        tpu.enqueue_dma source(%dma_start3A_93 : memref<16x128xf32, #tpu.memory_space<vmem>>) target(%dma_start3A_90 : memref<16x128xf32, #tpu.memory_space<vmem_shared>>) target_semaphore(%run_scoped3A_81 : memref<!tpu.dma_semaphore, #tpu.memory_space<semaphore_mem>>)
        %dma_wait3A_94 = arith.constant 0 : i32
        %dma_wait3A_95 = arith.constant 0 : i32
        %dma_wait3A_96 = tpu.memref_slice %arg8[%dma_wait3A_94, %dma_wait3A_95] : memref<80x128xf32, #tpu.memory_space<vmem>> -> memref<16x128xf32, #tpu.memory_space<vmem>>
        %dma_wait3A_97 = arith.constant 9984 : i32
        %dma_wait3A_98 = arith.constant 0 : i32
        %dma_wait3A_99 = tpu.memref_slice %arg10[%dma_wait3A_97, %dma_wait3A_98] : memref<10008x128xf32, #tpu.memory_space<vmem_shared>> -> memref<16x128xf32, #tpu.memory_space<vmem_shared>>
        %dma_wait3A_100 = arith.constant 9984 : i32
        %dma_wait3A_101 = arith.constant 0 : i32
        %dma_wait3A_102 = tpu.memref_slice %arg10[%dma_wait3A_100, %dma_wait3A_101] : memref<10008x128xf32, #tpu.memory_space<vmem_shared>> -> memref<16x128xf32, #tpu.memory_space<vmem_shared>>
        %dma_wait3A_103 = arith.constant 0 : i32
        %dma_wait3A_104 = arith.constant 0 : i32
        %dma_wait3A_105 = tpu.memref_slice %arg8[%dma_wait3A_103, %dma_wait3A_104] : memref<80x128xf32, #tpu.memory_space<vmem>> -> memref<16x128xf32, #tpu.memory_space<vmem>>
        tpu.wait_dma2 semaphore(%run_scoped3A_81 : memref<!tpu.dma_semaphore, #tpu.memory_space<semaphore_mem>>) src(%dma_wait3A_105 : memref<16x128xf32, #tpu.memory_space<vmem>>) dst(%dma_wait3A_102 : memref<16x128xf32, #tpu.memory_space<vmem_shared>>)
        tpu.yield
      }) : () -> ()
      "tpu.region"() ({
        %run_scoped3A_81 = tpu.sem_alloc : memref<!tpu.dma_semaphore, #tpu.memory_space<semaphore_mem>>
        %dma_start3A_82 = arith.constant 0 : i32
        %dma_start3A_83 = arith.constant 0 : i32
        %dma_start3A_84 = tpu.memref_slice %arg8[%dma_start3A_82, %dma_start3A_83] : memref<80x128xf32, #tpu.memory_space<vmem>> -> memref<8x128xf32, #tpu.memory_space<vmem>>
        %dma_start3A_85 = arith.constant 10000 : i32
        %dma_start3A_86 = arith.constant 0 : i32
        %dma_start3A_87 = tpu.memref_slice %arg10[%dma_start3A_85, %dma_start3A_86] : memref<10008x128xf32, #tpu.memory_space<vmem_shared>> -> memref<8x128xf32, #tpu.memory_space<vmem_shared>>
        %dma_start3A_88 = arith.constant 10000 : i32
        %dma_start3A_89 = arith.constant 0 : i32
        %dma_start3A_90 = tpu.memref_slice %arg10[%dma_start3A_88, %dma_start3A_89] : memref<10008x128xf32, #tpu.memory_space<vmem_shared>> -> memref<8x128xf32, #tpu.memory_space<vmem_shared>>
        %dma_start3A_91 = arith.constant 0 : i32
        %dma_start3A_92 = arith.constant 0 : i32
        %dma_start3A_93 = tpu.memref_slice %arg8[%dma_start3A_91, %dma_start3A_92] : memref<80x128xf32, #tpu.memory_space<vmem>> -> memref<8x128xf32, #tpu.memory_space<vmem>>
        tpu.enqueue_dma source(%dma_start3A_93 : memref<8x128xf32, #tpu.memory_space<vmem>>) target(%dma_start3A_90 : memref<8x128xf32, #tpu.memory_space<vmem_shared>>) target_semaphore(%run_scoped3A_81 : memref<!tpu.dma_semaphore, #tpu.memory_space<semaphore_mem>>)
        %dma_wait3A_94 = arith.constant 0 : i32
        %dma_wait3A_95 = arith.constant 0 : i32
        %dma_wait3A_96 = tpu.memref_slice %arg8[%dma_wait3A_94, %dma_wait3A_95] : memref<80x128xf32, #tpu.memory_space<vmem>> -> memref<8x128xf32, #tpu.memory_space<vmem>>
        %dma_wait3A_97 = arith.constant 10000 : i32
        %dma_wait3A_98 = arith.constant 0 : i32
        %dma_wait3A_99 = tpu.memref_slice %arg10[%dma_wait3A_97, %dma_wait3A_98] : memref<10008x128xf32, #tpu.memory_space<vmem_shared>> -> memref<8x128xf32, #tpu.memory_space<vmem_shared>>
        %dma_wait3A_100 = arith.constant 10000 : i32
        %dma_wait3A_101 = arith.constant 0 : i32
        %dma_wait3A_102 = tpu.memref_slice %arg10[%dma_wait3A_100, %dma_wait3A_101] : memref<10008x128xf32, #tpu.memory_space<vmem_shared>> -> memref<8x128xf32, #tpu.memory_space<vmem_shared>>
        %dma_wait3A_103 = arith.constant 0 : i32
        %dma_wait3A_104 = arith.constant 0 : i32
        %dma_wait3A_105 = tpu.memref_slice %arg8[%dma_wait3A_103, %dma_wait3A_104] : memref<80x128xf32, #tpu.memory_space<vmem>> -> memref<8x128xf32, #tpu.memory_space<vmem>>
        tpu.wait_dma2 semaphore(%run_scoped3A_81 : memref<!tpu.dma_semaphore, #tpu.memory_space<semaphore_mem>>) src(%dma_wait3A_105 : memref<8x128xf32, #tpu.memory_space<vmem>>) dst(%dma_wait3A_102 : memref<8x128xf32, #tpu.memory_space<vmem_shared>>)
        tpu.yield
      }) : () -> ()
    } else {
    }
    %mul3A_41 = arith.constant 10240 : i32
    %mul3A_42 = arith.muli %add3A, %mul3A_41 : i32
    "tpu.region"() ({
      %run_scoped3A_81 = tpu.sem_alloc : memref<!tpu.dma_semaphore, #tpu.memory_space<semaphore_mem>>
      %dma_start3A_82 = tpu.memref_slice %arg3[%mul3A_42] : memref<327680xi32, #tpu.memory_space<hbm>> -> memref<10240xi32, #tpu.memory_space<hbm>>
      %dma_start3A_83 = tpu.memref_slice %arg3[%mul3A_42] : memref<327680xi32, #tpu.memory_space<hbm>> -> memref<10240xi32, #tpu.memory_space<hbm>>
      tpu.enqueue_dma source(%dma_start3A_83 : memref<10240xi32, #tpu.memory_space<hbm>>) target(%arg6 : memref<10240xi32, #tpu.memory_space<vmem>>) target_semaphore(%run_scoped3A_81 : memref<!tpu.dma_semaphore, #tpu.memory_space<semaphore_mem>>)
      %dma_wait3A_84 = tpu.memref_slice %arg3[%mul3A_42] : memref<327680xi32, #tpu.memory_space<hbm>> -> memref<10240xi32, #tpu.memory_space<hbm>>
      %dma_wait3A_85 = tpu.memref_slice %arg3[%mul3A_42] : memref<327680xi32, #tpu.memory_space<hbm>> -> memref<10240xi32, #tpu.memory_space<hbm>>
      tpu.wait_dma2 semaphore(%run_scoped3A_81 : memref<!tpu.dma_semaphore, #tpu.memory_space<semaphore_mem>>) src(%dma_wait3A_85 : memref<10240xi32, #tpu.memory_space<hbm>>) dst(%arg6 : memref<10240xi32, #tpu.memory_space<vmem>>)
      tpu.yield
    }) : () -> ()
    %mul3A_43 = arith.constant 128 : i32
    %mul3A_44 = arith.muli %add3A, %mul3A_43 : i32
    "tpu.region"() ({
      %run_scoped3A_81 = tpu.sem_alloc : memref<!tpu.dma_semaphore, #tpu.memory_space<semaphore_mem>>
      %dma_start3A_82 = arith.constant 0 : i32
      %dma_start3A_83 = tpu.memref_slice %arg4[%mul3A_44, %dma_start3A_82] : memref<4096x80xi32, #tpu.memory_space<hbm>> -> memref<128x80xi32, #tpu.memory_space<hbm>>
      %dma_start3A_84 = arith.constant 0 : i32
      %dma_start3A_85 = tpu.memref_slice %arg4[%mul3A_44, %dma_start3A_84] : memref<4096x80xi32, #tpu.memory_space<hbm>> -> memref<128x80xi32, #tpu.memory_space<hbm>>
      tpu.enqueue_dma source(%dma_start3A_85 : memref<128x80xi32, #tpu.memory_space<hbm>>) target(%arg7 : memref<128x80xi32, #tpu.memory_space<vmem>>) target_semaphore(%run_scoped3A_81 : memref<!tpu.dma_semaphore, #tpu.memory_space<semaphore_mem>>)
      %dma_wait3A_86 = arith.constant 0 : i32
      %dma_wait3A_87 = tpu.memref_slice %arg4[%mul3A_44, %dma_wait3A_86] : memref<4096x80xi32, #tpu.memory_space<hbm>> -> memref<128x80xi32, #tpu.memory_space<hbm>>
      %dma_wait3A_88 = arith.constant 0 : i32
      %dma_wait3A_89 = tpu.memref_slice %arg4[%mul3A_44, %dma_wait3A_88] : memref<4096x80xi32, #tpu.memory_space<hbm>> -> memref<128x80xi32, #tpu.memory_space<hbm>>
      tpu.wait_dma2 semaphore(%run_scoped3A_81 : memref<!tpu.dma_semaphore, #tpu.memory_space<semaphore_mem>>) src(%dma_wait3A_89 : memref<128x80xi32, #tpu.memory_space<hbm>>) dst(%arg7 : memref<128x80xi32, #tpu.memory_space<vmem>>)
      tpu.yield
    }) : () -> ()
    %barrier3A = arith.constant 0 : index
    tpu.barrier barrier_id(%barrier3A)
    %dma_start3A = arith.constant 0 : i32
    %dma_start3A_45 = arith.constant 0 : i32
    %dma_start3A_46 = tpu.memref_slice %arg6[%dma_start3A_45] : memref<10240xi32, #tpu.memory_space<vmem>> -> memref<80xi32, #tpu.memory_space<vmem>>
    %dma_start3A_47 = arith.constant 0 : i32
    %dma_start3A_48 = arith.constant 0 : i32
    %dma_start3A_49 = tpu.memref_slice %arg2[%dma_start3A_47, %dma_start3A_48] : memref<10000x128xf32, #tpu.memory_space<hbm>> -> memref<10000x128xf32, #tpu.memory_space<hbm>>
    %dma_start3A_50 = tpu.memref_slice %arg11[%dma_start3A] : memref<2x!tpu.dma_semaphore, #tpu.memory_space<semaphore_mem>> -> memref<1x!tpu.dma_semaphore, #tpu.memory_space<semaphore_mem>>
    %dma_start3A_51 = tpu.memref_squeeze %dma_start3A_50 : memref<1x!tpu.dma_semaphore, #tpu.memory_space<semaphore_mem>> -> memref<!tpu.dma_semaphore, #tpu.memory_space<semaphore_mem>>
    tpu.enqueue_indirect_dma source(%dma_start3A_49 : memref<10000x128xf32, #tpu.memory_space<hbm>>) target(%arg8 : memref<80x128xf32, #tpu.memory_space<vmem>>) offsets(%dma_start3A_46 : memref<80xi32, #tpu.memory_space<vmem>>) semaphore(%dma_start3A_51 : memref<!tpu.dma_semaphore, #tpu.memory_space<semaphore_mem>>)
    %scan3A_52 = arith.constant 1 : i32
    %scan3A_53 = arith.constant 0 : i32
    %scan3A_54 = arith.constant 0 : i32
    %scan3A_55 = arith.constant 0 : i32
    %scan3A_56 = arith.constant 62 : i32
    %scan3A_57 = arith.addi %scan3A_55, %scan3A_56 : i32
    %scan3A_58 = arith.constant 1 : i32
    %scan3A_59 = scf.for %scan3A_81 = %scan3A_55 to %scan3A_57 step %scan3A_58 iter_args(%scan3A_82 = %scan3A_54) -> (i32)  : i32 {
      %mul3A_83 = arith.constant 2 : i32
      %mul3A_84 = arith.muli %mul3A_83, %scan3A_81 : i32
      %add3A_85 = arith.constant 1 : i32
      %add3A_86 = arith.addi %mul3A_84, %add3A_85 : i32
      %mul3A_87 = arith.constant 80 : i32
      %mul3A_88 = arith.muli %add3A_86, %mul3A_87 : i32
      %dma_start3A_89 = tpu.memref_slice %arg6[%mul3A_88] : memref<10240xi32, #tpu.memory_space<vmem>> -> memref<80xi32, #tpu.memory_space<vmem>>
      %dma_start3A_90 = arith.constant 0 : i32
      %dma_start3A_91 = arith.constant 0 : i32
      %dma_start3A_92 = tpu.memref_slice %arg2[%dma_start3A_90, %dma_start3A_91] : memref<10000x128xf32, #tpu.memory_space<hbm>> -> memref<10000x128xf32, #tpu.memory_space<hbm>>
      %dma_start3A_93 = tpu.memref_slice %arg11[%scan3A_52] : memref<2x!tpu.dma_semaphore, #tpu.memory_space<semaphore_mem>> -> memref<1x!tpu.dma_semaphore, #tpu.memory_space<semaphore_mem>>
      %dma_start3A_94 = tpu.memref_squeeze %dma_start3A_93 : memref<1x!tpu.dma_semaphore, #tpu.memory_space<semaphore_mem>> -> memref<!tpu.dma_semaphore, #tpu.memory_space<semaphore_mem>>
      tpu.enqueue_indirect_dma source(%dma_start3A_92 : memref<10000x128xf32, #tpu.memory_space<hbm>>) target(%arg9 : memref<80x128xf32, #tpu.memory_space<vmem>>) offsets(%dma_start3A_89 : memref<80xi32, #tpu.memory_space<vmem>>) semaphore(%dma_start3A_94 : memref<!tpu.dma_semaphore, #tpu.memory_space<semaphore_mem>>)
      %mul3A_95 = arith.constant 80 : i32
      %mul3A_96 = arith.muli %mul3A_84, %mul3A_95 : i32
      %dma_wait3A_97 = tpu.memref_slice %arg6[%mul3A_96] : memref<10240xi32, #tpu.memory_space<vmem>> -> memref<80xi32, #tpu.memory_space<vmem>>
      %dma_wait3A_98 = arith.constant 0 : i32
      %dma_wait3A_99 = arith.constant 0 : i32
      %dma_wait3A_100 = tpu.memref_slice %arg2[%dma_wait3A_98, %dma_wait3A_99] : memref<10000x128xf32, #tpu.memory_space<hbm>> -> memref<10000x128xf32, #tpu.memory_space<hbm>>
      %dma_wait3A_101 = tpu.memref_slice %arg11[%scan3A_53] : memref<2x!tpu.dma_semaphore, #tpu.memory_space<semaphore_mem>> -> memref<1x!tpu.dma_semaphore, #tpu.memory_space<semaphore_mem>>
      %dma_wait3A_102 = tpu.memref_squeeze %dma_wait3A_101 : memref<1x!tpu.dma_semaphore, #tpu.memory_space<semaphore_mem>> -> memref<!tpu.dma_semaphore, #tpu.memory_space<semaphore_mem>>
      tpu.wait_indirect_dma semaphore(%dma_wait3A_102 : memref<!tpu.dma_semaphore, #tpu.memory_space<semaphore_mem>>) src(%dma_wait3A_100 : memref<10000x128xf32, #tpu.memory_space<hbm>>) dst(%arg8 : memref<80x128xf32, #tpu.memory_space<vmem>>)
      "tpu.region"() ({
        %run_scoped3A_126 = tpu.sem_alloc : memref<!tpu.dma_semaphore, #tpu.memory_space<semaphore_mem>>
        %dma_start3A_127 = arith.constant 0 : i32
        %dma_start3A_128 = tpu.memref_slice %arg7[%mul3A_84, %dma_start3A_127] : memref<128x80xi32, #tpu.memory_space<vmem>> -> memref<1x80xi32, #tpu.memory_space<vmem>>
        %dma_start3A_129 = tpu.memref_squeeze %dma_start3A_128 : memref<1x80xi32, #tpu.memory_space<vmem>> -> memref<80xi32, #tpu.memory_space<vmem>>
        %dma_start3A_130 = arith.constant 0 : i32
        %dma_start3A_131 = arith.constant 0 : i32
        %dma_start3A_132 = tpu.memref_slice %arg10[%dma_start3A_130, %dma_start3A_131] : memref<10008x128xf32, #tpu.memory_space<vmem_shared>> -> memref<10008x128xf32, #tpu.memory_space<vmem_shared>>
        tpu.enqueue_indirect_dma source(%arg8 : memref<80x128xf32, #tpu.memory_space<vmem>>) target(%dma_start3A_132 : memref<10008x128xf32, #tpu.memory_space<vmem_shared>>) offsets(%dma_start3A_129 : memref<80xi32, #tpu.memory_space<vmem>>) semaphore(%run_scoped3A_126 : memref<!tpu.dma_semaphore, #tpu.memory_space<semaphore_mem>>) {add = true}
        %dma_wait3A_133 = arith.constant 0 : i32
        %dma_wait3A_134 = tpu.memref_slice %arg7[%mul3A_84, %dma_wait3A_133] : memref<128x80xi32, #tpu.memory_space<vmem>> -> memref<1x80xi32, #tpu.memory_space<vmem>>
        %dma_wait3A_135 = tpu.memref_squeeze %dma_wait3A_134 : memref<1x80xi32, #tpu.memory_space<vmem>> -> memref<80xi32, #tpu.memory_space<vmem>>
        %dma_wait3A_136 = arith.constant 0 : i32
        %dma_wait3A_137 = arith.constant 0 : i32
        %dma_wait3A_138 = tpu.memref_slice %arg10[%dma_wait3A_136, %dma_wait3A_137] : memref<10008x128xf32, #tpu.memory_space<vmem_shared>> -> memref<10008x128xf32, #tpu.memory_space<vmem_shared>>
        tpu.wait_indirect_dma semaphore(%run_scoped3A_126 : memref<!tpu.dma_semaphore, #tpu.memory_space<semaphore_mem>>) src(%arg8 : memref<80x128xf32, #tpu.memory_space<vmem>>) dst(%dma_wait3A_138 : memref<10008x128xf32, #tpu.memory_space<vmem_shared>>)
        tpu.yield
      }) : () -> ()
      %add3A_103 = arith.constant 2 : i32
      %add3A_104 = arith.addi %mul3A_84, %add3A_103 : i32
      %mul3A_105 = arith.constant 80 : i32
      %mul3A_106 = arith.muli %add3A_104, %mul3A_105 : i32
      %dma_start3A_107 = tpu.memref_slice %arg6[%mul3A_106] : memref<10240xi32, #tpu.memory_space<vmem>> -> memref<80xi32, #tpu.memory_space<vmem>>
      %dma_start3A_108 = arith.constant 0 : i32
      %dma_start3A_109 = arith.constant 0 : i32
      %dma_start3A_110 = tpu.memref_slice %arg2[%dma_start3A_108, %dma_start3A_109] : memref<10000x128xf32, #tpu.memory_space<hbm>> -> memref<10000x128xf32, #tpu.memory_space<hbm>>
      %dma_start3A_111 = tpu.memref_slice %arg11[%scan3A_53] : memref<2x!tpu.dma_semaphore, #tpu.memory_space<semaphore_mem>> -> memref<1x!tpu.dma_semaphore, #tpu.memory_space<semaphore_mem>>
      %dma_start3A_112 = tpu.memref_squeeze %dma_start3A_111 : memref<1x!tpu.dma_semaphore, #tpu.memory_space<semaphore_mem>> -> memref<!tpu.dma_semaphore, #tpu.memory_space<semaphore_mem>>
      tpu.enqueue_indirect_dma source(%dma_start3A_110 : memref<10000x128xf32, #tpu.memory_space<hbm>>) target(%arg8 : memref<80x128xf32, #tpu.memory_space<vmem>>) offsets(%dma_start3A_107 : memref<80xi32, #tpu.memory_space<vmem>>) semaphore(%dma_start3A_112 : memref<!tpu.dma_semaphore, #tpu.memory_space<semaphore_mem>>)
      %add3A_113 = arith.constant 1 : i32
      %add3A_114 = arith.addi %mul3A_84, %add3A_113 : i32
      %mul3A_115 = arith.constant 80 : i32
      %mul3A_116 = arith.muli %add3A_114, %mul3A_115 : i32
      %dma_wait3A_117 = tpu.memref_slice %arg6[%mul3A_116] : memref<10240xi32, #tpu.memory_space<vmem>> -> memref<80xi32, #tpu.memory_space<vmem>>
      %dma_wait3A_118 = arith.constant 0 : i32
      %dma_wait3A_119 = arith.constant 0 : i32
      %dma_wait3A_120 = tpu.memref_slice %arg2[%dma_wait3A_118, %dma_wait3A_119] : memref<10000x128xf32, #tpu.memory_space<hbm>> -> memref<10000x128xf32, #tpu.memory_space<hbm>>
      %dma_wait3A_121 = tpu.memref_slice %arg11[%scan3A_52] : memref<2x!tpu.dma_semaphore, #tpu.memory_space<semaphore_mem>> -> memref<1x!tpu.dma_semaphore, #tpu.memory_space<semaphore_mem>>
      %dma_wait3A_122 = tpu.memref_squeeze %dma_wait3A_121 : memref<1x!tpu.dma_semaphore, #tpu.memory_space<semaphore_mem>> -> memref<!tpu.dma_semaphore, #tpu.memory_space<semaphore_mem>>
      tpu.wait_indirect_dma semaphore(%dma_wait3A_122 : memref<!tpu.dma_semaphore, #tpu.memory_space<semaphore_mem>>) src(%dma_wait3A_120 : memref<10000x128xf32, #tpu.memory_space<hbm>>) dst(%arg9 : memref<80x128xf32, #tpu.memory_space<vmem>>)
      %add3A_123 = arith.constant 1 : i32
      %add3A_124 = arith.addi %mul3A_84, %add3A_123 : i32
      "tpu.region"() ({
        %run_scoped3A_126 = tpu.sem_alloc : memref<!tpu.dma_semaphore, #tpu.memory_space<semaphore_mem>>
        %dma_start3A_127 = arith.constant 0 : i32
        %dma_start3A_128 = tpu.memref_slice %arg7[%add3A_124, %dma_start3A_127] : memref<128x80xi32, #tpu.memory_space<vmem>> -> memref<1x80xi32, #tpu.memory_space<vmem>>
        %dma_start3A_129 = tpu.memref_squeeze %dma_start3A_128 : memref<1x80xi32, #tpu.memory_space<vmem>> -> memref<80xi32, #tpu.memory_space<vmem>>
        %dma_start3A_130 = arith.constant 0 : i32
        %dma_start3A_131 = arith.constant 0 : i32
        %dma_start3A_132 = tpu.memref_slice %arg10[%dma_start3A_130, %dma_start3A_131] : memref<10008x128xf32, #tpu.memory_space<vmem_shared>> -> memref<10008x128xf32, #tpu.memory_space<vmem_shared>>
        tpu.enqueue_indirect_dma source(%arg9 : memref<80x128xf32, #tpu.memory_space<vmem>>) target(%dma_start3A_132 : memref<10008x128xf32, #tpu.memory_space<vmem_shared>>) offsets(%dma_start3A_129 : memref<80xi32, #tpu.memory_space<vmem>>) semaphore(%run_scoped3A_126 : memref<!tpu.dma_semaphore, #tpu.memory_space<semaphore_mem>>) {add = true}
        %dma_wait3A_133 = arith.constant 0 : i32
        %dma_wait3A_134 = tpu.memref_slice %arg7[%add3A_124, %dma_wait3A_133] : memref<128x80xi32, #tpu.memory_space<vmem>> -> memref<1x80xi32, #tpu.memory_space<vmem>>
        %dma_wait3A_135 = tpu.memref_squeeze %dma_wait3A_134 : memref<1x80xi32, #tpu.memory_space<vmem>> -> memref<80xi32, #tpu.memory_space<vmem>>
        %dma_wait3A_136 = arith.constant 0 : i32
        %dma_wait3A_137 = arith.constant 0 : i32
        %dma_wait3A_138 = tpu.memref_slice %arg10[%dma_wait3A_136, %dma_wait3A_137] : memref<10008x128xf32, #tpu.memory_space<vmem_shared>> -> memref<10008x128xf32, #tpu.memory_space<vmem_shared>>
        tpu.wait_indirect_dma semaphore(%run_scoped3A_126 : memref<!tpu.dma_semaphore, #tpu.memory_space<semaphore_mem>>) src(%arg9 : memref<80x128xf32, #tpu.memory_space<vmem>>) dst(%dma_wait3A_138 : memref<10008x128xf32, #tpu.memory_space<vmem_shared>>)
        tpu.yield
      }) : () -> ()
      %scan3A_125 = arith.constant 0 : i32
      scf.yield %scan3A_125 : i32
    }
    %scan3A_60 = arith.constant 62 : i32
    %dma_wait3A = arith.constant 0 : i32
    %dma_wait3A_61 = arith.constant 9920 : i32
    %dma_wait3A_62 = tpu.memref_slice %arg6[%dma_wait3A_61] : memref<10240xi32, #tpu.memory_space<vmem>> -> memref<80xi32, #tpu.memory_space<vmem>>
    %dma_wait3A_63 = arith.constant 0 : i32
    %dma_wait3A_64 = arith.constant 0 : i32
    %dma_wait3A_65 = tpu.memref_slice %arg2[%dma_wait3A_63, %dma_wait3A_64] : memref<10000x128xf32, #tpu.memory_space<hbm>> -> memref<10000x128xf32, #tpu.memory_space<hbm>>
    %dma_wait3A_66 = tpu.memref_slice %arg11[%dma_wait3A] : memref<2x!tpu.dma_semaphore, #tpu.memory_space<semaphore_mem>> -> memref<1x!tpu.dma_semaphore, #tpu.memory_space<semaphore_mem>>
    %dma_wait3A_67 = tpu.memref_squeeze %dma_wait3A_66 : memref<1x!tpu.dma_semaphore, #tpu.memory_space<semaphore_mem>> -> memref<!tpu.dma_semaphore, #tpu.memory_space<semaphore_mem>>
    tpu.wait_indirect_dma semaphore(%dma_wait3A_67 : memref<!tpu.dma_semaphore, #tpu.memory_space<semaphore_mem>>) src(%dma_wait3A_65 : memref<10000x128xf32, #tpu.memory_space<hbm>>) dst(%arg8 : memref<80x128xf32, #tpu.memory_space<vmem>>)
    %run_scoped3A = arith.constant 124 : i32
    "tpu.region"() ({
      %run_scoped3A_81 = tpu.sem_alloc : memref<!tpu.dma_semaphore, #tpu.memory_space<semaphore_mem>>
      %dma_start3A_82 = arith.constant 0 : i32
      %dma_start3A_83 = tpu.memref_slice %arg7[%run_scoped3A, %dma_start3A_82] : memref<128x80xi32, #tpu.memory_space<vmem>> -> memref<1x80xi32, #tpu.memory_space<vmem>>
      %dma_start3A_84 = tpu.memref_squeeze %dma_start3A_83 : memref<1x80xi32, #tpu.memory_space<vmem>> -> memref<80xi32, #tpu.memory_space<vmem>>
      %dma_start3A_85 = arith.constant 0 : i32
      %dma_start3A_86 = arith.constant 0 : i32
      %dma_start3A_87 = tpu.memref_slice %arg10[%dma_start3A_85, %dma_start3A_86] : memref<10008x128xf32, #tpu.memory_space<vmem_shared>> -> memref<10008x128xf32, #tpu.memory_space<vmem_shared>>
      tpu.enqueue_indirect_dma source(%arg8 : memref<80x128xf32, #tpu.memory_space<vmem>>) target(%dma_start3A_87 : memref<10008x128xf32, #tpu.memory_space<vmem_shared>>) offsets(%dma_start3A_84 : memref<80xi32, #tpu.memory_space<vmem>>) semaphore(%run_scoped3A_81 : memref<!tpu.dma_semaphore, #tpu.memory_space<semaphore_mem>>) {add = true}
      %dma_wait3A_88 = arith.constant 0 : i32
      %dma_wait3A_89 = tpu.memref_slice %arg7[%run_scoped3A, %dma_wait3A_88] : memref<128x80xi32, #tpu.memory_space<vmem>> -> memref<1x80xi32, #tpu.memory_space<vmem>>
      %dma_wait3A_90 = tpu.memref_squeeze %dma_wait3A_89 : memref<1x80xi32, #tpu.memory_space<vmem>> -> memref<80xi32, #tpu.memory_space<vmem>>
      %dma_wait3A_91 = arith.constant 0 : i32
      %dma_wait3A_92 = arith.constant 0 : i32
      %dma_wait3A_93 = tpu.memref_slice %arg10[%dma_wait3A_91, %dma_wait3A_92] : memref<10008x128xf32, #tpu.memory_space<vmem_shared>> -> memref<10008x128xf32, #tpu.memory_space<vmem_shared>>
      tpu.wait_indirect_dma semaphore(%run_scoped3A_81 : memref<!tpu.dma_semaphore, #tpu.memory_space<semaphore_mem>>) src(%arg8 : memref<80x128xf32, #tpu.memory_space<vmem>>) dst(%dma_wait3A_93 : memref<10008x128xf32, #tpu.memory_space<vmem_shared>>)
      tpu.yield
    }) : () -> ()
    %barrier3A_68 = arith.constant 0 : index
    tpu.barrier barrier_id(%barrier3A_68)
    %mul3A_69 = arith.constant 624 : i32
    %mul3A_70 = arith.muli %arg1, %mul3A_69 : i32
    %mul3A_71 = arith.constant 10000 : i32
    %mul3A_72 = arith.muli %arg0, %mul3A_71 : i32
    %mul3A_73 = arith.constant 624 : i32
    %mul3A_74 = arith.muli %arg1, %mul3A_73 : i32
    %add3A_75 = arith.addi %mul3A_72, %mul3A_74 : i32
    "tpu.region"() ({
      %run_scoped3A_81 = tpu.sem_alloc : memref<!tpu.dma_semaphore, #tpu.memory_space<semaphore_mem>>
      %dma_start3A_82 = arith.constant 0 : i32
      %dma_start3A_83 = tpu.memref_slice %arg5[%add3A_75, %dma_start3A_82] : memref<20000x128xf32, #tpu.memory_space<hbm>> -> memref<624x128xf32, #tpu.memory_space<hbm>>
      %dma_start3A_84 = arith.constant 0 : i32
      %dma_start3A_85 = tpu.memref_slice %arg10[%mul3A_70, %dma_start3A_84] : memref<10008x128xf32, #tpu.memory_space<vmem_shared>> -> memref<624x128xf32, #tpu.memory_space<vmem_shared>>
      tpu.enqueue_dma source(%dma_start3A_85 : memref<624x128xf32, #tpu.memory_space<vmem_shared>>) target(%dma_start3A_83 : memref<624x128xf32, #tpu.memory_space<hbm>>) target_semaphore(%run_scoped3A_81 : memref<!tpu.dma_semaphore, #tpu.memory_space<semaphore_mem>>)
      %dma_wait3A_86 = arith.constant 0 : i32
      %dma_wait3A_87 = tpu.memref_slice %arg5[%add3A_75, %dma_wait3A_86] : memref<20000x128xf32, #tpu.memory_space<hbm>> -> memref<624x128xf32, #tpu.memory_space<hbm>>
      %dma_wait3A_88 = arith.constant 0 : i32
      %dma_wait3A_89 = tpu.memref_slice %arg10[%mul3A_70, %dma_wait3A_88] : memref<10008x128xf32, #tpu.memory_space<vmem_shared>> -> memref<624x128xf32, #tpu.memory_space<vmem_shared>>
      tpu.wait_dma2 semaphore(%run_scoped3A_81 : memref<!tpu.dma_semaphore, #tpu.memory_space<semaphore_mem>>) src(%dma_wait3A_89 : memref<624x128xf32, #tpu.memory_space<vmem_shared>>) dst(%dma_wait3A_87 : memref<624x128xf32, #tpu.memory_space<hbm>>)
      tpu.yield
    }) : () -> ()
    %eq3A_76 = arith.constant 15 : i32
    %eq3A_77 = arith.cmpi eq, %arg1, %eq3A_76 : i32
    %convert_element_type3A_78 = arith.extui %eq3A_77 : i1 to i32
    %cond3A_79 = arith.constant 0 : i32
    %cond3A_80 = arith.cmpi ne, %convert_element_type3A_78, %cond3A_79 : i32
    scf.if %cond3A_80 {
      %mul3A_81 = arith.constant 10000 : i32
      %mul3A_82 = arith.muli %arg0, %mul3A_81 : i32
      %add3A_83 = arith.constant 9984 : i32
      %add3A_84 = arith.addi %mul3A_82, %add3A_83 : i32
      "tpu.region"() ({
        %run_scoped3A_85 = tpu.sem_alloc : memref<!tpu.dma_semaphore, #tpu.memory_space<semaphore_mem>>
        %dma_start3A_86 = arith.constant 0 : i32
        %dma_start3A_87 = tpu.memref_slice %arg5[%add3A_84, %dma_start3A_86] : memref<20000x128xf32, #tpu.memory_space<hbm>> -> memref<16x128xf32, #tpu.memory_space<hbm>>
        %dma_start3A_88 = arith.constant 9984 : i32
        %dma_start3A_89 = arith.constant 0 : i32
        %dma_start3A_90 = tpu.memref_slice %arg10[%dma_start3A_88, %dma_start3A_89] : memref<10008x128xf32, #tpu.memory_space<vmem_shared>> -> memref<16x128xf32, #tpu.memory_space<vmem_shared>>
        tpu.enqueue_dma source(%dma_start3A_90 : memref<16x128xf32, #tpu.memory_space<vmem_shared>>) target(%dma_start3A_87 : memref<16x128xf32, #tpu.memory_space<hbm>>) target_semaphore(%run_scoped3A_85 : memref<!tpu.dma_semaphore, #tpu.memory_space<semaphore_mem>>)
        %dma_wait3A_91 = arith.constant 0 : i32
        %dma_wait3A_92 = tpu.memref_slice %arg5[%add3A_84, %dma_wait3A_91] : memref<20000x128xf32, #tpu.memory_space<hbm>> -> memref<16x128xf32, #tpu.memory_space<hbm>>
        %dma_wait3A_93 = arith.constant 9984 : i32
        %dma_wait3A_94 = arith.constant 0 : i32
        %dma_wait3A_95 = tpu.memref_slice %arg10[%dma_wait3A_93, %dma_wait3A_94] : memref<10008x128xf32, #tpu.memory_space<vmem_shared>> -> memref<16x128xf32, #tpu.memory_space<vmem_shared>>
        tpu.wait_dma2 semaphore(%run_scoped3A_85 : memref<!tpu.dma_semaphore, #tpu.memory_space<semaphore_mem>>) src(%dma_wait3A_95 : memref<16x128xf32, #tpu.memory_space<vmem_shared>>) dst(%dma_wait3A_92 : memref<16x128xf32, #tpu.memory_space<hbm>>)
        tpu.yield
      }) : () -> ()
    } else {
    }
    return
  }
}

#map = affine_map<(d0, d1) -> (0, 0)>
#map1 = affine_map<(d0, d1) -> (0)>
module attributes {stable_mosaic.version = 14 : i64} {
  func.func @deg_k(%arg0: i32, %arg1: i32, %arg2: memref<4096x80xi32, #tpu.memory_space<hbm>>, %arg3: memref<320000xf32, #tpu.memory_space<hbm>>, %arg4: memref<128x80xi32, #tpu.memory_space<vmem>>, %arg5: memref<10016xf32, #tpu.memory_space<vmem>>) attributes {dimension_semantics = [#tpu.dimension_semantics<core_parallel>, #tpu.dimension_semantics<subcore_parallel>], iteration_bounds = array<i64: 2, 16>, scalar_prefetch = 0 : i64, scratch_operands = 2 : i64, tpu.core_type = #tpu.core_type<sc_vector_subcore>, window_params = [{transform_indices = #map}, {transform_indices = #map1}]} {
    %mul3A = arith.constant 16 : i32
    %mul3A_0 = arith.muli %arg0, %mul3A : i32
    %add3A = arith.addi %mul3A_0, %arg1 : i32
    %scan3A = arith.constant 0 : i32
    %scan3A_1 = arith.constant 0 : i32
    %scan3A_2 = arith.constant 626 : i32
    %scan3A_3 = arith.addi %scan3A_1, %scan3A_2 : i32
    %scan3A_4 = arith.constant 1 : i32
    %scan3A_5 = scf.for %scan3A_57 = %scan3A_1 to %scan3A_3 step %scan3A_4 iter_args(%scan3A_58 = %scan3A) -> (i32)  : i32 {
      %broadcast_in_dim3A_59 = arith.constant 0.000000e+00 : f32
      %broadcast_in_dim3A_60 = vector.broadcast %broadcast_in_dim3A_59 : f32 to vector<16xf32>
      %mul3A_61 = arith.constant 16 : i32
      %mul3A_62 = arith.muli %scan3A_57, %mul3A_61 : i32
      %swap3A = arith.index_cast %mul3A_62 : i32 to index
      %swap3A_63 = tpu.vector_load %arg5[%swap3A] {strides = array<i32>} : memref<10016xf32, #tpu.memory_space<vmem>>, vector<16xf32>,
      tpu.vector_store %arg5[%swap3A], %broadcast_in_dim3A_60 {strides = array<i32>} : memref<10016xf32, #tpu.memory_space<vmem>>, vector<16xf32>,
      %scan3A_64 = arith.constant 0 : i32
      scf.yield %scan3A_64 : i32
    }
    %scan3A_6 = arith.constant 626 : i32
    %mul3A_7 = arith.constant 128 : i32
    %mul3A_8 = arith.muli %add3A, %mul3A_7 : i32
    "tpu.region"() ({
      %run_scoped3A = tpu.sem_alloc : memref<!tpu.dma_semaphore, #tpu.memory_space<semaphore_mem>>
      %dma_start3A = arith.constant 0 : i32
      %dma_start3A_57 = tpu.memref_slice %arg2[%mul3A_8, %dma_start3A] : memref<4096x80xi32, #tpu.memory_space<hbm>> -> memref<128x80xi32, #tpu.memory_space<hbm>>
      %dma_start3A_58 = arith.constant 0 : i32
      %dma_start3A_59 = tpu.memref_slice %arg2[%mul3A_8, %dma_start3A_58] : memref<4096x80xi32, #tpu.memory_space<hbm>> -> memref<128x80xi32, #tpu.memory_space<hbm>>
      tpu.enqueue_dma source(%dma_start3A_59 : memref<128x80xi32, #tpu.memory_space<hbm>>) target(%arg4 : memref<128x80xi32, #tpu.memory_space<vmem>>) target_semaphore(%run_scoped3A : memref<!tpu.dma_semaphore, #tpu.memory_space<semaphore_mem>>)
      %dma_wait3A = arith.constant 0 : i32
      %dma_wait3A_60 = tpu.memref_slice %arg2[%mul3A_8, %dma_wait3A] : memref<4096x80xi32, #tpu.memory_space<hbm>> -> memref<128x80xi32, #tpu.memory_space<hbm>>
      %dma_wait3A_61 = arith.constant 0 : i32
      %dma_wait3A_62 = tpu.memref_slice %arg2[%mul3A_8, %dma_wait3A_61] : memref<4096x80xi32, #tpu.memory_space<hbm>> -> memref<128x80xi32, #tpu.memory_space<hbm>>
      tpu.wait_dma2 semaphore(%run_scoped3A : memref<!tpu.dma_semaphore, #tpu.memory_space<semaphore_mem>>) src(%dma_wait3A_62 : memref<128x80xi32, #tpu.memory_space<hbm>>) dst(%arg4 : memref<128x80xi32, #tpu.memory_space<vmem>>)
      tpu.yield
    }) : () -> ()
    %broadcast_in_dim3A = arith.constant 1.000000e+00 : f32
    %broadcast_in_dim3A_9 = vector.broadcast %broadcast_in_dim3A : f32 to vector<16xf32>
    %scan3A_10 = arith.constant 0 : i32
    %scan3A_11 = arith.constant 0 : i32
    %scan3A_12 = arith.constant 125 : i32
    %scan3A_13 = arith.addi %scan3A_11, %scan3A_12 : i32
    %scan3A_14 = arith.constant 1 : i32
    %scan3A_15 = scf.for %scan3A_57 = %scan3A_11 to %scan3A_13 step %scan3A_14 iter_args(%scan3A_58 = %scan3A_10) -> (i32)  : i32 {
      %get3A = arith.index_cast %scan3A_57 : i32 to index
      %get3A_59 = arith.constant 0 : index
      %get3A_60 = tpu.vector_load %arg4[%get3A, %get3A_59] {strides = array<i32>} : memref<128x80xi32, #tpu.memory_space<vmem>>, vector<16xi32>,
      tpu.vector_store_idx %arg5[%get3A_60], %broadcast_in_dim3A_9 {add = true} : memref<10016xf32, #tpu.memory_space<vmem>>[vector<16xi32>], vector<16xf32>,
      %get3A_61 = arith.index_cast %scan3A_57 : i32 to index
      %get3A_62 = arith.constant 16 : index
      %get3A_63 = tpu.vector_load %arg4[%get3A_61, %get3A_62] {strides = array<i32>} : memref<128x80xi32, #tpu.memory_space<vmem>>, vector<16xi32>,
      tpu.vector_store_idx %arg5[%get3A_63], %broadcast_in_dim3A_9 {add = true} : memref<10016xf32, #tpu.memory_space<vmem>>[vector<16xi32>], vector<16xf32>,
      %get3A_64 = arith.index_cast %scan3A_57 : i32 to index
      %get3A_65 = arith.constant 32 : index
      %get3A_66 = tpu.vector_load %arg4[%get3A_64, %get3A_65] {strides = array<i32>} : memref<128x80xi32, #tpu.memory_space<vmem>>, vector<16xi32>,
      tpu.vector_store_idx %arg5[%get3A_66], %broadcast_in_dim3A_9 {add = true} : memref<10016xf32, #tpu.memory_space<vmem>>[vector<16xi32>], vector<16xf32>,
      %get3A_67 = arith.index_cast %scan3A_57 : i32 to index
      %get3A_68 = arith.constant 48 : index
      %get3A_69 = tpu.vector_load %arg4[%get3A_67, %get3A_68] {strides = array<i32>} : memref<128x80xi32, #tpu.memory_space<vmem>>, vector<16xi32>,
      tpu.vector_store_idx %arg5[%get3A_69], %broadcast_in_dim3A_9 {add = true} : memref<10016xf32, #tpu.memory_space<vmem>>[vector<16xi32>], vector<16xf32>,
      %get3A_70 = arith.index_cast %scan3A_57 : i32 to index
      %get3A_71 = arith.constant 64 : index
      %get3A_72 = tpu.vector_load %arg4[%get3A_70, %get3A_71] {strides = array<i32>} : memref<128x80xi32, #tpu.memory_space<vmem>>, vector<16xi32>,
      tpu.vector_store_idx %arg5[%get3A_72], %broadcast_in_dim3A_9 {add = true} : memref<10016xf32, #tpu.memory_space<vmem>>[vector<16xi32>], vector<16xf32>,
      %scan3A_73 = arith.constant 0 : i32
      scf.yield %scan3A_73 : i32
    }
    %scan3A_16 = arith.constant 125 : i32
    %add3A_17 = arith.constant 0 : i32
    %add3A_18 = arith.addi %add3A_17, %add3A : i32
    %mul3A_19 = arith.constant 1000 : i32
    %mul3A_20 = arith.muli %add3A_18, %mul3A_19 : i32
    "tpu.region"() ({
      %run_scoped3A = tpu.sem_alloc : memref<!tpu.dma_semaphore, #tpu.memory_space<semaphore_mem>>
      %dma_start3A = arith.constant 0 : i32
      %dma_start3A_57 = tpu.memref_slice %arg5[%dma_start3A] : memref<10016xf32, #tpu.memory_space<vmem>> -> memref<1000xf32, #tpu.memory_space<vmem>>
      %dma_start3A_58 = tpu.memref_slice %arg3[%mul3A_20] : memref<320000xf32, #tpu.memory_space<hbm>> -> memref<1000xf32, #tpu.memory_space<hbm>>
      %dma_start3A_59 = tpu.memref_slice %arg3[%mul3A_20] : memref<320000xf32, #tpu.memory_space<hbm>> -> memref<1000xf32, #tpu.memory_space<hbm>>
      %dma_start3A_60 = arith.constant 0 : i32
      %dma_start3A_61 = tpu.memref_slice %arg5[%dma_start3A_60] : memref<10016xf32, #tpu.memory_space<vmem>> -> memref<1000xf32, #tpu.memory_space<vmem>>
      tpu.enqueue_dma source(%dma_start3A_61 : memref<1000xf32, #tpu.memory_space<vmem>>) target(%dma_start3A_59 : memref<1000xf32, #tpu.memory_space<hbm>>) target_semaphore(%run_scoped3A : memref<!tpu.dma_semaphore, #tpu.memory_space<semaphore_mem>>)
      %dma_wait3A = arith.constant 0 : i32
      %dma_wait3A_62 = tpu.memref_slice %arg5[%dma_wait3A] : memref<10016xf32, #tpu.memory_space<vmem>> -> memref<1000xf32, #tpu.memory_space<vmem>>
      %dma_wait3A_63 = tpu.memref_slice %arg3[%mul3A_20] : memref<320000xf32, #tpu.memory_space<hbm>> -> memref<1000xf32, #tpu.memory_space<hbm>>
      %dma_wait3A_64 = tpu.memref_slice %arg3[%mul3A_20] : memref<320000xf32, #tpu.memory_space<hbm>> -> memref<1000xf32, #tpu.memory_space<hbm>>
      %dma_wait3A_65 = arith.constant 0 : i32
      %dma_wait3A_66 = tpu.memref_slice %arg5[%dma_wait3A_65] : memref<10016xf32, #tpu.memory_space<vmem>> -> memref<1000xf32, #tpu.memory_space<vmem>>
      tpu.wait_dma2 semaphore(%run_scoped3A : memref<!tpu.dma_semaphore, #tpu.memory_space<semaphore_mem>>) src(%dma_wait3A_66 : memref<1000xf32, #tpu.memory_space<vmem>>) dst(%dma_wait3A_64 : memref<1000xf32, #tpu.memory_space<hbm>>)
      tpu.yield
    }) : () -> ()
    %add3A_21 = arith.constant 32 : i32
    %add3A_22 = arith.addi %add3A_21, %add3A : i32
    %mul3A_23 = arith.constant 1000 : i32
    %mul3A_24 = arith.muli %add3A_22, %mul3A_23 : i32
    "tpu.region"() ({
      %run_scoped3A = tpu.sem_alloc : memref<!tpu.dma_semaphore, #tpu.memory_space<semaphore_mem>>
      %dma_start3A = arith.constant 1000 : i32
      %dma_start3A_57 = tpu.memref_slice %arg5[%dma_start3A] : memref<10016xf32, #tpu.memory_space<vmem>> -> memref<1000xf32, #tpu.memory_space<vmem>>
      %dma_start3A_58 = tpu.memref_slice %arg3[%mul3A_24] : memref<320000xf32, #tpu.memory_space<hbm>> -> memref<1000xf32, #tpu.memory_space<hbm>>
      %dma_start3A_59 = tpu.memref_slice %arg3[%mul3A_24] : memref<320000xf32, #tpu.memory_space<hbm>> -> memref<1000xf32, #tpu.memory_space<hbm>>
      %dma_start3A_60 = arith.constant 1000 : i32
      %dma_start3A_61 = tpu.memref_slice %arg5[%dma_start3A_60] : memref<10016xf32, #tpu.memory_space<vmem>> -> memref<1000xf32, #tpu.memory_space<vmem>>
      tpu.enqueue_dma source(%dma_start3A_61 : memref<1000xf32, #tpu.memory_space<vmem>>) target(%dma_start3A_59 : memref<1000xf32, #tpu.memory_space<hbm>>) target_semaphore(%run_scoped3A : memref<!tpu.dma_semaphore, #tpu.memory_space<semaphore_mem>>)
      %dma_wait3A = arith.constant 1000 : i32
      %dma_wait3A_62 = tpu.memref_slice %arg5[%dma_wait3A] : memref<10016xf32, #tpu.memory_space<vmem>> -> memref<1000xf32, #tpu.memory_space<vmem>>
      %dma_wait3A_63 = tpu.memref_slice %arg3[%mul3A_24] : memref<320000xf32, #tpu.memory_space<hbm>> -> memref<1000xf32, #tpu.memory_space<hbm>>
      %dma_wait3A_64 = tpu.memref_slice %arg3[%mul3A_24] : memref<320000xf32, #tpu.memory_space<hbm>> -> memref<1000xf32, #tpu.memory_space<hbm>>
      %dma_wait3A_65 = arith.constant 1000 : i32
      %dma_wait3A_66 = tpu.memref_slice %arg5[%dma_wait3A_65] : memref<10016xf32, #tpu.memory_space<vmem>> -> memref<1000xf32, #tpu.memory_space<vmem>>
      tpu.wait_dma2 semaphore(%run_scoped3A : memref<!tpu.dma_semaphore, #tpu.memory_space<semaphore_mem>>) src(%dma_wait3A_66 : memref<1000xf32, #tpu.memory_space<vmem>>) dst(%dma_wait3A_64 : memref<1000xf32, #tpu.memory_space<hbm>>)
      tpu.yield
    }) : () -> ()
    %add3A_25 = arith.constant 64 : i32
    %add3A_26 = arith.addi %add3A_25, %add3A : i32
    %mul3A_27 = arith.constant 1000 : i32
    %mul3A_28 = arith.muli %add3A_26, %mul3A_27 : i32
    "tpu.region"() ({
      %run_scoped3A = tpu.sem_alloc : memref<!tpu.dma_semaphore, #tpu.memory_space<semaphore_mem>>
      %dma_start3A = arith.constant 2000 : i32
      %dma_start3A_57 = tpu.memref_slice %arg5[%dma_start3A] : memref<10016xf32, #tpu.memory_space<vmem>> -> memref<1000xf32, #tpu.memory_space<vmem>>
      %dma_start3A_58 = tpu.memref_slice %arg3[%mul3A_28] : memref<320000xf32, #tpu.memory_space<hbm>> -> memref<1000xf32, #tpu.memory_space<hbm>>
      %dma_start3A_59 = tpu.memref_slice %arg3[%mul3A_28] : memref<320000xf32, #tpu.memory_space<hbm>> -> memref<1000xf32, #tpu.memory_space<hbm>>
      %dma_start3A_60 = arith.constant 2000 : i32
      %dma_start3A_61 = tpu.memref_slice %arg5[%dma_start3A_60] : memref<10016xf32, #tpu.memory_space<vmem>> -> memref<1000xf32, #tpu.memory_space<vmem>>
      tpu.enqueue_dma source(%dma_start3A_61 : memref<1000xf32, #tpu.memory_space<vmem>>) target(%dma_start3A_59 : memref<1000xf32, #tpu.memory_space<hbm>>) target_semaphore(%run_scoped3A : memref<!tpu.dma_semaphore, #tpu.memory_space<semaphore_mem>>)
      %dma_wait3A = arith.constant 2000 : i32
      %dma_wait3A_62 = tpu.memref_slice %arg5[%dma_wait3A] : memref<10016xf32, #tpu.memory_space<vmem>> -> memref<1000xf32, #tpu.memory_space<vmem>>
      %dma_wait3A_63 = tpu.memref_slice %arg3[%mul3A_28] : memref<320000xf32, #tpu.memory_space<hbm>> -> memref<1000xf32, #tpu.memory_space<hbm>>
      %dma_wait3A_64 = tpu.memref_slice %arg3[%mul3A_28] : memref<320000xf32, #tpu.memory_space<hbm>> -> memref<1000xf32, #tpu.memory_space<hbm>>
      %dma_wait3A_65 = arith.constant 2000 : i32
      %dma_wait3A_66 = tpu.memref_slice %arg5[%dma_wait3A_65] : memref<10016xf32, #tpu.memory_space<vmem>> -> memref<1000xf32, #tpu.memory_space<vmem>>
      tpu.wait_dma2 semaphore(%run_scoped3A : memref<!tpu.dma_semaphore, #tpu.memory_space<semaphore_mem>>) src(%dma_wait3A_66 : memref<1000xf32, #tpu.memory_space<vmem>>) dst(%dma_wait3A_64 : memref<1000xf32, #tpu.memory_space<hbm>>)
      tpu.yield
    }) : () -> ()
    %add3A_29 = arith.constant 96 : i32
    %add3A_30 = arith.addi %add3A_29, %add3A : i32
    %mul3A_31 = arith.constant 1000 : i32
    %mul3A_32 = arith.muli %add3A_30, %mul3A_31 : i32
    "tpu.region"() ({
      %run_scoped3A = tpu.sem_alloc : memref<!tpu.dma_semaphore, #tpu.memory_space<semaphore_mem>>
      %dma_start3A = arith.constant 3000 : i32
      %dma_start3A_57 = tpu.memref_slice %arg5[%dma_start3A] : memref<10016xf32, #tpu.memory_space<vmem>> -> memref<1000xf32, #tpu.memory_space<vmem>>
      %dma_start3A_58 = tpu.memref_slice %arg3[%mul3A_32] : memref<320000xf32, #tpu.memory_space<hbm>> -> memref<1000xf32, #tpu.memory_space<hbm>>
      %dma_start3A_59 = tpu.memref_slice %arg3[%mul3A_32] : memref<320000xf32, #tpu.memory_space<hbm>> -> memref<1000xf32, #tpu.memory_space<hbm>>
      %dma_start3A_60 = arith.constant 3000 : i32
      %dma_start3A_61 = tpu.memref_slice %arg5[%dma_start3A_60] : memref<10016xf32, #tpu.memory_space<vmem>> -> memref<1000xf32, #tpu.memory_space<vmem>>
      tpu.enqueue_dma source(%dma_start3A_61 : memref<1000xf32, #tpu.memory_space<vmem>>) target(%dma_start3A_59 : memref<1000xf32, #tpu.memory_space<hbm>>) target_semaphore(%run_scoped3A : memref<!tpu.dma_semaphore, #tpu.memory_space<semaphore_mem>>)
      %dma_wait3A = arith.constant 3000 : i32
      %dma_wait3A_62 = tpu.memref_slice %arg5[%dma_wait3A] : memref<10016xf32, #tpu.memory_space<vmem>> -> memref<1000xf32, #tpu.memory_space<vmem>>
      %dma_wait3A_63 = tpu.memref_slice %arg3[%mul3A_32] : memref<320000xf32, #tpu.memory_space<hbm>> -> memref<1000xf32, #tpu.memory_space<hbm>>
      %dma_wait3A_64 = tpu.memref_slice %arg3[%mul3A_32] : memref<320000xf32, #tpu.memory_space<hbm>> -> memref<1000xf32, #tpu.memory_space<hbm>>
      %dma_wait3A_65 = arith.constant 3000 : i32
      %dma_wait3A_66 = tpu.memref_slice %arg5[%dma_wait3A_65] : memref<10016xf32, #tpu.memory_space<vmem>> -> memref<1000xf32, #tpu.memory_space<vmem>>
      tpu.wait_dma2 semaphore(%run_scoped3A : memref<!tpu.dma_semaphore, #tpu.memory_space<semaphore_mem>>) src(%dma_wait3A_66 : memref<1000xf32, #tpu.memory_space<vmem>>) dst(%dma_wait3A_64 : memref<1000xf32, #tpu.memory_space<hbm>>)
      tpu.yield
    }) : () -> ()
    %add3A_33 = arith.constant 128 : i32
    %add3A_34 = arith.addi %add3A_33, %add3A : i32
    %mul3A_35 = arith.constant 1000 : i32
    %mul3A_36 = arith.muli %add3A_34, %mul3A_35 : i32
    "tpu.region"() ({
      %run_scoped3A = tpu.sem_alloc : memref<!tpu.dma_semaphore, #tpu.memory_space<semaphore_mem>>
      %dma_start3A = arith.constant 4000 : i32
      %dma_start3A_57 = tpu.memref_slice %arg5[%dma_start3A] : memref<10016xf32, #tpu.memory_space<vmem>> -> memref<1000xf32, #tpu.memory_space<vmem>>
      %dma_start3A_58 = tpu.memref_slice %arg3[%mul3A_36] : memref<320000xf32, #tpu.memory_space<hbm>> -> memref<1000xf32, #tpu.memory_space<hbm>>
      %dma_start3A_59 = tpu.memref_slice %arg3[%mul3A_36] : memref<320000xf32, #tpu.memory_space<hbm>> -> memref<1000xf32, #tpu.memory_space<hbm>>
      %dma_start3A_60 = arith.constant 4000 : i32
      %dma_start3A_61 = tpu.memref_slice %arg5[%dma_start3A_60] : memref<10016xf32, #tpu.memory_space<vmem>> -> memref<1000xf32, #tpu.memory_space<vmem>>
      tpu.enqueue_dma source(%dma_start3A_61 : memref<1000xf32, #tpu.memory_space<vmem>>) target(%dma_start3A_59 : memref<1000xf32, #tpu.memory_space<hbm>>) target_semaphore(%run_scoped3A : memref<!tpu.dma_semaphore, #tpu.memory_space<semaphore_mem>>)
      %dma_wait3A = arith.constant 4000 : i32
      %dma_wait3A_62 = tpu.memref_slice %arg5[%dma_wait3A] : memref<10016xf32, #tpu.memory_space<vmem>> -> memref<1000xf32, #tpu.memory_space<vmem>>
      %dma_wait3A_63 = tpu.memref_slice %arg3[%mul3A_36] : memref<320000xf32, #tpu.memory_space<hbm>> -> memref<1000xf32, #tpu.memory_space<hbm>>
      %dma_wait3A_64 = tpu.memref_slice %arg3[%mul3A_36] : memref<320000xf32, #tpu.memory_space<hbm>> -> memref<1000xf32, #tpu.memory_space<hbm>>
      %dma_wait3A_65 = arith.constant 4000 : i32
      %dma_wait3A_66 = tpu.memref_slice %arg5[%dma_wait3A_65] : memref<10016xf32, #tpu.memory_space<vmem>> -> memref<1000xf32, #tpu.memory_space<vmem>>
      tpu.wait_dma2 semaphore(%run_scoped3A : memref<!tpu.dma_semaphore, #tpu.memory_space<semaphore_mem>>) src(%dma_wait3A_66 : memref<1000xf32, #tpu.memory_space<vmem>>) dst(%dma_wait3A_64 : memref<1000xf32, #tpu.memory_space<hbm>>)
      tpu.yield
    }) : () -> ()
    %add3A_37 = arith.constant 160 : i32
    %add3A_38 = arith.addi %add3A_37, %add3A : i32
    %mul3A_39 = arith.constant 1000 : i32
    %mul3A_40 = arith.muli %add3A_38, %mul3A_39 : i32
    "tpu.region"() ({
      %run_scoped3A = tpu.sem_alloc : memref<!tpu.dma_semaphore, #tpu.memory_space<semaphore_mem>>
      %dma_start3A = arith.constant 5000 : i32
      %dma_start3A_57 = tpu.memref_slice %arg5[%dma_start3A] : memref<10016xf32, #tpu.memory_space<vmem>> -> memref<1000xf32, #tpu.memory_space<vmem>>
      %dma_start3A_58 = tpu.memref_slice %arg3[%mul3A_40] : memref<320000xf32, #tpu.memory_space<hbm>> -> memref<1000xf32, #tpu.memory_space<hbm>>
      %dma_start3A_59 = tpu.memref_slice %arg3[%mul3A_40] : memref<320000xf32, #tpu.memory_space<hbm>> -> memref<1000xf32, #tpu.memory_space<hbm>>
      %dma_start3A_60 = arith.constant 5000 : i32
      %dma_start3A_61 = tpu.memref_slice %arg5[%dma_start3A_60] : memref<10016xf32, #tpu.memory_space<vmem>> -> memref<1000xf32, #tpu.memory_space<vmem>>
      tpu.enqueue_dma source(%dma_start3A_61 : memref<1000xf32, #tpu.memory_space<vmem>>) target(%dma_start3A_59 : memref<1000xf32, #tpu.memory_space<hbm>>) target_semaphore(%run_scoped3A : memref<!tpu.dma_semaphore, #tpu.memory_space<semaphore_mem>>)
      %dma_wait3A = arith.constant 5000 : i32
      %dma_wait3A_62 = tpu.memref_slice %arg5[%dma_wait3A] : memref<10016xf32, #tpu.memory_space<vmem>> -> memref<1000xf32, #tpu.memory_space<vmem>>
      %dma_wait3A_63 = tpu.memref_slice %arg3[%mul3A_40] : memref<320000xf32, #tpu.memory_space<hbm>> -> memref<1000xf32, #tpu.memory_space<hbm>>
      %dma_wait3A_64 = tpu.memref_slice %arg3[%mul3A_40] : memref<320000xf32, #tpu.memory_space<hbm>> -> memref<1000xf32, #tpu.memory_space<hbm>>
      %dma_wait3A_65 = arith.constant 5000 : i32
      %dma_wait3A_66 = tpu.memref_slice %arg5[%dma_wait3A_65] : memref<10016xf32, #tpu.memory_space<vmem>> -> memref<1000xf32, #tpu.memory_space<vmem>>
      tpu.wait_dma2 semaphore(%run_scoped3A : memref<!tpu.dma_semaphore, #tpu.memory_space<semaphore_mem>>) src(%dma_wait3A_66 : memref<1000xf32, #tpu.memory_space<vmem>>) dst(%dma_wait3A_64 : memref<1000xf32, #tpu.memory_space<hbm>>)
      tpu.yield
    }) : () -> ()
    %add3A_41 = arith.constant 192 : i32
    %add3A_42 = arith.addi %add3A_41, %add3A : i32
    %mul3A_43 = arith.constant 1000 : i32
    %mul3A_44 = arith.muli %add3A_42, %mul3A_43 : i32
    "tpu.region"() ({
      %run_scoped3A = tpu.sem_alloc : memref<!tpu.dma_semaphore, #tpu.memory_space<semaphore_mem>>
      %dma_start3A = arith.constant 6000 : i32
      %dma_start3A_57 = tpu.memref_slice %arg5[%dma_start3A] : memref<10016xf32, #tpu.memory_space<vmem>> -> memref<1000xf32, #tpu.memory_space<vmem>>
      %dma_start3A_58 = tpu.memref_slice %arg3[%mul3A_44] : memref<320000xf32, #tpu.memory_space<hbm>> -> memref<1000xf32, #tpu.memory_space<hbm>>
      %dma_start3A_59 = tpu.memref_slice %arg3[%mul3A_44] : memref<320000xf32, #tpu.memory_space<hbm>> -> memref<1000xf32, #tpu.memory_space<hbm>>
      %dma_start3A_60 = arith.constant 6000 : i32
      %dma_start3A_61 = tpu.memref_slice %arg5[%dma_start3A_60] : memref<10016xf32, #tpu.memory_space<vmem>> -> memref<1000xf32, #tpu.memory_space<vmem>>
      tpu.enqueue_dma source(%dma_start3A_61 : memref<1000xf32, #tpu.memory_space<vmem>>) target(%dma_start3A_59 : memref<1000xf32, #tpu.memory_space<hbm>>) target_semaphore(%run_scoped3A : memref<!tpu.dma_semaphore, #tpu.memory_space<semaphore_mem>>)
      %dma_wait3A = arith.constant 6000 : i32
      %dma_wait3A_62 = tpu.memref_slice %arg5[%dma_wait3A] : memref<10016xf32, #tpu.memory_space<vmem>> -> memref<1000xf32, #tpu.memory_space<vmem>>
      %dma_wait3A_63 = tpu.memref_slice %arg3[%mul3A_44] : memref<320000xf32, #tpu.memory_space<hbm>> -> memref<1000xf32, #tpu.memory_space<hbm>>
      %dma_wait3A_64 = tpu.memref_slice %arg3[%mul3A_44] : memref<320000xf32, #tpu.memory_space<hbm>> -> memref<1000xf32, #tpu.memory_space<hbm>>
      %dma_wait3A_65 = arith.constant 6000 : i32
      %dma_wait3A_66 = tpu.memref_slice %arg5[%dma_wait3A_65] : memref<10016xf32, #tpu.memory_space<vmem>> -> memref<1000xf32, #tpu.memory_space<vmem>>
      tpu.wait_dma2 semaphore(%run_scoped3A : memref<!tpu.dma_semaphore, #tpu.memory_space<semaphore_mem>>) src(%dma_wait3A_66 : memref<1000xf32, #tpu.memory_space<vmem>>) dst(%dma_wait3A_64 : memref<1000xf32, #tpu.memory_space<hbm>>)
      tpu.yield
    }) : () -> ()
    %add3A_45 = arith.constant 224 : i32
    %add3A_46 = arith.addi %add3A_45, %add3A : i32
    %mul3A_47 = arith.constant 1000 : i32
    %mul3A_48 = arith.muli %add3A_46, %mul3A_47 : i32
    "tpu.region"() ({
      %run_scoped3A = tpu.sem_alloc : memref<!tpu.dma_semaphore, #tpu.memory_space<semaphore_mem>>
      %dma_start3A = arith.constant 7000 : i32
      %dma_start3A_57 = tpu.memref_slice %arg5[%dma_start3A] : memref<10016xf32, #tpu.memory_space<vmem>> -> memref<1000xf32, #tpu.memory_space<vmem>>
      %dma_start3A_58 = tpu.memref_slice %arg3[%mul3A_48] : memref<320000xf32, #tpu.memory_space<hbm>> -> memref<1000xf32, #tpu.memory_space<hbm>>
      %dma_start3A_59 = tpu.memref_slice %arg3[%mul3A_48] : memref<320000xf32, #tpu.memory_space<hbm>> -> memref<1000xf32, #tpu.memory_space<hbm>>
      %dma_start3A_60 = arith.constant 7000 : i32
      %dma_start3A_61 = tpu.memref_slice %arg5[%dma_start3A_60] : memref<10016xf32, #tpu.memory_space<vmem>> -> memref<1000xf32, #tpu.memory_space<vmem>>
      tpu.enqueue_dma source(%dma_start3A_61 : memref<1000xf32, #tpu.memory_space<vmem>>) target(%dma_start3A_59 : memref<1000xf32, #tpu.memory_space<hbm>>) target_semaphore(%run_scoped3A : memref<!tpu.dma_semaphore, #tpu.memory_space<semaphore_mem>>)
      %dma_wait3A = arith.constant 7000 : i32
      %dma_wait3A_62 = tpu.memref_slice %arg5[%dma_wait3A] : memref<10016xf32, #tpu.memory_space<vmem>> -> memref<1000xf32, #tpu.memory_space<vmem>>
      %dma_wait3A_63 = tpu.memref_slice %arg3[%mul3A_48] : memref<320000xf32, #tpu.memory_space<hbm>> -> memref<1000xf32, #tpu.memory_space<hbm>>
      %dma_wait3A_64 = tpu.memref_slice %arg3[%mul3A_48] : memref<320000xf32, #tpu.memory_space<hbm>> -> memref<1000xf32, #tpu.memory_space<hbm>>
      %dma_wait3A_65 = arith.constant 7000 : i32
      %dma_wait3A_66 = tpu.memref_slice %arg5[%dma_wait3A_65] : memref<10016xf32, #tpu.memory_space<vmem>> -> memref<1000xf32, #tpu.memory_space<vmem>>
      tpu.wait_dma2 semaphore(%run_scoped3A : memref<!tpu.dma_semaphore, #tpu.memory_space<semaphore_mem>>) src(%dma_wait3A_66 : memref<1000xf32, #tpu.memory_space<vmem>>) dst(%dma_wait3A_64 : memref<1000xf32, #tpu.memory_space<hbm>>)
      tpu.yield
    }) : () -> ()
    %add3A_49 = arith.constant 256 : i32
    %add3A_50 = arith.addi %add3A_49, %add3A : i32
    %mul3A_51 = arith.constant 1000 : i32
    %mul3A_52 = arith.muli %add3A_50, %mul3A_51 : i32
    "tpu.region"() ({
      %run_scoped3A = tpu.sem_alloc : memref<!tpu.dma_semaphore, #tpu.memory_space<semaphore_mem>>
      %dma_start3A = arith.constant 8000 : i32
      %dma_start3A_57 = tpu.memref_slice %arg5[%dma_start3A] : memref<10016xf32, #tpu.memory_space<vmem>> -> memref<1000xf32, #tpu.memory_space<vmem>>
      %dma_start3A_58 = tpu.memref_slice %arg3[%mul3A_52] : memref<320000xf32, #tpu.memory_space<hbm>> -> memref<1000xf32, #tpu.memory_space<hbm>>
      %dma_start3A_59 = tpu.memref_slice %arg3[%mul3A_52] : memref<320000xf32, #tpu.memory_space<hbm>> -> memref<1000xf32, #tpu.memory_space<hbm>>
      %dma_start3A_60 = arith.constant 8000 : i32
      %dma_start3A_61 = tpu.memref_slice %arg5[%dma_start3A_60] : memref<10016xf32, #tpu.memory_space<vmem>> -> memref<1000xf32, #tpu.memory_space<vmem>>
      tpu.enqueue_dma source(%dma_start3A_61 : memref<1000xf32, #tpu.memory_space<vmem>>) target(%dma_start3A_59 : memref<1000xf32, #tpu.memory_space<hbm>>) target_semaphore(%run_scoped3A : memref<!tpu.dma_semaphore, #tpu.memory_space<semaphore_mem>>)
      %dma_wait3A = arith.constant 8000 : i32
      %dma_wait3A_62 = tpu.memref_slice %arg5[%dma_wait3A] : memref<10016xf32, #tpu.memory_space<vmem>> -> memref<1000xf32, #tpu.memory_space<vmem>>
      %dma_wait3A_63 = tpu.memref_slice %arg3[%mul3A_52] : memref<320000xf32, #tpu.memory_space<hbm>> -> memref<1000xf32, #tpu.memory_space<hbm>>
      %dma_wait3A_64 = tpu.memref_slice %arg3[%mul3A_52] : memref<320000xf32, #tpu.memory_space<hbm>> -> memref<1000xf32, #tpu.memory_space<hbm>>
      %dma_wait3A_65 = arith.constant 8000 : i32
      %dma_wait3A_66 = tpu.memref_slice %arg5[%dma_wait3A_65] : memref<10016xf32, #tpu.memory_space<vmem>> -> memref<1000xf32, #tpu.memory_space<vmem>>
      tpu.wait_dma2 semaphore(%run_scoped3A : memref<!tpu.dma_semaphore, #tpu.memory_space<semaphore_mem>>) src(%dma_wait3A_66 : memref<1000xf32, #tpu.memory_space<vmem>>) dst(%dma_wait3A_64 : memref<1000xf32, #tpu.memory_space<hbm>>)
      tpu.yield
    }) : () -> ()
    %add3A_53 = arith.constant 288 : i32
    %add3A_54 = arith.addi %add3A_53, %add3A : i32
    %mul3A_55 = arith.constant 1000 : i32
    %mul3A_56 = arith.muli %add3A_54, %mul3A_55 : i32
    "tpu.region"() ({
      %run_scoped3A = tpu.sem_alloc : memref<!tpu.dma_semaphore, #tpu.memory_space<semaphore_mem>>
      %dma_start3A = arith.constant 9000 : i32
      %dma_start3A_57 = tpu.memref_slice %arg5[%dma_start3A] : memref<10016xf32, #tpu.memory_space<vmem>> -> memref<1000xf32, #tpu.memory_space<vmem>>
      %dma_start3A_58 = tpu.memref_slice %arg3[%mul3A_56] : memref<320000xf32, #tpu.memory_space<hbm>> -> memref<1000xf32, #tpu.memory_space<hbm>>
      %dma_start3A_59 = tpu.memref_slice %arg3[%mul3A_56] : memref<320000xf32, #tpu.memory_space<hbm>> -> memref<1000xf32, #tpu.memory_space<hbm>>
      %dma_start3A_60 = arith.constant 9000 : i32
      %dma_start3A_61 = tpu.memref_slice %arg5[%dma_start3A_60] : memref<10016xf32, #tpu.memory_space<vmem>> -> memref<1000xf32, #tpu.memory_space<vmem>>
      tpu.enqueue_dma source(%dma_start3A_61 : memref<1000xf32, #tpu.memory_space<vmem>>) target(%dma_start3A_59 : memref<1000xf32, #tpu.memory_space<hbm>>) target_semaphore(%run_scoped3A : memref<!tpu.dma_semaphore, #tpu.memory_space<semaphore_mem>>)
      %dma_wait3A = arith.constant 9000 : i32
      %dma_wait3A_62 = tpu.memref_slice %arg5[%dma_wait3A] : memref<10016xf32, #tpu.memory_space<vmem>> -> memref<1000xf32, #tpu.memory_space<vmem>>
      %dma_wait3A_63 = tpu.memref_slice %arg3[%mul3A_56] : memref<320000xf32, #tpu.memory_space<hbm>> -> memref<1000xf32, #tpu.memory_space<hbm>>
      %dma_wait3A_64 = tpu.memref_slice %arg3[%mul3A_56] : memref<320000xf32, #tpu.memory_space<hbm>> -> memref<1000xf32, #tpu.memory_space<hbm>>
      %dma_wait3A_65 = arith.constant 9000 : i32
      %dma_wait3A_66 = tpu.memref_slice %arg5[%dma_wait3A_65] : memref<10016xf32, #tpu.memory_space<vmem>> -> memref<1000xf32, #tpu.memory_space<vmem>>
      tpu.wait_dma2 semaphore(%run_scoped3A : memref<!tpu.dma_semaphore, #tpu.memory_space<semaphore_mem>>) src(%dma_wait3A_66 : memref<1000xf32, #tpu.memory_space<vmem>>) dst(%dma_wait3A_64 : memref<1000xf32, #tpu.memory_space<hbm>>)
      tpu.yield
    }) : () -> ()
    return
  }
}

module attributes {stable_mosaic.version = 14 : i64} {
  func.func @_tc1_body(%arg0: i32, %arg1: memref<1x32x1000xf32, #tpu.memory_space<vmem>>, %arg2: memref<1000x128xf32, #tpu.memory_space<vmem>>, %arg3: memref<128x128xf32, #tpu.memory_space<vmem>>, %arg4: memref<1000x128xf32, #tpu.memory_space<vmem>>) attributes {dimension_semantics = [#tpu.dimension_semantics<arbitrary>], iteration_bounds = array<i64: 10>, scalar_prefetch = 0 : i64, scratch_operands = 0 : i64, tpu.core_type = #tpu.core_type<tc>, window_params = [{transform_indices = @transform_0, window_bounds = array<i64: 1, 32, 1000>}, {transform_indices = @transform_1, window_bounds = array<i64: 1000, 128>}, {pipeline_mode = #tpu.pipeline_mode<synchronous>, transform_indices = @transform_2, window_bounds = array<i64: 128, 128>}, {transform_indices = @transform_3, window_bounds = array<i64: 1000, 128>}]} {
    %get3A = arith.constant 0 : index
    %get3A_0 = arith.constant 0 : index
    %get3A_1 = vector.load %arg2[%get3A, %get3A_0] : memref<1000x128xf32, #tpu.memory_space<vmem>>, vector<1000x128xf32>
    %get3A_2 = arith.constant 0 : index
    %get3A_3 = arith.constant 0 : index
    %get3A_4 = vector.load %arg3[%get3A_2, %get3A_3] : memref<128x128xf32, #tpu.memory_space<vmem>>, vector<128x128xf32>
    %dot_general3A = arith.constant dense<0.000000e+00> : vector<1000x128xf32>
    %dot_general3A_5 = tpu.matmul %get3A_1, %get3A_4, %dot_general3A {dimension_numbers = #tpu.dot_dimension_numbers<[1], [0], [0], [1], [0, 0, 1, 1], [], []>, transpose_lhs_hint = false} : vector<1000x128xf32>, vector<128x128xf32>, vector<1000x128xf32> -> vector<1000x128xf32>
    %get3A_6 = arith.constant 0 : index
    %get3A_7 = arith.constant 0 : index
    %get3A_8 = arith.constant 0 : index
    %get3A_9 = vector.load %arg1[%get3A_6, %get3A_7, %get3A_8] : memref<1x32x1000xf32, #tpu.memory_space<vmem>>, vector<1x32x1000xf32>
    %get3A_10 = vector.shape_cast %get3A_9 : vector<1x32x1000xf32> to vector<32x1000xf32>
    %reduce_sum3A = arith.constant dense<0.000000e+00> : vector<1000xf32>
    %reduce_sum3A_11 = vector.multi_reduction <add>, %get3A_10, %reduce_sum3A [0] : vector<32x1000xf32> to vector<1000xf32>
    %add3A = arith.constant 2.000000e+00 : f32
    %add3A_12 = vector.broadcast %add3A : f32 to vector<1000xf32>
    %add3A_13 = arith.addf %reduce_sum3A_11, %add3A_12 : vector<1000xf32>
    %rsqrt3A = math.rsqrt %add3A_13 : vector<1000xf32>
    %broadcast_in_dim3A = vector.shape_cast %rsqrt3A : vector<1000xf32> to vector<1000x1xf32>
    %mul3A = vector.broadcast %broadcast_in_dim3A : vector<1000x1xf32> to vector<1000x128xf32>
    %mul3A_14 = arith.mulf %dot_general3A_5, %mul3A : vector<1000x128xf32>
    %swap3A = arith.constant 0 : index
    %swap3A_15 = arith.constant 0 : index
    %swap3A_16 = vector.load %arg4[%swap3A, %swap3A_15] : memref<1000x128xf32, #tpu.memory_space<vmem>>, vector<1000x128xf32>
    tpu.vector_store %arg4[%swap3A, %swap3A_15], %mul3A_14 {strides = array<i32>} : memref<1000x128xf32, #tpu.memory_space<vmem>>, vector<1000x128xf32>,
    return
  }
  func.func @transform_0(%arg0: i32) -> (i32, i32, i32) {
    %c0_i32 = arith.constant 0 : i32
    %c0_i32_0 = arith.constant 0 : i32
    %c0_i32_1 = arith.constant 0 : i32
    return %arg0, %c0_i32, %c0_i32_0 : i32, i32, i32
  }
  func.func @transform_1(%arg0: i32) -> (i32, i32) {
    %c0_i32 = arith.constant 0 : i32
    %c0_i32_0 = arith.constant 0 : i32
    return %arg0, %c0_i32 : i32, i32
  }
  func.func @transform_2(%arg0: i32) -> (i32, i32) {
    %c0_i32 = arith.constant 0 : i32
    %c0_i32_0 = arith.constant 0 : i32
    %c0_i32_1 = arith.constant 0 : i32
    return %c0_i32, %c0_i32_0 : i32, i32
  }
  func.func @transform_3(%arg0: i32) -> (i32, i32) {
    %c0_i32 = arith.constant 0 : i32
    %c0_i32_0 = arith.constant 0 : i32
    return %arg0, %c0_i32 : i32, i32
  }
}

module attributes {stable_mosaic.version = 14 : i64} {
  func.func @_tc2_body(%arg0: i32, %arg1: memref<1x32x1000xf32, #tpu.memory_space<vmem>>, %arg2: memref<1000x128xf32, #tpu.memory_space<vmem>>, %arg3: memref<1000x128xf32, #tpu.memory_space<vmem>>, %arg4: memref<1000x128xf32, #tpu.memory_space<vmem>>, %arg5: memref<1x128xf32, #tpu.memory_space<vmem>>, %arg6: memref<128x128xf32, #tpu.memory_space<vmem>>, %arg7: memref<1000x128xf32, #tpu.memory_space<vmem>>) attributes {dimension_semantics = [#tpu.dimension_semantics<arbitrary>], iteration_bounds = array<i64: 10>, scalar_prefetch = 0 : i64, scratch_operands = 0 : i64, tpu.core_type = #tpu.core_type<tc>, window_params = [{transform_indices = @transform_0, window_bounds = array<i64: 1, 32, 1000>}, {transform_indices = @transform_1, window_bounds = array<i64: 1000, 128>}, {transform_indices = @transform_2, window_bounds = array<i64: 1000, 128>}, {transform_indices = @transform_3, window_bounds = array<i64: 1000, 128>}, {pipeline_mode = #tpu.pipeline_mode<synchronous>, transform_indices = @transform_4, window_bounds = array<i64: 1, 128>}, {pipeline_mode = #tpu.pipeline_mode<synchronous>, transform_indices = @transform_5, window_bounds = array<i64: 128, 128>}, {transform_indices = @transform_6, window_bounds = array<i64: 1000, 128>}]} {
    %get3A = arith.constant 0 : index
    %get3A_0 = arith.constant 0 : index
    %get3A_1 = arith.constant 0 : index
    %get3A_2 = vector.load %arg1[%get3A, %get3A_0, %get3A_1] : memref<1x32x1000xf32, #tpu.memory_space<vmem>>, vector<1x32x1000xf32>
    %get3A_3 = vector.shape_cast %get3A_2 : vector<1x32x1000xf32> to vector<32x1000xf32>
    %reduce_sum3A = arith.constant dense<0.000000e+00> : vector<1000xf32>
    %reduce_sum3A_4 = vector.multi_reduction <add>, %get3A_3, %reduce_sum3A [0] : vector<32x1000xf32> to vector<1000xf32>
    %add3A = arith.constant 2.000000e+00 : f32
    %add3A_5 = vector.broadcast %add3A : f32 to vector<1000xf32>
    %add3A_6 = arith.addf %reduce_sum3A_4, %add3A_5 : vector<1000xf32>
    %rsqrt3A = math.rsqrt %add3A_6 : vector<1000xf32>
    %broadcast_in_dim3A = vector.shape_cast %rsqrt3A : vector<1000xf32> to vector<1000x1xf32>
    %get3A_7 = arith.constant 0 : index
    %get3A_8 = arith.constant 0 : index
    %get3A_9 = vector.load %arg2[%get3A_7, %get3A_8] : memref<1000x128xf32, #tpu.memory_space<vmem>>, vector<1000x128xf32>
    %get3A_10 = arith.constant 0 : index
    %get3A_11 = arith.constant 0 : index
    %get3A_12 = vector.load %arg3[%get3A_10, %get3A_11] : memref<1000x128xf32, #tpu.memory_space<vmem>>, vector<1000x128xf32>
    %add3A_13 = arith.addf %get3A_9, %get3A_12 : vector<1000x128xf32>
    %get3A_14 = arith.constant 0 : index
    %get3A_15 = arith.constant 0 : index
    %get3A_16 = vector.load %arg4[%get3A_14, %get3A_15] : memref<1000x128xf32, #tpu.memory_space<vmem>>, vector<1000x128xf32>
    %mul3A = arith.constant 2.000000e+00 : f32
    %mul3A_17 = vector.broadcast %mul3A : f32 to vector<1000x128xf32>
    %mul3A_18 = arith.mulf %mul3A_17, %get3A_16 : vector<1000x128xf32>
    %add3A_19 = arith.addf %add3A_13, %mul3A_18 : vector<1000x128xf32>
    %mul3A_20 = vector.broadcast %broadcast_in_dim3A : vector<1000x1xf32> to vector<1000x128xf32>
    %mul3A_21 = arith.mulf %add3A_19, %mul3A_20 : vector<1000x128xf32>
    %get3A_22 = arith.constant 0 : index
    %get3A_23 = arith.constant 0 : index
    %get3A_24 = vector.load %arg5[%get3A_22, %get3A_23] : memref<1x128xf32, #tpu.memory_space<vmem>>, vector<1x128xf32>
    %add3A_25 = vector.broadcast %get3A_24 : vector<1x128xf32> to vector<1000x128xf32>
    %add3A_26 = arith.addf %mul3A_21, %add3A_25 : vector<1000x128xf32>
    %max3A = arith.constant 0.000000e+00 : f32
    %max3A_27 = vector.broadcast %max3A : f32 to vector<1000x128xf32>
    %max3A_28 = arith.maximumf %add3A_26, %max3A_27 : vector<1000x128xf32>
    %get3A_29 = arith.constant 0 : index
    %get3A_30 = arith.constant 0 : index
    %get3A_31 = vector.load %arg6[%get3A_29, %get3A_30] : memref<128x128xf32, #tpu.memory_space<vmem>>, vector<128x128xf32>
    %dot_general3A = arith.constant dense<0.000000e+00> : vector<1000x128xf32>
    %dot_general3A_32 = tpu.matmul %max3A_28, %get3A_31, %dot_general3A {dimension_numbers = #tpu.dot_dimension_numbers<[1], [0], [0], [1], [0, 0, 1, 1], [], []>, transpose_lhs_hint = false} : vector<1000x128xf32>, vector<128x128xf32>, vector<1000x128xf32> -> vector<1000x128xf32>
    %mul3A_33 = vector.broadcast %broadcast_in_dim3A : vector<1000x1xf32> to vector<1000x128xf32>
    %mul3A_34 = arith.mulf %mul3A_33, %dot_general3A_32 : vector<1000x128xf32>
    %swap3A = arith.constant 0 : index
    %swap3A_35 = arith.constant 0 : index
    %swap3A_36 = vector.load %arg7[%swap3A, %swap3A_35] : memref<1000x128xf32, #tpu.memory_space<vmem>>, vector<1000x128xf32>
    tpu.vector_store %arg7[%swap3A, %swap3A_35], %mul3A_34 {strides = array<i32>} : memref<1000x128xf32, #tpu.memory_space<vmem>>, vector<1000x128xf32>,
    return
  }
  func.func @transform_0(%arg0: i32) -> (i32, i32, i32) {
    %c0_i32 = arith.constant 0 : i32
    %c0_i32_0 = arith.constant 0 : i32
    %c0_i32_1 = arith.constant 0 : i32
    return %arg0, %c0_i32, %c0_i32_0 : i32, i32, i32
  }
  func.func @transform_1(%arg0: i32) -> (i32, i32) {
    %c0_i32 = arith.constant 0 : i32
    %c0_i32_0 = arith.constant 0 : i32
    return %arg0, %c0_i32 : i32, i32
  }
  func.func @transform_2(%arg0: i32) -> (i32, i32) {
    %add3A = arith.constant 10 : i32
    %add3A_0 = arith.addi %arg0, %add3A : i32
    %c0_i32 = arith.constant 0 : i32
    %c0_i32_1 = arith.constant 0 : i32
    return %add3A_0, %c0_i32 : i32, i32
  }
  func.func @transform_3(%arg0: i32) -> (i32, i32) {
    %c0_i32 = arith.constant 0 : i32
    %c0_i32_0 = arith.constant 0 : i32
    return %arg0, %c0_i32 : i32, i32
  }
  func.func @transform_4(%arg0: i32) -> (i32, i32) {
    %c0_i32 = arith.constant 0 : i32
    %c0_i32_0 = arith.constant 0 : i32
    %c0_i32_1 = arith.constant 0 : i32
    return %c0_i32, %c0_i32_0 : i32, i32
  }
  func.func @transform_5(%arg0: i32) -> (i32, i32) {
    %c0_i32 = arith.constant 0 : i32
    %c0_i32_0 = arith.constant 0 : i32
    %c0_i32_1 = arith.constant 0 : i32
    return %c0_i32, %c0_i32_0 : i32, i32
  }
  func.func @transform_6(%arg0: i32) -> (i32, i32) {
    %c0_i32 = arith.constant 0 : i32
    %c0_i32_0 = arith.constant 0 : i32
    return %arg0, %c0_i32 : i32, i32
  }
}

module attributes {stable_mosaic.version = 14 : i64} {
  func.func @_tc3_body(%arg0: i32, %arg1: memref<1x32x1000xf32, #tpu.memory_space<vmem>>, %arg2: memref<1000x128xf32, #tpu.memory_space<vmem>>, %arg3: memref<1000x128xf32, #tpu.memory_space<vmem>>, %arg4: memref<1000x128xf32, #tpu.memory_space<vmem>>, %arg5: memref<1x128xf32, #tpu.memory_space<vmem>>, %arg6: memref<1x1000x1xi32, #tpu.memory_space<vmem>>, %arg7: memref<128x64xf32, #tpu.memory_space<vmem>>, %arg8: memref<1x64xf32, #tpu.memory_space<vmem>>, %arg9: memref<64x64xf32, #tpu.memory_space<vmem>>, %arg10: memref<64x128xf32, #tpu.memory_space<vmem>>) attributes {dimension_semantics = [#tpu.dimension_semantics<arbitrary>], iteration_bounds = array<i64: 10>, scalar_prefetch = 0 : i64, scratch_operands = 1 : i64, tpu.core_type = #tpu.core_type<tc>, window_params = [{transform_indices = @transform_0, window_bounds = array<i64: 1, 32, 1000>}, {transform_indices = @transform_1, window_bounds = array<i64: 1000, 128>}, {transform_indices = @transform_2, window_bounds = array<i64: 1000, 128>}, {transform_indices = @transform_3, window_bounds = array<i64: 1000, 128>}, {pipeline_mode = #tpu.pipeline_mode<synchronous>, transform_indices = @transform_4, window_bounds = array<i64: 1, 128>}, {transform_indices = @transform_5, window_bounds = array<i64: 1, 1000, 1>}, {pipeline_mode = #tpu.pipeline_mode<synchronous>, transform_indices = @transform_6, window_bounds = array<i64: 128, 64>}, {pipeline_mode = #tpu.pipeline_mode<synchronous>, transform_indices = @transform_7, window_bounds = array<i64: 1, 64>}, {pipeline_mode = #tpu.pipeline_mode<synchronous>, transform_indices = @transform_8, window_bounds = array<i64: 64, 64>}]} {
    %get3A = arith.constant 0 : index
    %get3A_0 = arith.constant 0 : index
    %get3A_1 = arith.constant 0 : index
    %get3A_2 = vector.load %arg1[%get3A, %get3A_0, %get3A_1] : memref<1x32x1000xf32, #tpu.memory_space<vmem>>, vector<1x32x1000xf32>
    %get3A_3 = vector.shape_cast %get3A_2 : vector<1x32x1000xf32> to vector<32x1000xf32>
    %reduce_sum3A = arith.constant dense<0.000000e+00> : vector<1000xf32>
    %reduce_sum3A_4 = vector.multi_reduction <add>, %get3A_3, %reduce_sum3A [0] : vector<32x1000xf32> to vector<1000xf32>
    %add3A = arith.constant 2.000000e+00 : f32
    %add3A_5 = vector.broadcast %add3A : f32 to vector<1000xf32>
    %add3A_6 = arith.addf %reduce_sum3A_4, %add3A_5 : vector<1000xf32>
    %rsqrt3A = math.rsqrt %add3A_6 : vector<1000xf32>
    %broadcast_in_dim3A = vector.shape_cast %rsqrt3A : vector<1000xf32> to vector<1000x1xf32>
    %get3A_7 = arith.constant 0 : index
    %get3A_8 = arith.constant 0 : index
    %get3A_9 = vector.load %arg2[%get3A_7, %get3A_8] : memref<1000x128xf32, #tpu.memory_space<vmem>>, vector<1000x128xf32>
    %get3A_10 = arith.constant 0 : index
    %get3A_11 = arith.constant 0 : index
    %get3A_12 = vector.load %arg3[%get3A_10, %get3A_11] : memref<1000x128xf32, #tpu.memory_space<vmem>>, vector<1000x128xf32>
    %add3A_13 = arith.addf %get3A_9, %get3A_12 : vector<1000x128xf32>
    %get3A_14 = arith.constant 0 : index
    %get3A_15 = arith.constant 0 : index
    %get3A_16 = vector.load %arg4[%get3A_14, %get3A_15] : memref<1000x128xf32, #tpu.memory_space<vmem>>, vector<1000x128xf32>
    %mul3A = arith.constant 2.000000e+00 : f32
    %mul3A_17 = vector.broadcast %mul3A : f32 to vector<1000x128xf32>
    %mul3A_18 = arith.mulf %mul3A_17, %get3A_16 : vector<1000x128xf32>
    %add3A_19 = arith.addf %add3A_13, %mul3A_18 : vector<1000x128xf32>
    %mul3A_20 = vector.broadcast %broadcast_in_dim3A : vector<1000x1xf32> to vector<1000x128xf32>
    %mul3A_21 = arith.mulf %add3A_19, %mul3A_20 : vector<1000x128xf32>
    %get3A_22 = arith.constant 0 : index
    %get3A_23 = arith.constant 0 : index
    %get3A_24 = vector.load %arg5[%get3A_22, %get3A_23] : memref<1x128xf32, #tpu.memory_space<vmem>>, vector<1x128xf32>
    %add3A_25 = vector.broadcast %get3A_24 : vector<1x128xf32> to vector<1000x128xf32>
    %add3A_26 = arith.addf %mul3A_21, %add3A_25 : vector<1000x128xf32>
    %max3A = arith.constant 0.000000e+00 : f32
    %max3A_27 = vector.broadcast %max3A : f32 to vector<1000x128xf32>
    %max3A_28 = arith.maximumf %add3A_26, %max3A_27 : vector<1000x128xf32>
    %eq3A = arith.constant 0 : i32
    %eq3A_29 = arith.cmpi eq, %arg0, %eq3A : i32
    %convert_element_type3A = arith.extui %eq3A_29 : i1 to i32
    %cond3A = arith.constant 0 : i32
    %cond3A_30 = arith.cmpi ne, %convert_element_type3A, %cond3A : i32
    scf.if %cond3A_30 {
      %broadcast_in_dim3A_63 = arith.constant 0xFF800000 : f32
      %broadcast_in_dim3A_64 = vector.broadcast %broadcast_in_dim3A_63 : f32 to vector<64x128xf32>
      %swap3A = arith.constant 0 : index
      %swap3A_65 = arith.constant 0 : index
      %swap3A_66 = vector.load %arg10[%swap3A, %swap3A_65] : memref<64x128xf32, #tpu.memory_space<vmem>>, vector<64x128xf32>
      tpu.vector_store %arg10[%swap3A, %swap3A_65], %broadcast_in_dim3A_64 {strides = array<i32>} : memref<64x128xf32, #tpu.memory_space<vmem>>, vector<64x128xf32>,
    } else {
    }
    %get3A_31 = arith.constant 0 : index
    %get3A_32 = arith.constant 0 : index
    %get3A_33 = arith.constant 0 : index
    %get3A_34 = vector.load %arg6[%get3A_31, %get3A_32, %get3A_33] : memref<1x1000x1xi32, #tpu.memory_space<vmem>>, vector<1x1000x1xi32>
    %get3A_35 = vector.shape_cast %get3A_34 : vector<1x1000x1xi32> to vector<1000x1xi32>
    %get3A_36 = arith.constant 0 : index
    %get3A_37 = arith.constant 0 : index
    %get3A_38 = arith.constant 0 : index
    %get3A_39 = vector.load %arg6[%get3A_36, %get3A_37, %get3A_38] : memref<1x1000x1xi32, #tpu.memory_space<vmem>>, vector<1x1x1xi32>
    %get3A_40 = vector.extract %get3A_39[0, 0, 0] : i32 from vector<1x1x1xi32>
    %get3A_41 = arith.constant 0 : index
    %get3A_42 = arith.constant 999 : index
    %get3A_43 = arith.constant 0 : index
    %get3A_44 = vector.load %arg6[%get3A_41, %get3A_42, %get3A_43] : memref<1x1000x1xi32, #tpu.memory_space<vmem>>, vector<1x1x1xi32>
    %get3A_45 = vector.extract %get3A_44[0, 0, 0] : i32 from vector<1x1x1xi32>
    %add3A_46 = arith.constant 1 : i32
    %add3A_47 = arith.addi %get3A_45, %add3A_46 : i32
    %while3A = arith.constant 0 : i32
    %while3A_48 = arith.subi %add3A_47, %get3A_40 : i32
    %while3A_49 = arith.addi %get3A_40, %while3A_48 : i32
    %while3A_50 = arith.constant 1 : i32
    %while3A_51 = arith.divsi %while3A_48, %while3A_50 : i32
    %while3A_52 = arith.muli %while3A_51, %while3A_50 : i32
    %while3A_53 = arith.addi %get3A_40, %while3A_52 : i32
    %while3A_54 = arith.constant 1 : i32
    %while3A_55 = scf.for %while3A_63 = %get3A_40 to %while3A_53 step %while3A_54 iter_args(%while3A_64 = %while3A) -> (i32)  : i32 {
      %eq3A_65 = vector.broadcast %while3A_63 : i32 to vector<1000x1xi32>
      %eq3A_66 = arith.cmpi eq, %get3A_35, %eq3A_65 : vector<1000x1xi32>
      %jit3A = arith.constant 0xFF800000 : f32
      %broadcast_in_dim3A_67 = vector.shape_cast %eq3A_66 : vector<1000x1xi1> to vector<1000x1xi1>
      %broadcast_in_dim3A_68 = vector.broadcast %broadcast_in_dim3A_67 : vector<1000x1xi1> to vector<1000x128xi1>
      %broadcast_in_dim3A_69 = vector.broadcast %jit3A : f32 to vector<1000x128xf32>
      %select_n3A = arith.select %broadcast_in_dim3A_68, %max3A_28, %broadcast_in_dim3A_69 : vector<1000x128xi1>, vector<1000x128xf32>
      %reduce_max3A = arith.constant dense<0xFF800000> : vector<128xf32>
      %reduce_max3A_70 = vector.multi_reduction <maximumf>, %select_n3A, %reduce_max3A [0] : vector<1000x128xf32> to vector<128xf32>
      %broadcast_in_dim3A_71 = vector.shape_cast %reduce_max3A_70 : vector<128xf32> to vector<1x128xf32>
      %get3A_72 = arith.index_cast %while3A_63 : i32 to index
      %get3A_73 = arith.constant 0 : index
      %get3A_74 = vector.load %arg10[%get3A_72, %get3A_73] : memref<64x128xf32, #tpu.memory_space<vmem>>, vector<1x128xf32>
      %max3A_75 = arith.maximumf %get3A_74, %broadcast_in_dim3A_71 : vector<1x128xf32>
      %swap3A = arith.index_cast %while3A_63 : i32 to index
      %swap3A_76 = arith.constant 0 : index
      %swap3A_77 = vector.load %arg10[%swap3A, %swap3A_76] : memref<64x128xf32, #tpu.memory_space<vmem>>, vector<1x128xf32>
      tpu.vector_store %arg10[%swap3A, %swap3A_76], %max3A_75 {strides = array<i32>} : memref<64x128xf32, #tpu.memory_space<vmem>>, vector<1x128xf32>,
      %while3A_78 = arith.constant 0 : i32
      scf.yield %while3A_78 : i32
    }
    %while3A_56 = arith.constant 1 : i32
    %while3A_57 = scf.for %while3A_63 = %while3A_53 to %while3A_49 step %while3A_56 iter_args(%while3A_64 = %while3A_55) -> (i32)  : i32 {
      %eq3A_65 = vector.broadcast %while3A_63 : i32 to vector<1000x1xi32>
      %eq3A_66 = arith.cmpi eq, %get3A_35, %eq3A_65 : vector<1000x1xi32>
      %jit3A = arith.constant 0xFF800000 : f32
      %broadcast_in_dim3A_67 = vector.shape_cast %eq3A_66 : vector<1000x1xi1> to vector<1000x1xi1>
      %broadcast_in_dim3A_68 = vector.broadcast %broadcast_in_dim3A_67 : vector<1000x1xi1> to vector<1000x128xi1>
      %broadcast_in_dim3A_69 = vector.broadcast %jit3A : f32 to vector<1000x128xf32>
      %select_n3A = arith.select %broadcast_in_dim3A_68, %max3A_28, %broadcast_in_dim3A_69 : vector<1000x128xi1>, vector<1000x128xf32>
      %reduce_max3A = arith.constant dense<0xFF800000> : vector<128xf32>
      %reduce_max3A_70 = vector.multi_reduction <maximumf>, %select_n3A, %reduce_max3A [0] : vector<1000x128xf32> to vector<128xf32>
      %broadcast_in_dim3A_71 = vector.shape_cast %reduce_max3A_70 : vector<128xf32> to vector<1x128xf32>
      %get3A_72 = arith.index_cast %while3A_63 : i32 to index
      %get3A_73 = arith.constant 0 : index
      %get3A_74 = vector.load %arg10[%get3A_72, %get3A_73] : memref<64x128xf32, #tpu.memory_space<vmem>>, vector<1x128xf32>
      %max3A_75 = arith.maximumf %get3A_74, %broadcast_in_dim3A_71 : vector<1x128xf32>
      %swap3A = arith.index_cast %while3A_63 : i32 to index
      %swap3A_76 = arith.constant 0 : index
      %swap3A_77 = vector.load %arg10[%swap3A, %swap3A_76] : memref<64x128xf32, #tpu.memory_space<vmem>>, vector<1x128xf32>
      tpu.vector_store %arg10[%swap3A, %swap3A_76], %max3A_75 {strides = array<i32>} : memref<64x128xf32, #tpu.memory_space<vmem>>, vector<1x128xf32>,
      %while3A_78 = arith.constant 0 : i32
      scf.yield %while3A_78 : i32
    }
    %eq3A_58 = arith.constant 9 : i32
    %eq3A_59 = arith.cmpi eq, %arg0, %eq3A_58 : i32
    %convert_element_type3A_60 = arith.extui %eq3A_59 : i1 to i32
    %cond3A_61 = arith.constant 0 : i32
    %cond3A_62 = arith.cmpi ne, %convert_element_type3A_60, %cond3A_61 : i32
    scf.if %cond3A_62 {
      %get3A_63 = arith.constant 0 : index
      %get3A_64 = arith.constant 0 : index
      %get3A_65 = vector.load %arg10[%get3A_63, %get3A_64] : memref<64x128xf32, #tpu.memory_space<vmem>>, vector<64x128xf32>
      %get3A_66 = arith.constant 0 : index
      %get3A_67 = arith.constant 0 : index
      %get3A_68 = vector.load %arg7[%get3A_66, %get3A_67] : memref<128x64xf32, #tpu.memory_space<vmem>>, vector<128x64xf32>
      %dot_general3A = arith.constant dense<0.000000e+00> : vector<64x64xf32>
      %dot_general3A_69 = tpu.matmul %get3A_65, %get3A_68, %dot_general3A {dimension_numbers = #tpu.dot_dimension_numbers<[1], [0], [0], [1], [0, 0, 1, 1], [], []>, transpose_lhs_hint = false} : vector<64x128xf32>, vector<128x64xf32>, vector<64x64xf32> -> vector<64x64xf32>
      %get3A_70 = arith.constant 0 : index
      %get3A_71 = arith.constant 0 : index
      %get3A_72 = vector.load %arg8[%get3A_70, %get3A_71] : memref<1x64xf32, #tpu.memory_space<vmem>>, vector<1x64xf32>
      %add3A_73 = vector.broadcast %get3A_72 : vector<1x64xf32> to vector<64x64xf32>
      %add3A_74 = arith.addf %dot_general3A_69, %add3A_73 : vector<64x64xf32>
      %swap3A = arith.constant 0 : index
      %swap3A_75 = arith.constant 0 : index
      %swap3A_76 = vector.load %arg9[%swap3A, %swap3A_75] : memref<64x64xf32, #tpu.memory_space<vmem>>, vector<64x64xf32>
      tpu.vector_store %arg9[%swap3A, %swap3A_75], %add3A_74 {strides = array<i32>} : memref<64x64xf32, #tpu.memory_space<vmem>>, vector<64x64xf32>,
    } else {
    }
    return
  }
  func.func @transform_0(%arg0: i32) -> (i32, i32, i32) {
    %c0_i32 = arith.constant 0 : i32
    %c0_i32_0 = arith.constant 0 : i32
    %c0_i32_1 = arith.constant 0 : i32
    return %arg0, %c0_i32, %c0_i32_0 : i32, i32, i32
  }
  func.func @transform_1(%arg0: i32) -> (i32, i32) {
    %c0_i32 = arith.constant 0 : i32
    %c0_i32_0 = arith.constant 0 : i32
    return %arg0, %c0_i32 : i32, i32
  }
  func.func @transform_2(%arg0: i32) -> (i32, i32) {
    %add3A = arith.constant 10 : i32
    %add3A_0 = arith.addi %arg0, %add3A : i32
    %c0_i32 = arith.constant 0 : i32
    %c0_i32_1 = arith.constant 0 : i32
    return %add3A_0, %c0_i32 : i32, i32
  }
  func.func @transform_3(%arg0: i32) -> (i32, i32) {
    %c0_i32 = arith.constant 0 : i32
    %c0_i32_0 = arith.constant 0 : i32
    return %arg0, %c0_i32 : i32, i32
  }
  func.func @transform_4(%arg0: i32) -> (i32, i32) {
    %c0_i32 = arith.constant 0 : i32
    %c0_i32_0 = arith.constant 0 : i32
    %c0_i32_1 = arith.constant 0 : i32
    return %c0_i32, %c0_i32_0 : i32, i32
  }
  func.func @transform_5(%arg0: i32) -> (i32, i32, i32) {
    %c0_i32 = arith.constant 0 : i32
    %c0_i32_0 = arith.constant 0 : i32
    %c0_i32_1 = arith.constant 0 : i32
    return %arg0, %c0_i32, %c0_i32_0 : i32, i32, i32
  }
  func.func @transform_6(%arg0: i32) -> (i32, i32) {
    %c0_i32 = arith.constant 0 : i32
    %c0_i32_0 = arith.constant 0 : i32
    %c0_i32_1 = arith.constant 0 : i32
    return %c0_i32, %c0_i32_0 : i32, i32
  }
  func.func @transform_7(%arg0: i32) -> (i32, i32) {
    %c0_i32 = arith.constant 0 : i32
    %c0_i32_0 = arith.constant 0 : i32
    %c0_i32_1 = arith.constant 0 : i32
    return %c0_i32, %c0_i32_0 : i32, i32
  }
  func.func @transform_8(%arg0: i32) -> (i32, i32) {
    %c0_i32 = arith.constant 0 : i32
    %c0_i32_0 = arith.constant 0 : i32
    %c0_i32_1 = arith.constant 0 : i32
    return %c0_i32, %c0_i32_0 : i32, i32
  }
}

</mosaic_0001>

<sc_bundles>
// kernel: kernel.11.cloned.1.call-start
scs
__scs_entry_jumppad:
0x0: {  	(pc) =	sbr.rel $0x88, $3  }
0x1: {  	(tag) =	ssettag $0x0;
	lr =	simm.s32 $0x1  }
0x2: {  	[smem:$0x3F98] =	sst lr;
	_ =	strace $0xD0000000  }
0x3: {  	_ = 	snop  }
0x4: {  	_ = 	snop  }
0x5: {  	_ = 	snop  }
0x6: {  	_ = 	snop  }
0x7: {  	_ = 	snop  }
__scs_overlays_trampoline_lowered:
0x8: {  	[smem:$0x3FA7] =	sst s0  }
0x9: {  	[smem:$0x3FA8] =	sst s1  }
0xa: {  	[smem:$0x3FA9] =	sst s2  }
0xb: {  	[smem:$0x3FAA] =	sst s3  }
0xc: {  	[smem:$0x3FAB] =	sst s4  }
0xd: {  	[smem:$0x3FAC] =	sst s5  }
0xe: {  	[smem:$0x3FAD] =	sst s6  }
0xf: {  	[smem:$0x3FAE] =	sst s7  }
0x10: {  	[smem:$0x3FAF] =	sst s8  }
0x11: {  	[smem:$0x3FB0] =	sst s9;
	s0 =	simm.s32 @!p0 $0x0  }
0x12: {  	s1 =	sld [smem:$0x3F96];
	s0 =	simm.s32 @p0 $0x1  }
0x13: {  	[smem:$0x3FB1] =	sst s0;
	s0 =	simm.s32 @!p1 $0x0  }
0x14: {  	s2 =	sld [smem:$0x3F95];
	s0 =	simm.s32 @p1 $0x1  }
0x15: {  	[smem:$0x3FB2] =	sst s0;
	s0 =	simm.s32 @!p2 $0x0  }
0x16: {  	s3 =	sld [smem:$0x3FDB];
	s0 =	simm.s32 @p2 $0x1  }
0x17: {  	s4 =	simm.s32 $0x1BF5;
	[smem:$0x3FB4] =	sst s0  }
0x18: {  	s0 =	sld [smem:$0x3F97];
	_ =	swait.ge [sflag:s4], $0x0  }
0x19: {  	s7 =	sld [smem:$0x3F98]  }
0x1a: {  	s8 =	sadd.s32 $0xFFFFE003, lr  }
0x1b: {  	s9 =	sadd.s32 $0xFFFFFEF7, lr;
	s5 =	simm.s32 $0xFFFFFFFF;
	p2 =	slt.u32 s8, $0xFFFFF086  }
0x1c: {  	p1 =	slt.u32 s9, $0xF7A;
	s5 =	simm.s32 @!p2 $0x0  }
0x1d: {  	s5 =	simm.s32 @p1 $0x1;
	p0 =	seq.s32 s7, s2  }
0x1e: {  	s7 =	smul.u32 @!p0 $0xF7A, s2;
	p2 =	seq.s32 @!p0 s5, $0x0  }
0x1f: {  	s9 =	smul.u32 $0xF7A, s1;
	s8 =	simm.s32 @!p0 $0x1BF5;
	p2 =	por !p2, p0  }
0x20: {  	[sflag:s8] =	ssyncset.s32 @!p0 $0xFFFFF086;
	s6 =	sadd.s32 @!p0 s3, s7;
	s7 =	simm.s32 @!p0 $0x108  }
0x21: {  	s3 =	sadd.s32 s3, s9;
	s6 =	sadd.s32 @!p0 $0x88, s6;
	s7 =	simm.s32 @p2 $0x1082  }
0x22: {  	[simem:s7], [sflag:s8] =	dma.local @!p0 [hbm:s6], $0xF7A  }
0x23: {  	s9 =	sor.u32 $0xD0000000, s2;
	s6 =	simm.s32 $0x108;
	_ =	swait.ge @!p0 [sflag:s8], $0x0  }
0x24: {  	s3 =	sadd.s32 $0x88, s3;
	s6 =	simm.s32 @!p1 $0x1082;
	[sflag:s4] =	ssyncset.s32 $0xFFFFF086  }
0x25: {  	[simem:s6], [sflag:s4] =	dma.local [hbm:s3], $0xF7A  }
0x26: {  	[smem:$0x3F98] =	sst s1;
	(tag) =	ssettag s2;
	_ =	strace s9  }
0x27: {  	s1 =	sld [smem:$0x3FA8]  }
0x28: {  	s2 =	sld [smem:$0x3FA9]  }
0x29: {  	s4 =	sld [smem:$0x3FAB]  }
0x2a: {  	p0 =	seq.s32 s5, $0x0;
	s5 =	sld [smem:$0x3FAC]  }
0x2b: {  	s6 =	sld [smem:$0x3FAD]  }
0x2c: {  	s7 =	sld [smem:$0x3FAE]  }
0x2d: {  	s3 =	simm.s32 $0x108;
	s8 =	sld [smem:$0x3FAF]  }
0x2e: {  	s3 =	simm.s32 @!p0 $0x1082;
	s9 =	sld [smem:$0x3FB0]  }
0x2f: {  	lr =	sadd.s32 s0, s3;
	s0 =	sld [smem:$0x3FA7]  }
0x30: {  	s3 =	sld [smem:$0x3FAA]  }
0x31: {  	[smem:$0x3FB3] =	sst s10  }
0x32: {  	s10 =	sld [smem:$0x3FB1];
	_ =	sdelay $0x3  }
0x33: {  	p0 =	seq.s32 s10, $0x1;
	s10 =	sld [smem:$0x3FB3];
	_ =	sdelay $0x3  }
0x34: {  	[smem:$0x3FB3] =	sst s10  }
0x35: {  	s10 =	sld [smem:$0x3FB2];
	_ =	sdelay $0x3  }
0x36: {  	p1 =	seq.s32 s10, $0x1;
	s10 =	sld [smem:$0x3FB3];
	_ =	sdelay $0x3  }
0x37: {  	[smem:$0x3FB3] =	sst s10  }
0x38: {  	s10 =	sld [smem:$0x3FB4]  }
0x39: {  	_ = 	snop;
	(pc) =	sbr.ind lr, $3  }
0x3a: {  	_ = 	snop  }
0x3b: {  	_ = 	snop  }
0x3c: {  	p2 =	seq.s32 s10, $0x1;
	s10 =	sld [smem:$0x3FB3]  }
0x3d: {  	_ =	shalt  }
0x3e: {  	_ =	shalt  }
0x3f: {  	_ =	shalt  }
0x40: {  	_ =	shalt  }
0x41: {  	_ =	shalt  }
0x42: {  	_ =	shalt  }
0x43: {  	_ =	shalt  }
0x44: {  	_ =	shalt  }
0x45: {  	_ =	shalt  }
0x46: {  	_ =	shalt  }
0x47: {  	_ =	shalt  }
0x48: {  	_ =	shalt  }
0x49: {  	_ =	shalt  }
0x4a: {  	_ =	shalt  }
0x4b: {  	_ =	shalt  }
0x4c: {  	_ =	shalt  }
0x4d: {  	_ =	shalt  }
0x4e: {  	_ =	shalt  }
0x4f: {  	_ =	shalt  }
0x50: {  	_ =	shalt  }
0x51: {  	_ =	shalt  }
0x52: {  	_ =	shalt  }
0x53: {  	_ =	shalt  }
0x54: {  	_ =	shalt  }
0x55: {  	_ =	shalt  }
0x56: {  	_ =	shalt  }
0x57: {  	_ =	shalt  }
0x58: {  	_ =	shalt  }
0x59: {  	_ =	shalt  }
0x5a: {  	_ =	shalt  }
0x5b: {  	_ =	shalt  }
0x5c: {  	_ =	shalt  }
0x5d: {  	_ =	shalt  }
0x5e: {  	_ =	shalt  }
0x5f: {  	_ =	shalt  }
0x60: {  	_ =	shalt  }
0x61: {  	_ =	shalt  }
0x62: {  	_ =	shalt  }
0x63: {  	_ =	shalt  }
0x64: {  	_ =	shalt  }
0x65: {  	_ =	shalt  }
0x66: {  	_ =	shalt  }
0x67: {  	_ =	shalt  }
0x68: {  	_ =	shalt  }
0x69: {  	_ =	shalt  }
0x6a: {  	_ =	shalt  }
0x6b: {  	_ =	shalt  }
0x6c: {  	_ =	shalt  }
0x6d: {  	_ =	shalt  }
0x6e: {  	_ =	shalt  }
0x6f: {  	_ =	shalt  }
0x70: {  	_ =	shalt  }
0x71: {  	_ =	shalt  }
0x72: {  	_ =	shalt  }
0x73: {  	_ =	shalt  }
0x74: {  	_ =	shalt  }
0x75: {  	_ =	shalt  }
0x76: {  	_ =	shalt  }
0x77: {  	_ =	shalt  }
0x78: {  	_ =	shalt  }
0x79: {  	_ =	shalt  }
0x7a: {  	_ =	shalt  }
0x7b: {  	_ =	shalt  }
0x7c: {  	_ =	shalt  }
0x7d: {  	_ =	shalt  }
0x7e: {  	_ =	shalt  }
0x7f: {  	_ =	shalt  }
0x80: {  	_ =	shalt  }
0x81: {  	_ =	shalt  }
0x82: {  	_ =	shalt  }
0x83: {  	_ =	shalt  }
0x84: {  	_ =	shalt  }
0x85: {  	_ =	shalt  }
0x86: {  	_ =	shalt  }
0x87: {  	_ =	shalt  }
.Lfunc_end0:
.L_simem_size_0:
called_computation.1_lowered:
.L_overlay_start_0:
0x88: {  	s2 =	sld [smem:$0x3FD9]  }
0x89: {  	s3 =	sld [smem:$0x3FFE];
	_ =	sdelay $0x1  }
0x8a: {  	s1 =	srdreg.scid  }
0x8b: {  	s0 =	sand.u32 $0x1, s1  }
0x8c: {  	s16 =	sshll.u32 s0, $0xA;
	s2 =	sadd.s32 s3, s2  }
0x8d: {  	s2 =	sadd.s32 s2, s16  }
0x8e: {  	[smem:$0x3FBF] =	sst s2  }
0x8f: {  	_ = 	snop  }
0x90: {  	(tm) =	ssettm $0x1  }
0x91: {  	s17 =	sld [smem:$0x3FFB];
	_ =	sdelay $0x3  }
0x92: {  	_ =	strace s17  }
0x93: {  	s2 =	sld [smem:$0x3FFC];
	_ =	sdelay $0x3  }
0x94: {  	_ =	strace s2  }
0x95: {  	s2 =	sld [smem:$0x3FFD];
	_ =	sdelay $0x3  }
0x96: {  	_ =	strace s2  }
0x97: {  	_ =	strace $0x8FFFFFFF  }
0x98: {  	s18 =	sld [smem:$0x3FDB];
	_ =	sdelay $0x1  }
0x99: {  	s19 =	simm.s32 $_scs_section_size  }
0x9a: {  	s4 =	simm.s32 $_size__tile_overlayer_lowered;
	s5 =	simm.s32 $_tile_overlayer_lowered  }
0x9b: {  	s22 =	simm.s32 $0x1BFF;
	s21 =	sshll.u32 s5, $0x1;
	s2 =	sadd.s32 s19, s18  }
0x9c: {  	s6 =	simm.s32 $0x0;
	s20 =	sshll.u32 s4, $0x1;
	s4 =	sadd.s32 s21, s2  }
0x9d: {  	[timem:s6], [sflag:s22] =	dma.local [hbm:s4], s20  }
0x9e: {  	_ =	swait.ge [sflag:s22], s20  }
0x9f: {  	s3 =	ssub.s32 $0x0, s20;
	[sflag:s22] =	ssyncset.done $0x0  }
0xa0: {  	[sflag:s22] =	ssyncadd.s32 s3;
	_ =	sdelay $0x1  }
0xa1: {  	s23 =	simm.s32 $0x1B8B  }
0xa2: {  	_ =	swait.ge [sflag:s23], $0x1  }
0xa3: {  	[sflag:s23] =	ssyncset.done $0x0  }
0xa4: {  	s25 =	simm.s32 $0x1B8E;
	s24 =	sld [smem:$0x3FFE];
	[sflag:s23] =	ssyncadd.s32 $0xFFFFFFFF  }
0xa5: {  	s26 =	simm.s32 $execute0_lowered;
	[smem:$0x3FD2] =	sst s25  }
0xa6: {  	s4 =	sshll.u32 s26, $0x1;
	_ =	strace $0x80000049;
	[dreg:$0x1] =	wrdreg $0xFFFFFFFF  }
0xa7: {  	s28 =	simm.s32 $_size_execute0_lowered;
	s2 =	sadd.s32 s2, s4;
	[dreg:$0x0] =	wrdreg $0x0  }
0xa8: {  	s4 =	sshll.u32 s28, $0x1;
	[dreg:$0x2] =	wrdreg s2  }
0xa9: {  	[dreg:$0x3] =	wrdreg s4  }
0xaa: {  	[dreg:$0x4] =	wrdreg $0xC0  }
0xab: {  	_ =	task [dreg:s6], $0x5FFFF  }
0xac: {  	[dreg:$0x1] =	wrdreg $0xFFFFFFFF  }
0xad: {  	[dreg:$0x0] =	wrdreg $0x60  }
0xae: {  	[dreg:$0x2] =	wrdreg s24  }
0xaf: {  	[dreg:$0x3] =	wrdreg $0xB8000  }
0xb0: {  	[dreg:$0x4] =	wrdreg $0x9  }
0xb1: {  	_ =	task.clear_ibuf [dreg:s6], $0x5FFFF;
	_ =	strace $0x90000049  }
0xb2: {  	s29 =	simm.s32 $0x9;
	_ =	strace $0x8000004B  }
0xb3: {  	_ =	swait.ge [sflag:s29], $0x1  }
0xb4: {  	[sflag:s29] =	ssyncadd.s32 $0xFFFFFFFF  }
0xb5: {  	_ =	strace $0x9000004B  }
0xb6: {  	_ =	sfence  }
0xb7: {  	s30 =	sld [smem:$0x0];
	_ =	sdelay $0x2  }
0xb8: {  	s31 =	sshll.u32 s1, $0xD;
	s1 =	sshrl.u32 s1, $0x2  }
0xb9: {  	s3 =	sand.u32 $0x4000, s31;
	s1 =	sadd.s32 s1, s30  }
0xba: {  	s0 =	sor.u32 s3, s0;
	s1 =	sshll.u32 s1, $0x11  }
0xbb: {  	s0 =	sor.u32 s1, s0  }
0xbc: {  	s0 =	sadd.s32 $0x8F2B, s0  }
0xbd: {  	[sflag:s0] =	ssyncadd.remote.s32 $0x1  }
0xbe: {  	_ =	sfence.sel $0xFFFF  }
0xbf: {  	[dreg:$0x0] =	wrdreg $0xFFFFFFFF;
	(pc) =	sbr.abs _section_cstart, $3  }
0xc0: {  	[dreg:$0x1] =	wrdreg $0xFFFFFFFF  }
0xc1: {  	_ =	task.clear_ibuf [dreg:s6], $0x2FFFF;
	_ =	strace $0x9FFFFFFF  }
0xc2: {  	(tm) =	ssettm $0x7FFFFFFF  }
0xc3: {  	_ =	shalt  }
tec
execute0_lowered:
.L_overlay_start_1:
0x0: {  	(tag) =	ssettag $0x1  }
0x1: {  	s5 =	rddreg [dreg:$0x0]  }
0x2: {  	s0 =	srdreg.scid;
	s2 =	rddreg [dreg:$0x1]  }
0x3: {  	s26 =	stileid.u32;
	s3 =	simm.s32 $0x0;
	s22 =	simm.s32 $0x2800  }
0x4: {  	s23 =	simm.s32 $0x50;
	s24 =	simm.s32 $0x9000;
	s25 =	simm.s32 $0x1  }
0x5: {  	s28 =	simm.s32 $0x6600;
	s14 =	sand.u32 $0x1, s0;
	s8 =	smul.u32 $0x4E000, s26  }
0x6: {  	[smem:$0x7FF] =	sst s3;
	s17 =	sadd.s32 $0x4DC00, s5;
	s18 =	smul.u32 $0x2700, s26  }
0x7: {  	s13 =	sadd.s32 $0x138000, s2;
	p0 =	sne.s32 s26, $0xF;
	s4 =	sshll.u32 s14, $0x4  }
0x8: {  	_ =	strace $0x8000004A;
	s29 =	ssub.s32 $0x2, s14;
	s20 =	smul.u32 $0x138800, s14  }
0x9: {  	s21 =	smul.u32 $0x27100, s14;
	s14 =	sadd.s32 $0x138800, s2;
	s6 =	sor.u32 s26, s4  }
0xa: {  	s4 =	sadd.s32 $0x26A00, s5;
	s30 =	sshrl.u32 s8, $0x2;
	s31 =	sshrl.u32 s29, $0x1  }
0xb: {  	s26 =	simm.s32 $0x2;
	s7 =	smul.u32 $0x500, s6;
	s6 =	sshll.u32 s6, $0xB  }
0xc: {  	s19 =	ssub.s32 s29, s31;
	s20 =	sshrl.u32 s20, $0x3;
	s18 =	sadd.s32 s18, s21  }
0xd: {  	s21 =	simm.s32 $0x3;
	s16 =	sadd.s32 s6, s5;
	s20 =	sadd.s32 s17, s20  }
0xe: {  	s17 =	sadd.s32 s17, s18;
	s19 =	smax.u32 s19, $0x1;
	s15 =	sadd.s32 s7, s5  }
0xf: {  	s5 =	sadd.s32 s30, s2;
	s16 =	sadd.s32 $0x2C00, s16;
	s18 =	sadd.s32 $0x27000, s20  }
0x10: {  	s20 =	simm.s32 $0x6800;
	s6 =	sadd.s32 $0x2800, s5;
	s7 =	sadd.s32 $0x5000, s5  }
0x11: {  	s8 =	sadd.s32 $0x7800, s5;
	s9 =	sadd.s32 $0xA000, s5;
	s10 =	sadd.s32 $0xC800, s5  }
0x12: {  	v0 =	vimm.f32 $0.0e+00;
	s11 =	sadd.s32 $0xF000, s5;
	s12 =	sadd.s32 $0x11800, s5;
	s15 =	sadd.s32 $0x1CA00, s15  }
.LBB2_1:
0x13: {  	s29 =	simm.s32 $0x0;
	s30 =	simm.s32 $0x200  }
.LBB2_2:
0x14: {  	p1 =	sne.s32 s30, $0x9E00;
	[tilespmem:s29+$0x6870] =	vst v0  }
0x15: {  	[tilespmem:s29+$0x6800] =	vst v0  }
0x16: {  	[tilespmem:s29+$0x6810] =	vst v0  }
.Ltmp0:
0x17: {  	[tilespmem:s29+$0x6820] =	vst v0;
	(pc) =	sbr.rel @p1 .LBB2_2-.Ltmp0, $4  }
0x18: {  	[tilespmem:s29+$0x6830] =	vst v0  }
0x19: {  	[tilespmem:s29+$0x6840] =	vst v0  }
0x1a: {  	[tilespmem:s29+$0x6850] =	vst v0  }
0x1b: {  	[tilespmem:s29+$0x6860] =	vst v0;
	s29 =	sshra.s32 s30, $0x2;
	s30 =	sadd.s32 $0x200, s30  }
0x1c: {  	[tilespmem:s29+$0x6870] =	vst v0  }
0x1d: {  	[tilespmem:s29+$0x6800] =	vst v0  }
0x1e: {  	[tilespmem:s29+$0x6810] =	vst v0  }
0x1f: {  	[tilespmem:s29+$0x6820] =	vst v0  }
0x20: {  	[tilespmem:s29+$0x6830] =	vst v0  }
0x21: {  	[tilespmem:s29+$0x6840] =	vst v0  }
0x22: {  	[tilespmem:s29+$0x6850] =	vst v0  }
0x23: {  	[tilespmem:s29+$0x6860] =	vst v0  }
0x24: {  	[spmem:s5] =	stream.linear.scatter [tilespmem:s20], [sflag:$0x3], $0x2800, $0x38;
	[tilespmem:$0x1F0C0] =	vst v63  }
0x25: {  	_ =	swait.ge [sflag:s21], $0x2800  }
0x26: {  	[sflag:s21] =	ssyncset.done $0x0  }
0x27: {  	[sflag:s21] =	ssyncadd.s32 $0xFFFFD800  }
0x28: {  	[spmem:s6] =	stream.linear.scatter [tilespmem:s20], [sflag:$0x3], $0x2800, $0x38;
	[tilespmem:$0x1F0C0] =	vst v63  }
0x29: {  	_ =	swait.ge [sflag:s21], $0x2800  }
0x2a: {  	[sflag:s21] =	ssyncset.done $0x0  }
0x2b: {  	[sflag:s21] =	ssyncadd.s32 $0xFFFFD800  }
0x2c: {  	[spmem:s7] =	stream.linear.scatter [tilespmem:s20], [sflag:$0x3], $0x2800, $0x38;
	[tilespmem:$0x1F0C0] =	vst v63  }
0x2d: {  	_ =	swait.ge [sflag:s21], $0x2800  }
0x2e: {  	[sflag:s21] =	ssyncset.done $0x0  }
0x2f: {  	[sflag:s21] =	ssyncadd.s32 $0xFFFFD800  }
0x30: {  	[spmem:s8] =	stream.linear.scatter [tilespmem:s20], [sflag:$0x3], $0x2800, $0x38;
	[tilespmem:$0x1F0C0] =	vst v63  }
0x31: {  	_ =	swait.ge [sflag:s21], $0x2800  }
0x32: {  	[sflag:s21] =	ssyncset.done $0x0  }
0x33: {  	[sflag:s21] =	ssyncadd.s32 $0xFFFFD800  }
0x34: {  	[spmem:s9] =	stream.linear.scatter [tilespmem:s20], [sflag:$0x3], $0x2800, $0x38;
	[tilespmem:$0x1F0C0] =	vst v63  }
0x35: {  	_ =	swait.ge [sflag:s21], $0x2800  }
0x36: {  	[sflag:s21] =	ssyncset.done $0x0  }
0x37: {  	[sflag:s21] =	ssyncadd.s32 $0xFFFFD800  }
0x38: {  	[spmem:s10] =	stream.linear.scatter [tilespmem:s20], [sflag:$0x3], $0x2800, $0x38;
	[tilespmem:$0x1F0C0] =	vst v63  }
0x39: {  	_ =	swait.ge [sflag:s21], $0x2800  }
0x3a: {  	[sflag:s21] =	ssyncset.done $0x0  }
0x3b: {  	[sflag:s21] =	ssyncadd.s32 $0xFFFFD800  }
0x3c: {  	[spmem:s11] =	stream.linear.scatter [tilespmem:s20], [sflag:$0x3], $0x2800, $0x38;
	[tilespmem:$0x1F0C0] =	vst v63  }
0x3d: {  	_ =	swait.ge [sflag:s21], $0x2800  }
0x3e: {  	[sflag:s21] =	ssyncset.done $0x0  }
0x3f: {  	[sflag:s21] =	ssyncadd.s32 $0xFFFFD800  }
0x40: {  	[spmem:s12] =	stream.linear.scatter [tilespmem:s20], [sflag:$0x3], $0x2000, $0x38;
	[tilespmem:$0x1F0C0] =	vst v63  }
0x41: {  	_ =	swait.ge [sflag:s21], $0x2000  }
0x42: {  	[sflag:s21] =	ssyncset.done $0x0  }
0x43: {  	s29 =	simm.s32 @!p0 $0x6800;
	s30 =	simm.s32 @!p0 $0x3;
	[sflag:s21] =	ssyncadd.s32 $0xFFFFE000  }
0x44: {  	[spmem:s13] =	stream.linear.scatter @!p0 [tilespmem:s29], [sflag:$0x3], $0x800, $0x38;
	[tilespmem:$0x1F0C0] =	vst v63  }
0x45: {  	_ =	swait.ge @!p0 [sflag:s30], $0x800  }
0x46: {  	[sflag:s30] =	ssyncset.done @!p0 $0x0  }
0x47: {  	[sflag:s30] =	ssyncadd.s32 @!p0 $0xFFFFF800  }
0x48: {  	[spmem:s14] =	stream.linear.scatter @!p0 [tilespmem:s29], [sflag:$0x3], $0x400, $0x38;
	[tilespmem:$0x1F0C0] =	vst v63  }
0x49: {  	_ =	swait.ge @!p0 [sflag:s30], $0x400  }
0x4a: {  	[sflag:s30] =	ssyncset.done @!p0 $0x0  }
0x4b: {  	s29 =	simm.s32 $0x0;
	[sflag:s30] =	ssyncadd.s32 @!p0 $0xFFFFFC00  }
0x4c: {  	[tilespmem:s29], [sflag:$0x3] =	stream.linear.gather [hbm4b:s15+s29], $0x2800, $0x38;
	[tilespmem:$0x1F0C0] =	vst v63  }
0x4d: {  	_ =	swait.ge [sflag:s21], $0x2800  }
0x4e: {  	[sflag:s21] =	ssyncset.done $0x0  }
0x4f: {  	[sflag:s21] =	ssyncadd.s32 $0xFFFFD800  }
0x50: {  	[tilespmem:s22], [sflag:$0x3] =	stream.linear.gather [hbm4b:s16+s29], $0x4000, $0x38;
	[tilespmem:$0x1F0C0] =	vst v63  }
0x51: {  	_ =	swait.ge [sflag:s21], $0x4000  }
0x52: {  	[sflag:s21] =	ssyncset.done $0x0  }
0x53: {  	[sflag:s21] =	ssyncadd.s32 $0xFFFFC000  }
0x54: {  	[bflag:$0x0] =	sbarrier.arrive $0xFFFF  }
0x55: {  	[tilespmem:s20], [sflag:$0x1] =	stream.indirect.gather [hbm4b:s4+s23], $0x80, s29, s23, $0xb8;
	[tilespmem:$0x1F0C0] =	vst v63  }
0x56: {  	s29 =	simm.s32 $0x50  }
0x57: {  	[tilespmem:s24], [sflag:$0x2] =	stream.indirect.gather [hbm4b:s4+s23], $0x80, s29, s23, $0xb8;
	[tilespmem:$0x1F0C0] =	vst v63  }
0x58: {  	_ =	swait.ge [sflag:s25], $0x2800  }
0x59: {  	[sflag:s25] =	ssyncset.done $0x0  }
0x5a: {  	s29 =	simm.s32 $0x2800;
	[sflag:s25] =	ssyncadd.s32 $0xFFFFD800  }
0x5b: {  	[spmem:s2] =	stream.indirect.scatter.add.f32 [tilespmem:s20], [sflag:$0x3], $0x80, s29, s23, $0xb8;
	[tilespmem:$0x1F0C0] =	vst v63  }
0x5c: {  	_ =	swait.ge [sflag:s21], $0x2800  }
0x5d: {  	[sflag:s21] =	ssyncset.done $0x0  }
0x5e: {  	s29 =	simm.s32 $0xA0;
	[sflag:s21] =	ssyncadd.s32 $0xFFFFD800  }
0x5f: {  	[tilespmem:s20], [sflag:$0x1] =	stream.indirect.gather [hbm4b:s4+s23], $0x80, s29, s23, $0xb8;
	[tilespmem:$0x1F0C0] =	vst v63  }
0x60: {  	_ =	swait.ge [sflag:s26], $0x2800  }
0x61: {  	[sflag:s26] =	ssyncset.done $0x0  }
0x62: {  	s29 =	simm.s32 $0x2880;
	[sflag:s26] =	ssyncadd.s32 $0xFFFFD800  }
0x63: {  	[spmem:s2] =	stream.indirect.scatter.add.f32 [tilespmem:s24], [sflag:$0x3], $0x80, s29, s23, $0xb8;
	[tilespmem:$0x1F0C0] =	vst v63  }
0x64: {  	s31 =	simm.s32 $0x800;
	_ =	swait.ge [sflag:s21], $0x2800  }
0x65: {  	s30 =	simm.s32 $0x400;
	s29 =	simm.s32 $0x140;
	[sflag:s21] =	ssyncset.done $0x0  }
.LBB2_4:
0x66: {  	p1 =	sne.s32 s31, $0xF400;
	s0 =	sadd.s32 $0xFFFFFFB0, s29;
	[sflag:s21] =	ssyncadd.s32 $0xFFFFD800  }
0x67: {  	[tilespmem:s24], [sflag:$0x2] =	stream.indirect.gather [hbm4b:s4+s23], $0x80, s0, s23, $0xb8;
	[tilespmem:$0x1F0C0] =	vst v63  }
0x68: {  	s0 =	smov.u32 s31;
	s31 =	sadd.s32 $0x400, s31;
	_ =	swait.ge [sflag:s25], $0x2800  }
0x69: {  	s1 =	sshra.s32 s30, $0x2;
	s30 =	smov.u32 s0;
	[sflag:s25] =	ssyncset.done $0x0  }
0x6a: {  	s0 =	sadd.s32 $0x2800, s1;
	[sflag:s25] =	ssyncadd.s32 $0xFFFFD800  }
0x6b: {  	[spmem:s2] =	stream.indirect.scatter.add.f32 [tilespmem:s20], [sflag:$0x3], $0x80, s0, s23, $0xb8;
	[tilespmem:$0x1F0C0] =	vst v63  }
0x6c: {  	_ =	swait.ge [sflag:s21], $0x2800  }
0x6d: {  	[sflag:s21] =	ssyncset.done $0x0  }
0x6e: {  	[sflag:s21] =	ssyncadd.s32 $0xFFFFD800  }
0x6f: {  	[tilespmem:s20], [sflag:$0x1] =	stream.indirect.gather [hbm4b:s4+s23], $0x80, s29, s23, $0xb8;
	[tilespmem:$0x1F0C0] =	vst v63  }
0x70: {  	_ =	swait.ge [sflag:s26], $0x2800  }
.Ltmp1:
0x71: {  	[sflag:s26] =	ssyncset.done $0x0;
	(pc) =	sbr.rel @p1 .LBB2_4-.Ltmp1, $4  }
0x72: {  	s0 =	sadd.s32 $0x2880, s1;
	[sflag:s26] =	ssyncadd.s32 $0xFFFFD800  }
0x73: {  	[spmem:s2] =	stream.indirect.scatter.add.f32 [tilespmem:s24], [sflag:$0x3], $0x80, s0, s23, $0xb8;
	[tilespmem:$0x1F0C0] =	vst v63  }
0x74: {  	_ =	swait.ge [sflag:s21], $0x2800  }
0x75: {  	s29 =	sadd.s32 $0xA0, s29;
	[sflag:s21] =	ssyncset.done $0x0  }
0x76: {  	s0 =	sadd.s32 $0xFFFFFFB0, s29;
	[sflag:s21] =	ssyncadd.s32 $0xFFFFD800  }
0x77: {  	[tilespmem:s24], [sflag:$0x2] =	stream.indirect.gather [hbm4b:s4+s23], $0x80, s0, s23, $0xb8;
	[tilespmem:$0x1F0C0] =	vst v63  }
0x78: {  	_ =	swait.ge [sflag:s25], $0x2800  }
0x79: {  	s31 =	sshra.s32 s30, $0x2;
	[sflag:s25] =	ssyncset.done $0x0  }
0x7a: {  	s1 =	sadd.s32 $0x2800, s31;
	[sflag:s25] =	ssyncadd.s32 $0xFFFFD800  }
0x7b: {  	[spmem:s2] =	stream.indirect.scatter.add.f32 [tilespmem:s20], [sflag:$0x3], $0x80, s1, s23, $0xb8;
	[tilespmem:$0x1F0C0] =	vst v63  }
0x7c: {  	_ =	swait.ge [sflag:s21], $0x2800  }
0x7d: {  	[sflag:s21] =	ssyncset.done $0x0  }
0x7e: {  	[sflag:s21] =	ssyncadd.s32 $0xFFFFD800  }
0x7f: {  	[tilespmem:s20], [sflag:$0x1] =	stream.indirect.gather [hbm4b:s4+s23], $0x80, s29, s23, $0xb8;
	[tilespmem:$0x1F0C0] =	vst v63  }
0x80: {  	_ =	swait.ge [sflag:s26], $0x2800  }
0x81: {  	[sflag:s26] =	ssyncset.done $0x0  }
0x82: {  	s0 =	sadd.s32 $0x2880, s31;
	[sflag:s26] =	ssyncadd.s32 $0xFFFFD800  }
0x83: {  	[spmem:s2] =	stream.indirect.scatter.add.f32 [tilespmem:s24], [sflag:$0x3], $0x80, s0, s23, $0xb8;
	[tilespmem:$0x1F0C0] =	vst v63  }
0x84: {  	_ =	swait.ge [sflag:s21], $0x2800  }
0x85: {  	[sflag:s21] =	ssyncset.done $0x0  }
0x86: {  	[sflag:s21] =	ssyncadd.s32 $0xFFFFD800  }
0x87: {  	_ =	swait.ge [sflag:s25], $0x2800  }
0x88: {  	[sflag:s25] =	ssyncset.done $0x0  }
0x89: {  	[sflag:s25] =	ssyncadd.s32 $0xFFFFD800  }
0x8a: {  	[spmem:s2] =	stream.indirect.scatter.add.f32 [tilespmem:s20], [sflag:$0x3], $0x80, s28, s23, $0xb8;
	[tilespmem:$0x1F0C0] =	vst v63  }
0x8b: {  	_ =	swait.ge [sflag:s21], $0x2800  }
0x8c: {  	s30 =	stileid.u32;
	[sflag:s21] =	ssyncset.done $0x0  }
0x8d: {  	s0 =	sshll.u32 s30, $0x6;
	[sflag:s21] =	ssyncadd.s32 $0xFFFFD800  }
0x8e: {  	s31 =	sshrl.u32 s5, $0x3;
	s0 =	sor.u32 $0x1C03, s0;
	[bflag:$0x0] =	sbarrier.arrive $0xFFFF  }
0x8f: {  	[hbm:s17], [sflag:s0] =	dma.local [spmem:s31], $0x2700  }
0x90: {  	_ =	swait.ge [sflag:s21], $0x2700  }
0x91: {  	s3 =	sadd.s32 $0x1, s3;
	[sflag:s21] =	ssyncset.done $0x0  }
0x92: {  	p1 =	sne.s32 s3, s19;
	s1 =	sshrl.u32 @!p0 s13, $0x3;
	[sflag:s21] =	ssyncadd.s32 $0xFFFFD900  }
0x93: {  	[hbm:s18], [sflag:s0] =	dma.local @!p0 [spmem:s1], $0x100  }
.Ltmp2:
0x94: {  	_ = 	snop;
	(pc) =	sbr.rel @p1 .LBB2_1-.Ltmp2, $4  }
0x95: {  	s0 =	simm.s32 @!p0 $0x3  }
0x96: {  	_ =	swait.ge @!p0 [sflag:s0], $0x100  }
0x97: {  	[sflag:s0] =	ssyncset.done @!p0 $0x0  }
0x98: {  	[sflag:s0] =	ssyncadd.s32 @!p0 $0xFFFFFF00  }
0x99: {  	_ =	sfence.sel $0x180000  }
0x9a: {  	[bflag:$0x0] =	sbarrier.arrive $0xFFFF  }
0x9b: {  	_ =	strace $0x9000004A  }
0x9c: {  	s0 =	stileid.u32;
	[bflag:$0x2] =	sbarrier.arrive $0xFFFF  }
0x9d: {  	p0 =	sne.s32 s0, $0x0;
	s0 =	rddreg [dreg:$0x2]  }
0x9e: {  	s0 =	sadd.s32 @!p0 $0x100000, s0  }
0x9f: {  	[sflag:s0] =	ssyncadd.tile.s32 @!p0 $0x1;
	_ =	shalt  }
.Lfunc_end2:
_tile_overlayer_lowered:
.L_overlay_start_2:
0xa0: {  	(tag) =	ssettag $0x2  }
0xa1: {  	s0 =	rddreg [dreg:$0x0];
	s2 =	stileid.u32  }
0xa2: {  	s1 =	rddreg [dreg:$0x1];
	p0 =	sne.s32 s2, $0x0  }
0xa3: {  	s3 =	rddreg [dreg:$0x2];
	[bflag:$0x3] =	sbarrier.arrive $0xFFFF;
	s2 =	simm.s32 @!p0 $0x1C03  }
0xa4: {  	[timem:s3], [sflag:s2] =	dma.local @!p0 [hbm:s0], s1  }
0xa5: {  	s0 =	simm.s32 @!p0 $0x3  }
0xa6: {  	_ =	swait.ge @!p0 [sflag:s0], s1  }
0xa7: {  	s1 =	ssub.s32 @!p0 $0x0, s1;
	[sflag:s0] =	ssyncset.done @!p0 $0x0  }
0xa8: {  	[sflag:s0] =	ssyncadd.s32 @!p0 s1  }
0xa9: {  	[bflag:$0x3] =	sbarrier.arrive $0xFFFF  }
0xaa: {  	_ =	shalt  }

// kernel: kernel.14.cloned.1.call-start
scs
__scs_entry_jumppad:
0x0: {  	(pc) =	sbr.rel $0x88, $3  }
0x1: {  	(tag) =	ssettag $0x0;
	lr =	simm.s32 $0x1  }
0x2: {  	[smem:$0x3F98] =	sst lr;
	_ =	strace $0xD0000000  }
0x3: {  	_ = 	snop  }
0x4: {  	_ = 	snop  }
0x5: {  	_ = 	snop  }
0x6: {  	_ = 	snop  }
0x7: {  	_ = 	snop  }
__scs_overlays_trampoline_lowered:
0x8: {  	[smem:$0x3FA7] =	sst s0  }
0x9: {  	[smem:$0x3FA8] =	sst s1  }
0xa: {  	[smem:$0x3FA9] =	sst s2  }
0xb: {  	[smem:$0x3FAA] =	sst s3  }
0xc: {  	[smem:$0x3FAB] =	sst s4  }
0xd: {  	[smem:$0x3FAC] =	sst s5  }
0xe: {  	[smem:$0x3FAD] =	sst s6  }
0xf: {  	[smem:$0x3FAE] =	sst s7  }
0x10: {  	[smem:$0x3FAF] =	sst s8  }
0x11: {  	[smem:$0x3FB0] =	sst s9;
	s0 =	simm.s32 @!p0 $0x0  }
0x12: {  	s1 =	sld [smem:$0x3F96];
	s0 =	simm.s32 @p0 $0x1  }
0x13: {  	[smem:$0x3FB1] =	sst s0;
	s0 =	simm.s32 @!p1 $0x0  }
0x14: {  	s2 =	sld [smem:$0x3F95];
	s0 =	simm.s32 @p1 $0x1  }
0x15: {  	[smem:$0x3FB2] =	sst s0;
	s0 =	simm.s32 @!p2 $0x0  }
0x16: {  	s3 =	sld [smem:$0x3FDB];
	s0 =	simm.s32 @p2 $0x1  }
0x17: {  	s4 =	simm.s32 $0x1BF5;
	[smem:$0x3FB4] =	sst s0  }
0x18: {  	s0 =	sld [smem:$0x3F97];
	_ =	swait.ge [sflag:s4], $0x0  }
0x19: {  	s7 =	sld [smem:$0x3F98]  }
0x1a: {  	s8 =	sadd.s32 $0xFFFFE003, lr  }
0x1b: {  	s9 =	sadd.s32 $0xFFFFFEF7, lr;
	s5 =	simm.s32 $0xFFFFFFFF;
	p2 =	slt.u32 s8, $0xFFFFF086  }
0x1c: {  	p1 =	slt.u32 s9, $0xF7A;
	s5 =	simm.s32 @!p2 $0x0  }
0x1d: {  	s5 =	simm.s32 @p1 $0x1;
	p0 =	seq.s32 s7, s2  }
0x1e: {  	s7 =	smul.u32 @!p0 $0xF7A, s2;
	p2 =	seq.s32 @!p0 s5, $0x0  }
0x1f: {  	s9 =	smul.u32 $0xF7A, s1;
	s8 =	simm.s32 @!p0 $0x1BF5;
	p2 =	por !p2, p0  }
0x20: {  	[sflag:s8] =	ssyncset.s32 @!p0 $0xFFFFF086;
	s6 =	sadd.s32 @!p0 s3, s7;
	s7 =	simm.s32 @!p0 $0x108  }
0x21: {  	s3 =	sadd.s32 s3, s9;
	s6 =	sadd.s32 @!p0 $0x88, s6;
	s7 =	simm.s32 @p2 $0x1082  }
0x22: {  	[simem:s7], [sflag:s8] =	dma.local @!p0 [hbm:s6], $0xF7A  }
0x23: {  	s9 =	sor.u32 $0xD0000000, s2;
	s6 =	simm.s32 $0x108;
	_ =	swait.ge @!p0 [sflag:s8], $0x0  }
0x24: {  	s3 =	sadd.s32 $0x88, s3;
	s6 =	simm.s32 @!p1 $0x1082;
	[sflag:s4] =	ssyncset.s32 $0xFFFFF086  }
0x25: {  	[simem:s6], [sflag:s4] =	dma.local [hbm:s3], $0xF7A  }
0x26: {  	[smem:$0x3F98] =	sst s1;
	(tag) =	ssettag s2;
	_ =	strace s9  }
0x27: {  	s1 =	sld [smem:$0x3FA8]  }
0x28: {  	s2 =	sld [smem:$0x3FA9]  }
0x29: {  	s4 =	sld [smem:$0x3FAB]  }
0x2a: {  	p0 =	seq.s32 s5, $0x0;
	s5 =	sld [smem:$0x3FAC]  }
0x2b: {  	s6 =	sld [smem:$0x3FAD]  }
0x2c: {  	s7 =	sld [smem:$0x3FAE]  }
0x2d: {  	s3 =	simm.s32 $0x108;
	s8 =	sld [smem:$0x3FAF]  }
0x2e: {  	s3 =	simm.s32 @!p0 $0x1082;
	s9 =	sld [smem:$0x3FB0]  }
0x2f: {  	lr =	sadd.s32 s0, s3;
	s0 =	sld [smem:$0x3FA7]  }
0x30: {  	s3 =	sld [smem:$0x3FAA]  }
0x31: {  	[smem:$0x3FB3] =	sst s10  }
0x32: {  	s10 =	sld [smem:$0x3FB1];
	_ =	sdelay $0x3  }
0x33: {  	p0 =	seq.s32 s10, $0x1;
	s10 =	sld [smem:$0x3FB3];
	_ =	sdelay $0x3  }
0x34: {  	[smem:$0x3FB3] =	sst s10  }
0x35: {  	s10 =	sld [smem:$0x3FB2];
	_ =	sdelay $0x3  }
0x36: {  	p1 =	seq.s32 s10, $0x1;
	s10 =	sld [smem:$0x3FB3];
	_ =	sdelay $0x3  }
0x37: {  	[smem:$0x3FB3] =	sst s10  }
0x38: {  	s10 =	sld [smem:$0x3FB4]  }
0x39: {  	_ = 	snop;
	(pc) =	sbr.ind lr, $3  }
0x3a: {  	_ = 	snop  }
0x3b: {  	_ = 	snop  }
0x3c: {  	p2 =	seq.s32 s10, $0x1;
	s10 =	sld [smem:$0x3FB3]  }
0x3d: {  	_ =	shalt  }
0x3e: {  	_ =	shalt  }
0x3f: {  	_ =	shalt  }
0x40: {  	_ =	shalt  }
0x41: {  	_ =	shalt  }
0x42: {  	_ =	shalt  }
0x43: {  	_ =	shalt  }
0x44: {  	_ =	shalt  }
0x45: {  	_ =	shalt  }
0x46: {  	_ =	shalt  }
0x47: {  	_ =	shalt  }
0x48: {  	_ =	shalt  }
0x49: {  	_ =	shalt  }
0x4a: {  	_ =	shalt  }
0x4b: {  	_ =	shalt  }
0x4c: {  	_ =	shalt  }
0x4d: {  	_ =	shalt  }
0x4e: {  	_ =	shalt  }
0x4f: {  	_ =	shalt  }
0x50: {  	_ =	shalt  }
0x51: {  	_ =	shalt  }
0x52: {  	_ =	shalt  }
0x53: {  	_ =	shalt  }
0x54: {  	_ =	shalt  }
0x55: {  	_ =	shalt  }
0x56: {  	_ =	shalt  }
0x57: {  	_ =	shalt  }
0x58: {  	_ =	shalt  }
0x59: {  	_ =	shalt  }
0x5a: {  	_ =	shalt  }
0x5b: {  	_ =	shalt  }
0x5c: {  	_ =	shalt  }
0x5d: {  	_ =	shalt  }
0x5e: {  	_ =	shalt  }
0x5f: {  	_ =	shalt  }
0x60: {  	_ =	shalt  }
0x61: {  	_ =	shalt  }
0x62: {  	_ =	shalt  }
0x63: {  	_ =	shalt  }
0x64: {  	_ =	shalt  }
0x65: {  	_ =	shalt  }
0x66: {  	_ =	shalt  }
0x67: {  	_ =	shalt  }
0x68: {  	_ =	shalt  }
0x69: {  	_ =	shalt  }
0x6a: {  	_ =	shalt  }
0x6b: {  	_ =	shalt  }
0x6c: {  	_ =	shalt  }
0x6d: {  	_ =	shalt  }
0x6e: {  	_ =	shalt  }
0x6f: {  	_ =	shalt  }
0x70: {  	_ =	shalt  }
0x71: {  	_ =	shalt  }
0x72: {  	_ =	shalt  }
0x73: {  	_ =	shalt  }
0x74: {  	_ =	shalt  }
0x75: {  	_ =	shalt  }
0x76: {  	_ =	shalt  }
0x77: {  	_ =	shalt  }
0x78: {  	_ =	shalt  }
0x79: {  	_ =	shalt  }
0x7a: {  	_ =	shalt  }
0x7b: {  	_ =	shalt  }
0x7c: {  	_ =	shalt  }
0x7d: {  	_ =	shalt  }
0x7e: {  	_ =	shalt  }
0x7f: {  	_ =	shalt  }
0x80: {  	_ =	shalt  }
0x81: {  	_ =	shalt  }
0x82: {  	_ =	shalt  }
0x83: {  	_ =	shalt  }
0x84: {  	_ =	shalt  }
0x85: {  	_ =	shalt  }
0x86: {  	_ =	shalt  }
0x87: {  	_ =	shalt  }
.Lfunc_end0:
.L_simem_size_0:
called_computation.2_lowered:
.L_overlay_start_0:
0x88: {  	s2 =	sld [smem:$0x3FD9]  }
0x89: {  	s3 =	sld [smem:$0x3FFE];
	_ =	sdelay $0x1  }
0x8a: {  	s1 =	srdreg.scid  }
0x8b: {  	s0 =	sand.u32 $0x1, s1  }
0x8c: {  	s16 =	sshll.u32 s0, $0xA;
	s2 =	sadd.s32 s3, s2  }
0x8d: {  	s2 =	sadd.s32 s2, s16  }
0x8e: {  	[smem:$0x3FBF] =	sst s2  }
0x8f: {  	_ = 	snop  }
0x90: {  	(tm) =	ssettm $0x1  }
0x91: {  	s17 =	sld [smem:$0x3FFB];
	_ =	sdelay $0x3  }
0x92: {  	_ =	strace s17  }
0x93: {  	s2 =	sld [smem:$0x3FFC];
	_ =	sdelay $0x3  }
0x94: {  	_ =	strace s2  }
0x95: {  	s2 =	sld [smem:$0x3FFD];
	_ =	sdelay $0x3  }
0x96: {  	_ =	strace s2  }
0x97: {  	_ =	strace $0x8FFFFFFF  }
0x98: {  	s18 =	sld [smem:$0x3FDB];
	_ =	sdelay $0x1  }
0x99: {  	s19 =	simm.s32 $_scs_section_size  }
0x9a: {  	s4 =	simm.s32 $_size__tile_overlayer_lowered;
	s5 =	simm.s32 $_tile_overlayer_lowered  }
0x9b: {  	s22 =	simm.s32 $0x1BFF;
	s21 =	sshll.u32 s5, $0x1;
	s2 =	sadd.s32 s19, s18  }
0x9c: {  	s6 =	simm.s32 $0x0;
	s20 =	sshll.u32 s4, $0x1;
	s4 =	sadd.s32 s21, s2  }
0x9d: {  	[timem:s6], [sflag:s22] =	dma.local [hbm:s4], s20  }
0x9e: {  	_ =	swait.ge [sflag:s22], s20  }
0x9f: {  	s3 =	ssub.s32 $0x0, s20;
	[sflag:s22] =	ssyncset.done $0x0  }
0xa0: {  	[sflag:s22] =	ssyncadd.s32 s3;
	_ =	sdelay $0x1  }
0xa1: {  	s23 =	simm.s32 $0x1B8B  }
0xa2: {  	_ =	swait.ge [sflag:s23], $0x1  }
0xa3: {  	[sflag:s23] =	ssyncset.done $0x0  }
0xa4: {  	s25 =	simm.s32 $0x1B8E;
	s24 =	sld [smem:$0x3FFE];
	[sflag:s23] =	ssyncadd.s32 $0xFFFFFFFF  }
0xa5: {  	s26 =	simm.s32 $execute0_lowered;
	[smem:$0x3FD2] =	sst s25  }
0xa6: {  	s4 =	sshll.u32 s26, $0x1;
	_ =	strace $0x8000004C;
	[dreg:$0x1] =	wrdreg $0xFFFFFFFF  }
0xa7: {  	s28 =	simm.s32 $_size_execute0_lowered;
	s2 =	sadd.s32 s2, s4;
	[dreg:$0x0] =	wrdreg $0x0  }
0xa8: {  	s4 =	sshll.u32 s28, $0x1;
	[dreg:$0x2] =	wrdreg s2  }
0xa9: {  	[dreg:$0x3] =	wrdreg s4  }
0xaa: {  	[dreg:$0x4] =	wrdreg $0xC0  }
0xab: {  	_ =	task [dreg:s6], $0x5FFFF  }
0xac: {  	[dreg:$0x1] =	wrdreg $0xFFFFFFFF  }
0xad: {  	[dreg:$0x0] =	wrdreg $0x60  }
0xae: {  	[dreg:$0x2] =	wrdreg s24  }
0xaf: {  	[dreg:$0x3] =	wrdreg $0xB8000  }
0xb0: {  	[dreg:$0x4] =	wrdreg $0x9  }
0xb1: {  	_ =	task.clear_ibuf [dreg:s6], $0x5FFFF;
	_ =	strace $0x9000004C  }
0xb2: {  	s29 =	simm.s32 $0x9;
	_ =	strace $0x8000004E  }
0xb3: {  	_ =	swait.ge [sflag:s29], $0x1  }
0xb4: {  	[sflag:s29] =	ssyncadd.s32 $0xFFFFFFFF  }
0xb5: {  	_ =	strace $0x9000004E  }
0xb6: {  	_ =	sfence  }
0xb7: {  	s30 =	sld [smem:$0x0];
	_ =	sdelay $0x2  }
0xb8: {  	s31 =	sshll.u32 s1, $0xD;
	s1 =	sshrl.u32 s1, $0x2  }
0xb9: {  	s3 =	sand.u32 $0x4000, s31;
	s1 =	sadd.s32 s1, s30  }
0xba: {  	s0 =	sor.u32 s3, s0;
	s1 =	sshll.u32 s1, $0x11  }
0xbb: {  	s0 =	sor.u32 s1, s0  }
0xbc: {  	s0 =	sadd.s32 $0x8F2B, s0  }
0xbd: {  	[sflag:s0] =	ssyncadd.remote.s32 $0x1  }
0xbe: {  	_ =	sfence.sel $0xFFFF  }
0xbf: {  	[dreg:$0x0] =	wrdreg $0xFFFFFFFF;
	(pc) =	sbr.abs _section_cstart, $3  }
0xc0: {  	[dreg:$0x1] =	wrdreg $0xFFFFFFFF  }
0xc1: {  	_ =	task.clear_ibuf [dreg:s6], $0x2FFFF;
	_ =	strace $0x9FFFFFFF  }
0xc2: {  	(tm) =	ssettm $0x7FFFFFFF  }
0xc3: {  	_ =	shalt  }
tec
execute0_lowered:
.L_overlay_start_1:
0x0: {  	(tag) =	ssettag $0x1  }
0x1: {  	s5 =	rddreg [dreg:$0x0]  }
0x2: {  	s0 =	srdreg.scid;
	s2 =	rddreg [dreg:$0x1]  }
0x3: {  	s26 =	stileid.u32;
	s3 =	simm.s32 $0x0;
	s22 =	simm.s32 $0x2800  }
0x4: {  	s23 =	simm.s32 $0x50;
	s24 =	simm.s32 $0x9000;
	s25 =	simm.s32 $0x1  }
0x5: {  	s28 =	simm.s32 $0x6600;
	s14 =	sand.u32 $0x1, s0;
	s8 =	smul.u32 $0x4E000, s26  }
0x6: {  	[smem:$0x7FF] =	sst s3;
	s17 =	sadd.s32 $0x4DC00, s5;
	s18 =	smul.u32 $0x2700, s26  }
0x7: {  	s13 =	sadd.s32 $0x138000, s2;
	p0 =	sne.s32 s26, $0xF;
	s4 =	sshll.u32 s14, $0x4  }
0x8: {  	_ =	strace $0x8000004D;
	s29 =	ssub.s32 $0x2, s14;
	s20 =	smul.u32 $0x138800, s14  }
0x9: {  	s21 =	smul.u32 $0x27100, s14;
	s14 =	sadd.s32 $0x138800, s2;
	s6 =	sor.u32 s26, s4  }
0xa: {  	s4 =	sadd.s32 $0x26A00, s5;
	s30 =	sshrl.u32 s8, $0x2;
	s31 =	sshrl.u32 s29, $0x1  }
0xb: {  	s26 =	simm.s32 $0x2;
	s7 =	smul.u32 $0x500, s6;
	s6 =	sshll.u32 s6, $0xB  }
0xc: {  	s19 =	ssub.s32 s29, s31;
	s20 =	sshrl.u32 s20, $0x3;
	s18 =	sadd.s32 s18, s21  }
0xd: {  	s21 =	simm.s32 $0x3;
	s16 =	sadd.s32 s6, s5;
	s20 =	sadd.s32 s17, s20  }
0xe: {  	s17 =	sadd.s32 s17, s18;
	s19 =	smax.u32 s19, $0x1;
	s15 =	sadd.s32 s7, s5  }
0xf: {  	s5 =	sadd.s32 s30, s2;
	s16 =	sadd.s32 $0x2C00, s16;
	s18 =	sadd.s32 $0x27000, s20  }
0x10: {  	s20 =	simm.s32 $0x6800;
	s6 =	sadd.s32 $0x2800, s5;
	s7 =	sadd.s32 $0x5000, s5  }
0x11: {  	s8 =	sadd.s32 $0x7800, s5;
	s9 =	sadd.s32 $0xA000, s5;
	s10 =	sadd.s32 $0xC800, s5  }
0x12: {  	v0 =	vimm.f32 $0.0e+00;
	s11 =	sadd.s32 $0xF000, s5;
	s12 =	sadd.s32 $0x11800, s5;
	s15 =	sadd.s32 $0x1CA00, s15  }
.LBB2_1:
0x13: {  	s29 =	simm.s32 $0x0;
	s30 =	simm.s32 $0x200  }
.LBB2_2:
0x14: {  	p1 =	sne.s32 s30, $0x9E00;
	[tilespmem:s29+$0x6870] =	vst v0  }
0x15: {  	[tilespmem:s29+$0x6800] =	vst v0  }
0x16: {  	[tilespmem:s29+$0x6810] =	vst v0  }
.Ltmp0:
0x17: {  	[tilespmem:s29+$0x6820] =	vst v0;
	(pc) =	sbr.rel @p1 .LBB2_2-.Ltmp0, $4  }
0x18: {  	[tilespmem:s29+$0x6830] =	vst v0  }
0x19: {  	[tilespmem:s29+$0x6840] =	vst v0  }
0x1a: {  	[tilespmem:s29+$0x6850] =	vst v0  }
0x1b: {  	[tilespmem:s29+$0x6860] =	vst v0;
	s29 =	sshra.s32 s30, $0x2;
	s30 =	sadd.s32 $0x200, s30  }
0x1c: {  	[tilespmem:s29+$0x6870] =	vst v0  }
0x1d: {  	[tilespmem:s29+$0x6800] =	vst v0  }
0x1e: {  	[tilespmem:s29+$0x6810] =	vst v0  }
0x1f: {  	[tilespmem:s29+$0x6820] =	vst v0  }
0x20: {  	[tilespmem:s29+$0x6830] =	vst v0  }
0x21: {  	[tilespmem:s29+$0x6840] =	vst v0  }
0x22: {  	[tilespmem:s29+$0x6850] =	vst v0  }
0x23: {  	[tilespmem:s29+$0x6860] =	vst v0  }
0x24: {  	[spmem:s5] =	stream.linear.scatter [tilespmem:s20], [sflag:$0x3], $0x2800, $0x38;
	[tilespmem:$0x1F0C0] =	vst v63  }
0x25: {  	_ =	swait.ge [sflag:s21], $0x2800  }
0x26: {  	[sflag:s21] =	ssyncset.done $0x0  }
0x27: {  	[sflag:s21] =	ssyncadd.s32 $0xFFFFD800  }
0x28: {  	[spmem:s6] =	stream.linear.scatter [tilespmem:s20], [sflag:$0x3], $0x2800, $0x38;
	[tilespmem:$0x1F0C0] =	vst v63  }
0x29: {  	_ =	swait.ge [sflag:s21], $0x2800  }
0x2a: {  	[sflag:s21] =	ssyncset.done $0x0  }
0x2b: {  	[sflag:s21] =	ssyncadd.s32 $0xFFFFD800  }
0x2c: {  	[spmem:s7] =	stream.linear.scatter [tilespmem:s20], [sflag:$0x3], $0x2800, $0x38;
	[tilespmem:$0x1F0C0] =	vst v63  }
0x2d: {  	_ =	swait.ge [sflag:s21], $0x2800  }
0x2e: {  	[sflag:s21] =	ssyncset.done $0x0  }
0x2f: {  	[sflag:s21] =	ssyncadd.s32 $0xFFFFD800  }
0x30: {  	[spmem:s8] =	stream.linear.scatter [tilespmem:s20], [sflag:$0x3], $0x2800, $0x38;
	[tilespmem:$0x1F0C0] =	vst v63  }
0x31: {  	_ =	swait.ge [sflag:s21], $0x2800  }
0x32: {  	[sflag:s21] =	ssyncset.done $0x0  }
0x33: {  	[sflag:s21] =	ssyncadd.s32 $0xFFFFD800  }
0x34: {  	[spmem:s9] =	stream.linear.scatter [tilespmem:s20], [sflag:$0x3], $0x2800, $0x38;
	[tilespmem:$0x1F0C0] =	vst v63  }
0x35: {  	_ =	swait.ge [sflag:s21], $0x2800  }
0x36: {  	[sflag:s21] =	ssyncset.done $0x0  }
0x37: {  	[sflag:s21] =	ssyncadd.s32 $0xFFFFD800  }
0x38: {  	[spmem:s10] =	stream.linear.scatter [tilespmem:s20], [sflag:$0x3], $0x2800, $0x38;
	[tilespmem:$0x1F0C0] =	vst v63  }
0x39: {  	_ =	swait.ge [sflag:s21], $0x2800  }
0x3a: {  	[sflag:s21] =	ssyncset.done $0x0  }
0x3b: {  	[sflag:s21] =	ssyncadd.s32 $0xFFFFD800  }
0x3c: {  	[spmem:s11] =	stream.linear.scatter [tilespmem:s20], [sflag:$0x3], $0x2800, $0x38;
	[tilespmem:$0x1F0C0] =	vst v63  }
0x3d: {  	_ =	swait.ge [sflag:s21], $0x2800  }
0x3e: {  	[sflag:s21] =	ssyncset.done $0x0  }
0x3f: {  	[sflag:s21] =	ssyncadd.s32 $0xFFFFD800  }
0x40: {  	[spmem:s12] =	stream.linear.scatter [tilespmem:s20], [sflag:$0x3], $0x2000, $0x38;
	[tilespmem:$0x1F0C0] =	vst v63  }
0x41: {  	_ =	swait.ge [sflag:s21], $0x2000  }
0x42: {  	[sflag:s21] =	ssyncset.done $0x0  }
0x43: {  	s29 =	simm.s32 @!p0 $0x6800;
	s30 =	simm.s32 @!p0 $0x3;
	[sflag:s21] =	ssyncadd.s32 $0xFFFFE000  }
0x44: {  	[spmem:s13] =	stream.linear.scatter @!p0 [tilespmem:s29], [sflag:$0x3], $0x800, $0x38;
	[tilespmem:$0x1F0C0] =	vst v63  }
0x45: {  	_ =	swait.ge @!p0 [sflag:s30], $0x800  }
0x46: {  	[sflag:s30] =	ssyncset.done @!p0 $0x0  }
0x47: {  	[sflag:s30] =	ssyncadd.s32 @!p0 $0xFFFFF800  }
0x48: {  	[spmem:s14] =	stream.linear.scatter @!p0 [tilespmem:s29], [sflag:$0x3], $0x400, $0x38;
	[tilespmem:$0x1F0C0] =	vst v63  }
0x49: {  	_ =	swait.ge @!p0 [sflag:s30], $0x400  }
0x4a: {  	[sflag:s30] =	ssyncset.done @!p0 $0x0  }
0x4b: {  	s29 =	simm.s32 $0x0;
	[sflag:s30] =	ssyncadd.s32 @!p0 $0xFFFFFC00  }
0x4c: {  	[tilespmem:s29], [sflag:$0x3] =	stream.linear.gather [hbm4b:s15+s29], $0x2800, $0x38;
	[tilespmem:$0x1F0C0] =	vst v63  }
0x4d: {  	_ =	swait.ge [sflag:s21], $0x2800  }
0x4e: {  	[sflag:s21] =	ssyncset.done $0x0  }
0x4f: {  	[sflag:s21] =	ssyncadd.s32 $0xFFFFD800  }
0x50: {  	[tilespmem:s22], [sflag:$0x3] =	stream.linear.gather [hbm4b:s16+s29], $0x4000, $0x38;
	[tilespmem:$0x1F0C0] =	vst v63  }
0x51: {  	_ =	swait.ge [sflag:s21], $0x4000  }
0x52: {  	[sflag:s21] =	ssyncset.done $0x0  }
0x53: {  	[sflag:s21] =	ssyncadd.s32 $0xFFFFC000  }
0x54: {  	[bflag:$0x0] =	sbarrier.arrive $0xFFFF  }
0x55: {  	[tilespmem:s20], [sflag:$0x1] =	stream.indirect.gather [hbm4b:s4+s23], $0x80, s29, s23, $0xb8;
	[tilespmem:$0x1F0C0] =	vst v63  }
0x56: {  	s29 =	simm.s32 $0x50  }
0x57: {  	[tilespmem:s24], [sflag:$0x2] =	stream.indirect.gather [hbm4b:s4+s23], $0x80, s29, s23, $0xb8;
	[tilespmem:$0x1F0C0] =	vst v63  }
0x58: {  	_ =	swait.ge [sflag:s25], $0x2800  }
0x59: {  	[sflag:s25] =	ssyncset.done $0x0  }
0x5a: {  	s29 =	simm.s32 $0x2800;
	[sflag:s25] =	ssyncadd.s32 $0xFFFFD800  }
0x5b: {  	[spmem:s2] =	stream.indirect.scatter.add.f32 [tilespmem:s20], [sflag:$0x3], $0x80, s29, s23, $0xb8;
	[tilespmem:$0x1F0C0] =	vst v63  }
0x5c: {  	_ =	swait.ge [sflag:s21], $0x2800  }
0x5d: {  	[sflag:s21] =	ssyncset.done $0x0  }
0x5e: {  	s29 =	simm.s32 $0xA0;
	[sflag:s21] =	ssyncadd.s32 $0xFFFFD800  }
0x5f: {  	[tilespmem:s20], [sflag:$0x1] =	stream.indirect.gather [hbm4b:s4+s23], $0x80, s29, s23, $0xb8;
	[tilespmem:$0x1F0C0] =	vst v63  }
0x60: {  	_ =	swait.ge [sflag:s26], $0x2800  }
0x61: {  	[sflag:s26] =	ssyncset.done $0x0  }
0x62: {  	s29 =	simm.s32 $0x2880;
	[sflag:s26] =	ssyncadd.s32 $0xFFFFD800  }
0x63: {  	[spmem:s2] =	stream.indirect.scatter.add.f32 [tilespmem:s24], [sflag:$0x3], $0x80, s29, s23, $0xb8;
	[tilespmem:$0x1F0C0] =	vst v63  }
0x64: {  	s31 =	simm.s32 $0x800;
	_ =	swait.ge [sflag:s21], $0x2800  }
0x65: {  	s30 =	simm.s32 $0x400;
	s29 =	simm.s32 $0x140;
	[sflag:s21] =	ssyncset.done $0x0  }
.LBB2_4:
0x66: {  	p1 =	sne.s32 s31, $0xF400;
	s0 =	sadd.s32 $0xFFFFFFB0, s29;
	[sflag:s21] =	ssyncadd.s32 $0xFFFFD800  }
0x67: {  	[tilespmem:s24], [sflag:$0x2] =	stream.indirect.gather [hbm4b:s4+s23], $0x80, s0, s23, $0xb8;
	[tilespmem:$0x1F0C0] =	vst v63  }
0x68: {  	s0 =	smov.u32 s31;
	s31 =	sadd.s32 $0x400, s31;
	_ =	swait.ge [sflag:s25], $0x2800  }
0x69: {  	s1 =	sshra.s32 s30, $0x2;
	s30 =	smov.u32 s0;
	[sflag:s25] =	ssyncset.done $0x0  }
0x6a: {  	s0 =	sadd.s32 $0x2800, s1;
	[sflag:s25] =	ssyncadd.s32 $0xFFFFD800  }
0x6b: {  	[spmem:s2] =	stream.indirect.scatter.add.f32 [tilespmem:s20], [sflag:$0x3], $0x80, s0, s23, $0xb8;
	[tilespmem:$0x1F0C0] =	vst v63  }
0x6c: {  	_ =	swait.ge [sflag:s21], $0x2800  }
0x6d: {  	[sflag:s21] =	ssyncset.done $0x0  }
0x6e: {  	[sflag:s21] =	ssyncadd.s32 $0xFFFFD800  }
0x6f: {  	[tilespmem:s20], [sflag:$0x1] =	stream.indirect.gather [hbm4b:s4+s23], $0x80, s29, s23, $0xb8;
	[tilespmem:$0x1F0C0] =	vst v63  }
0x70: {  	_ =	swait.ge [sflag:s26], $0x2800  }
.Ltmp1:
0x71: {  	[sflag:s26] =	ssyncset.done $0x0;
	(pc) =	sbr.rel @p1 .LBB2_4-.Ltmp1, $4  }
0x72: {  	s0 =	sadd.s32 $0x2880, s1;
	[sflag:s26] =	ssyncadd.s32 $0xFFFFD800  }
0x73: {  	[spmem:s2] =	stream.indirect.scatter.add.f32 [tilespmem:s24], [sflag:$0x3], $0x80, s0, s23, $0xb8;
	[tilespmem:$0x1F0C0] =	vst v63  }
0x74: {  	_ =	swait.ge [sflag:s21], $0x2800  }
0x75: {  	s29 =	sadd.s32 $0xA0, s29;
	[sflag:s21] =	ssyncset.done $0x0  }
0x76: {  	s0 =	sadd.s32 $0xFFFFFFB0, s29;
	[sflag:s21] =	ssyncadd.s32 $0xFFFFD800  }
0x77: {  	[tilespmem:s24], [sflag:$0x2] =	stream.indirect.gather [hbm4b:s4+s23], $0x80, s0, s23, $0xb8;
	[tilespmem:$0x1F0C0] =	vst v63  }
0x78: {  	_ =	swait.ge [sflag:s25], $0x2800  }
0x79: {  	s31 =	sshra.s32 s30, $0x2;
	[sflag:s25] =	ssyncset.done $0x0  }
0x7a: {  	s1 =	sadd.s32 $0x2800, s31;
	[sflag:s25] =	ssyncadd.s32 $0xFFFFD800  }
0x7b: {  	[spmem:s2] =	stream.indirect.scatter.add.f32 [tilespmem:s20], [sflag:$0x3], $0x80, s1, s23, $0xb8;
	[tilespmem:$0x1F0C0] =	vst v63  }
0x7c: {  	_ =	swait.ge [sflag:s21], $0x2800  }
0x7d: {  	[sflag:s21] =	ssyncset.done $0x0  }
0x7e: {  	[sflag:s21] =	ssyncadd.s32 $0xFFFFD800  }
0x7f: {  	[tilespmem:s20], [sflag:$0x1] =	stream.indirect.gather [hbm4b:s4+s23], $0x80, s29, s23, $0xb8;
	[tilespmem:$0x1F0C0] =	vst v63  }
0x80: {  	_ =	swait.ge [sflag:s26], $0x2800  }
0x81: {  	[sflag:s26] =	ssyncset.done $0x0  }
0x82: {  	s0 =	sadd.s32 $0x2880, s31;
	[sflag:s26] =	ssyncadd.s32 $0xFFFFD800  }
0x83: {  	[spmem:s2] =	stream.indirect.scatter.add.f32 [tilespmem:s24], [sflag:$0x3], $0x80, s0, s23, $0xb8;
	[tilespmem:$0x1F0C0] =	vst v63  }
0x84: {  	_ =	swait.ge [sflag:s21], $0x2800  }
0x85: {  	[sflag:s21] =	ssyncset.done $0x0  }
0x86: {  	[sflag:s21] =	ssyncadd.s32 $0xFFFFD800  }
0x87: {  	_ =	swait.ge [sflag:s25], $0x2800  }
0x88: {  	[sflag:s25] =	ssyncset.done $0x0  }
0x89: {  	[sflag:s25] =	ssyncadd.s32 $0xFFFFD800  }
0x8a: {  	[spmem:s2] =	stream.indirect.scatter.add.f32 [tilespmem:s20], [sflag:$0x3], $0x80, s28, s23, $0xb8;
	[tilespmem:$0x1F0C0] =	vst v63  }
0x8b: {  	_ =	swait.ge [sflag:s21], $0x2800  }
0x8c: {  	s30 =	stileid.u32;
	[sflag:s21] =	ssyncset.done $0x0  }
0x8d: {  	s0 =	sshll.u32 s30, $0x6;
	[sflag:s21] =	ssyncadd.s32 $0xFFFFD800  }
0x8e: {  	s31 =	sshrl.u32 s5, $0x3;
	s0 =	sor.u32 $0x1C03, s0;
	[bflag:$0x0] =	sbarrier.arrive $0xFFFF  }
0x8f: {  	[hbm:s17], [sflag:s0] =	dma.local [spmem:s31], $0x2700  }
0x90: {  	_ =	swait.ge [sflag:s21], $0x2700  }
0x91: {  	s3 =	sadd.s32 $0x1, s3;
	[sflag:s21] =	ssyncset.done $0x0  }
0x92: {  	p1 =	sne.s32 s3, s19;
	s1 =	sshrl.u32 @!p0 s13, $0x3;
	[sflag:s21] =	ssyncadd.s32 $0xFFFFD900  }
0x93: {  	[hbm:s18], [sflag:s0] =	dma.local @!p0 [spmem:s1], $0x100  }
.Ltmp2:
0x94: {  	_ = 	snop;
	(pc) =	sbr.rel @p1 .LBB2_1-.Ltmp2, $4  }
0x95: {  	s0 =	simm.s32 @!p0 $0x3  }
0x96: {  	_ =	swait.ge @!p0 [sflag:s0], $0x100  }
0x97: {  	[sflag:s0] =	ssyncset.done @!p0 $0x0  }
0x98: {  	[sflag:s0] =	ssyncadd.s32 @!p0 $0xFFFFFF00  }
0x99: {  	_ =	sfence.sel $0x180000  }
0x9a: {  	[bflag:$0x0] =	sbarrier.arrive $0xFFFF  }
0x9b: {  	_ =	strace $0x9000004D  }
0x9c: {  	s0 =	stileid.u32;
	[bflag:$0x2] =	sbarrier.arrive $0xFFFF  }
0x9d: {  	p0 =	sne.s32 s0, $0x0;
	s0 =	rddreg [dreg:$0x2]  }
0x9e: {  	s0 =	sadd.s32 @!p0 $0x100000, s0  }
0x9f: {  	[sflag:s0] =	ssyncadd.tile.s32 @!p0 $0x1;
	_ =	shalt  }
.Lfunc_end2:
_tile_overlayer_lowered:
.L_overlay_start_2:
0xa0: {  	(tag) =	ssettag $0x2  }
0xa1: {  	s0 =	rddreg [dreg:$0x0];
	s2 =	stileid.u32  }
0xa2: {  	s1 =	rddreg [dreg:$0x1];
	p0 =	sne.s32 s2, $0x0  }
0xa3: {  	s3 =	rddreg [dreg:$0x2];
	[bflag:$0x3] =	sbarrier.arrive $0xFFFF;
	s2 =	simm.s32 @!p0 $0x1C03  }
0xa4: {  	[timem:s3], [sflag:s2] =	dma.local @!p0 [hbm:s0], s1  }
0xa5: {  	s0 =	simm.s32 @!p0 $0x3  }
0xa6: {  	_ =	swait.ge @!p0 [sflag:s0], s1  }
0xa7: {  	s1 =	ssub.s32 @!p0 $0x0, s1;
	[sflag:s0] =	ssyncset.done @!p0 $0x0  }
0xa8: {  	[sflag:s0] =	ssyncadd.s32 @!p0 s1  }
0xa9: {  	[bflag:$0x3] =	sbarrier.arrive $0xFFFF  }
0xaa: {  	_ =	shalt  }

// kernel: kernel.8.cloned.1.call-start
scs
__scs_entry_jumppad:
0x0: {  	(pc) =	sbr.rel $0x88, $3  }
0x1: {  	(tag) =	ssettag $0x0;
	lr =	simm.s32 $0x1  }
0x2: {  	[smem:$0x3F98] =	sst lr;
	_ =	strace $0xD0000000  }
0x3: {  	_ = 	snop  }
0x4: {  	_ = 	snop  }
0x5: {  	_ = 	snop  }
0x6: {  	_ = 	snop  }
0x7: {  	_ = 	snop  }
__scs_overlays_trampoline_lowered:
0x8: {  	[smem:$0x3FA7] =	sst s0  }
0x9: {  	[smem:$0x3FA8] =	sst s1  }
0xa: {  	[smem:$0x3FA9] =	sst s2  }
0xb: {  	[smem:$0x3FAA] =	sst s3  }
0xc: {  	[smem:$0x3FAB] =	sst s4  }
0xd: {  	[smem:$0x3FAC] =	sst s5  }
0xe: {  	[smem:$0x3FAD] =	sst s6  }
0xf: {  	[smem:$0x3FAE] =	sst s7  }
0x10: {  	[smem:$0x3FAF] =	sst s8  }
0x11: {  	[smem:$0x3FB0] =	sst s9;
	s0 =	simm.s32 @!p0 $0x0  }
0x12: {  	s1 =	sld [smem:$0x3F96];
	s0 =	simm.s32 @p0 $0x1  }
0x13: {  	[smem:$0x3FB1] =	sst s0;
	s0 =	simm.s32 @!p1 $0x0  }
0x14: {  	s2 =	sld [smem:$0x3F95];
	s0 =	simm.s32 @p1 $0x1  }
0x15: {  	[smem:$0x3FB2] =	sst s0;
	s0 =	simm.s32 @!p2 $0x0  }
0x16: {  	s3 =	sld [smem:$0x3FDB];
	s0 =	simm.s32 @p2 $0x1  }
0x17: {  	s4 =	simm.s32 $0x1BF5;
	[smem:$0x3FB4] =	sst s0  }
0x18: {  	s0 =	sld [smem:$0x3F97];
	_ =	swait.ge [sflag:s4], $0x0  }
0x19: {  	s7 =	sld [smem:$0x3F98]  }
0x1a: {  	s8 =	sadd.s32 $0xFFFFE003, lr  }
0x1b: {  	s9 =	sadd.s32 $0xFFFFFEF7, lr;
	s5 =	simm.s32 $0xFFFFFFFF;
	p2 =	slt.u32 s8, $0xFFFFF086  }
0x1c: {  	p1 =	slt.u32 s9, $0xF7A;
	s5 =	simm.s32 @!p2 $0x0  }
0x1d: {  	s5 =	simm.s32 @p1 $0x1;
	p0 =	seq.s32 s7, s2  }
0x1e: {  	s7 =	smul.u32 @!p0 $0xF7A, s2;
	p2 =	seq.s32 @!p0 s5, $0x0  }
0x1f: {  	s9 =	smul.u32 $0xF7A, s1;
	s8 =	simm.s32 @!p0 $0x1BF5;
	p2 =	por !p2, p0  }
0x20: {  	[sflag:s8] =	ssyncset.s32 @!p0 $0xFFFFF086;
	s6 =	sadd.s32 @!p0 s3, s7;
	s7 =	simm.s32 @!p0 $0x108  }
0x21: {  	s3 =	sadd.s32 s3, s9;
	s6 =	sadd.s32 @!p0 $0x88, s6;
	s7 =	simm.s32 @p2 $0x1082  }
0x22: {  	[simem:s7], [sflag:s8] =	dma.local @!p0 [hbm:s6], $0xF7A  }
0x23: {  	s9 =	sor.u32 $0xD0000000, s2;
	s6 =	simm.s32 $0x108;
	_ =	swait.ge @!p0 [sflag:s8], $0x0  }
0x24: {  	s3 =	sadd.s32 $0x88, s3;
	s6 =	simm.s32 @!p1 $0x1082;
	[sflag:s4] =	ssyncset.s32 $0xFFFFF086  }
0x25: {  	[simem:s6], [sflag:s4] =	dma.local [hbm:s3], $0xF7A  }
0x26: {  	[smem:$0x3F98] =	sst s1;
	(tag) =	ssettag s2;
	_ =	strace s9  }
0x27: {  	s1 =	sld [smem:$0x3FA8]  }
0x28: {  	s2 =	sld [smem:$0x3FA9]  }
0x29: {  	s4 =	sld [smem:$0x3FAB]  }
0x2a: {  	p0 =	seq.s32 s5, $0x0;
	s5 =	sld [smem:$0x3FAC]  }
0x2b: {  	s6 =	sld [smem:$0x3FAD]  }
0x2c: {  	s7 =	sld [smem:$0x3FAE]  }
0x2d: {  	s3 =	simm.s32 $0x108;
	s8 =	sld [smem:$0x3FAF]  }
0x2e: {  	s3 =	simm.s32 @!p0 $0x1082;
	s9 =	sld [smem:$0x3FB0]  }
0x2f: {  	lr =	sadd.s32 s0, s3;
	s0 =	sld [smem:$0x3FA7]  }
0x30: {  	s3 =	sld [smem:$0x3FAA]  }
0x31: {  	[smem:$0x3FB3] =	sst s10  }
0x32: {  	s10 =	sld [smem:$0x3FB1];
	_ =	sdelay $0x3  }
0x33: {  	p0 =	seq.s32 s10, $0x1;
	s10 =	sld [smem:$0x3FB3];
	_ =	sdelay $0x3  }
0x34: {  	[smem:$0x3FB3] =	sst s10  }
0x35: {  	s10 =	sld [smem:$0x3FB2];
	_ =	sdelay $0x3  }
0x36: {  	p1 =	seq.s32 s10, $0x1;
	s10 =	sld [smem:$0x3FB3];
	_ =	sdelay $0x3  }
0x37: {  	[smem:$0x3FB3] =	sst s10  }
0x38: {  	s10 =	sld [smem:$0x3FB4]  }
0x39: {  	_ = 	snop;
	(pc) =	sbr.ind lr, $3  }
0x3a: {  	_ = 	snop  }
0x3b: {  	_ = 	snop  }
0x3c: {  	p2 =	seq.s32 s10, $0x1;
	s10 =	sld [smem:$0x3FB3]  }
0x3d: {  	_ =	shalt  }
0x3e: {  	_ =	shalt  }
0x3f: {  	_ =	shalt  }
0x40: {  	_ =	shalt  }
0x41: {  	_ =	shalt  }
0x42: {  	_ =	shalt  }
0x43: {  	_ =	shalt  }
0x44: {  	_ =	shalt  }
0x45: {  	_ =	shalt  }
0x46: {  	_ =	shalt  }
0x47: {  	_ =	shalt  }
0x48: {  	_ =	shalt  }
0x49: {  	_ =	shalt  }
0x4a: {  	_ =	shalt  }
0x4b: {  	_ =	shalt  }
0x4c: {  	_ =	shalt  }
0x4d: {  	_ =	shalt  }
0x4e: {  	_ =	shalt  }
0x4f: {  	_ =	shalt  }
0x50: {  	_ =	shalt  }
0x51: {  	_ =	shalt  }
0x52: {  	_ =	shalt  }
0x53: {  	_ =	shalt  }
0x54: {  	_ =	shalt  }
0x55: {  	_ =	shalt  }
0x56: {  	_ =	shalt  }
0x57: {  	_ =	shalt  }
0x58: {  	_ =	shalt  }
0x59: {  	_ =	shalt  }
0x5a: {  	_ =	shalt  }
0x5b: {  	_ =	shalt  }
0x5c: {  	_ =	shalt  }
0x5d: {  	_ =	shalt  }
0x5e: {  	_ =	shalt  }
0x5f: {  	_ =	shalt  }
0x60: {  	_ =	shalt  }
0x61: {  	_ =	shalt  }
0x62: {  	_ =	shalt  }
0x63: {  	_ =	shalt  }
0x64: {  	_ =	shalt  }
0x65: {  	_ =	shalt  }
0x66: {  	_ =	shalt  }
0x67: {  	_ =	shalt  }
0x68: {  	_ =	shalt  }
0x69: {  	_ =	shalt  }
0x6a: {  	_ =	shalt  }
0x6b: {  	_ =	shalt  }
0x6c: {  	_ =	shalt  }
0x6d: {  	_ =	shalt  }
0x6e: {  	_ =	shalt  }
0x6f: {  	_ =	shalt  }
0x70: {  	_ =	shalt  }
0x71: {  	_ =	shalt  }
0x72: {  	_ =	shalt  }
0x73: {  	_ =	shalt  }
0x74: {  	_ =	shalt  }
0x75: {  	_ =	shalt  }
0x76: {  	_ =	shalt  }
0x77: {  	_ =	shalt  }
0x78: {  	_ =	shalt  }
0x79: {  	_ =	shalt  }
0x7a: {  	_ =	shalt  }
0x7b: {  	_ =	shalt  }
0x7c: {  	_ =	shalt  }
0x7d: {  	_ =	shalt  }
0x7e: {  	_ =	shalt  }
0x7f: {  	_ =	shalt  }
0x80: {  	_ =	shalt  }
0x81: {  	_ =	shalt  }
0x82: {  	_ =	shalt  }
0x83: {  	_ =	shalt  }
0x84: {  	_ =	shalt  }
0x85: {  	_ =	shalt  }
0x86: {  	_ =	shalt  }
0x87: {  	_ =	shalt  }
.Lfunc_end0:
.L_simem_size_0:
called_computation_lowered:
.L_overlay_start_0:
0x88: {  	s2 =	sld [smem:$0x3FD9]  }
0x89: {  	s3 =	sld [smem:$0x3FFE];
	_ =	sdelay $0x1  }
0x8a: {  	s1 =	srdreg.scid  }
0x8b: {  	s0 =	sand.u32 $0x1, s1  }
0x8c: {  	s16 =	sshll.u32 s0, $0xA;
	s2 =	sadd.s32 s3, s2  }
0x8d: {  	s2 =	sadd.s32 s2, s16  }
0x8e: {  	[smem:$0x3FBF] =	sst s2  }
0x8f: {  	_ = 	snop  }
0x90: {  	(tm) =	ssettm $0x1  }
0x91: {  	s17 =	sld [smem:$0x3FFB];
	_ =	sdelay $0x3  }
0x92: {  	_ =	strace s17  }
0x93: {  	s2 =	sld [smem:$0x3FFC];
	_ =	sdelay $0x3  }
0x94: {  	_ =	strace s2  }
0x95: {  	s2 =	sld [smem:$0x3FFD];
	_ =	sdelay $0x3  }
0x96: {  	_ =	strace s2  }
0x97: {  	_ =	strace $0x8FFFFFFF  }
0x98: {  	s18 =	sld [smem:$0x3FDB];
	_ =	sdelay $0x1  }
0x99: {  	s19 =	simm.s32 $_scs_section_size  }
0x9a: {  	s4 =	simm.s32 $_size__tile_overlayer_lowered;
	s5 =	simm.s32 $_tile_overlayer_lowered  }
0x9b: {  	s22 =	simm.s32 $0x1BFF;
	s21 =	sshll.u32 s5, $0x1;
	s2 =	sadd.s32 s19, s18  }
0x9c: {  	s6 =	simm.s32 $0x0;
	s20 =	sshll.u32 s4, $0x1;
	s4 =	sadd.s32 s21, s2  }
0x9d: {  	[timem:s6], [sflag:s22] =	dma.local [hbm:s4], s20  }
0x9e: {  	_ =	swait.ge [sflag:s22], s20  }
0x9f: {  	s3 =	ssub.s32 $0x0, s20;
	[sflag:s22] =	ssyncset.done $0x0  }
0xa0: {  	[sflag:s22] =	ssyncadd.s32 s3;
	_ =	sdelay $0x1  }
0xa1: {  	s23 =	simm.s32 $0x1B8B  }
0xa2: {  	_ =	swait.ge [sflag:s23], $0x1  }
0xa3: {  	[sflag:s23] =	ssyncset.done $0x0  }
0xa4: {  	s25 =	simm.s32 $0x1B8E;
	s24 =	sld [smem:$0x3FFE];
	[sflag:s23] =	ssyncadd.s32 $0xFFFFFFFF  }
0xa5: {  	s26 =	simm.s32 $execute0_lowered;
	[smem:$0x3FD2] =	sst s25  }
0xa6: {  	s4 =	sshll.u32 s26, $0x1;
	_ =	strace $0x80000046;
	[dreg:$0x1] =	wrdreg $0xFFFFFFFF  }
0xa7: {  	s28 =	simm.s32 $_size_execute0_lowered;
	s2 =	sadd.s32 s2, s4;
	[dreg:$0x0] =	wrdreg $0x0  }
0xa8: {  	s4 =	sshll.u32 s28, $0x1;
	[dreg:$0x2] =	wrdreg s2  }
0xa9: {  	[dreg:$0x3] =	wrdreg s4  }
0xaa: {  	[dreg:$0x4] =	wrdreg $0xC0  }
0xab: {  	_ =	task [dreg:s6], $0x5FFFF  }
0xac: {  	[dreg:$0x1] =	wrdreg $0xFFFFFFFF  }
0xad: {  	[dreg:$0x0] =	wrdreg $0x60  }
0xae: {  	[dreg:$0x2] =	wrdreg s24  }
0xaf: {  	[dreg:$0x3] =	wrdreg $0x9  }
0xb0: {  	_ =	task.clear_ibuf [dreg:s6], $0x4FFFF;
	_ =	strace $0x90000046  }
0xb1: {  	s29 =	simm.s32 $0x9;
	_ =	strace $0x80000048  }
0xb2: {  	_ =	swait.ge [sflag:s29], $0x1  }
0xb3: {  	[sflag:s29] =	ssyncadd.s32 $0xFFFFFFFF  }
0xb4: {  	_ =	strace $0x90000048  }
0xb5: {  	_ =	sfence  }
0xb6: {  	s30 =	sld [smem:$0x0];
	_ =	sdelay $0x2  }
0xb7: {  	s31 =	sshll.u32 s1, $0xD;
	s1 =	sshrl.u32 s1, $0x2  }
0xb8: {  	s3 =	sand.u32 $0x4000, s31;
	s1 =	sadd.s32 s1, s30  }
0xb9: {  	s0 =	sor.u32 s3, s0;
	s1 =	sshll.u32 s1, $0x11  }
0xba: {  	s0 =	sor.u32 s1, s0  }
0xbb: {  	s0 =	sadd.s32 $0x8F2B, s0  }
0xbc: {  	[sflag:s0] =	ssyncadd.remote.s32 $0x1  }
0xbd: {  	_ =	sfence.sel $0xFFFF  }
0xbe: {  	[dreg:$0x0] =	wrdreg $0xFFFFFFFF;
	(pc) =	sbr.abs _section_cstart, $3  }
0xbf: {  	[dreg:$0x1] =	wrdreg $0xFFFFFFFF  }
0xc0: {  	_ =	task.clear_ibuf [dreg:s6], $0x2FFFF;
	_ =	strace $0x9FFFFFFF  }
0xc1: {  	(tm) =	ssettm $0x7FFFFFFF  }
tec
execute0_lowered:
.L_overlay_start_1:
0x0: {  	(tag) =	ssettag $0x1  }
0x1: {  	s3 =	rddreg [dreg:$0x0];
	s1 =	srdreg.scid  }
0x2: {  	s0 =	rddreg [dreg:$0x1];
	s2 =	simm.s32 $0x0;
	s15 =	simm.s32 $0x1  }
0x3: {  	s16 =	simm.s32 $0x4000;
	s17 =	simm.s32 $0x43E8;
	s18 =	simm.s32 $0x47D0  }
0x4: {  	s19 =	simm.s32 $0x4BB8;
	s20 =	simm.s32 $0x4FA0;
	s21 =	simm.s32 $0x5388  }
0x5: {  	s22 =	simm.s32 $0x5770;
	s23 =	simm.s32 $0x5B58;
	s24 =	simm.s32 $0x5F40  }
0x6: {  	s25 =	simm.s32 $0x6328;
	s26 =	simm.s32 $0x0;
	s4 =	sand.u32 $0x1, s1  }
0x7: {  	s1 =	stileid.u32;
	[smem:$0x7FF] =	sst s2;
	s5 =	sshll.u32 s4, $0x4  }
0x8: {  	s8 =	sadd.s32 $0x12C00, s3;
	s4 =	ssub.s32 $0x2, s4;
	s5 =	sor.u32 s1, s5  }
0x9: {  	_ =	strace $0x80000047;
	s9 =	sshrl.u32 s4, $0x1;
	s6 =	smul.u32 $0x3E8, s5  }
0xa: {  	s7 =	sshll.u32 s5, $0xB;
	s5 =	smul.u32 $0x7D, s5;
	s14 =	ssub.s32 s4, s9  }
0xb: {  	s3 =	sadd.s32 s7, s3;
	s14 =	smax.u32 s14, $0x1;
	s6 =	sshrl.u32 s6, $0x3  }
0xc: {  	s3 =	sadd.s32 $0x2C00, s3;
	s4 =	sadd.s32 s8, s5;
	s13 =	sadd.s32 s8, s6  }
0xd: {  	s5 =	sadd.s32 $0xFA0, s13;
	s6 =	sadd.s32 $0x1F40, s13;
	s7 =	sadd.s32 $0x2EE0, s13  }
0xe: {  	s8 =	sadd.s32 $0x3E80, s13;
	s9 =	sadd.s32 $0x4E20, s13;
	s10 =	sadd.s32 $0x5DC0, s13  }
0xf: {  	v0 =	vimm.f32 $0.0e+00;
	v1 =	vimm.f32 $1.000000000e+00;
	s11 =	sadd.s32 $0x6D60, s13;
	s12 =	sadd.s32 $0x7D00, s13;
	s13 =	sadd.s32 $0x8CA0, s13  }
.LBB2_1:
0x10: {  	s28 =	simm.s32 $0x40;
	s29 =	simm.s32 $0x0  }
.LBB2_2:
0x11: {  	p0 =	sne.s32 s28, $0x9C40;
	[tilespmem:s29+$0x4000] =	vst v0;
	s29 =	smov.u32 s28;
	s28 =	sadd.s32 $0x40, s28  }
.Ltmp0:
0x12: {  	(pc) =	sbr.rel @p0 .LBB2_2-.Ltmp0, $2  }
0x13: {  	_ =	sdelay $0x2  }
0x14: {  	s29 =	sshra.s32 s29, $0x2  }
0x15: {  	[tilespmem:s29+$0x4000] =	vst v0;
	s28 =	simm.s32 $0x0  }
0x16: {  	[tilespmem:s28], [sflag:$0x1] =	stream.linear.gather [hbm4b:s3+s28], $0x4000, $0x38;
	[tilespmem:$0x6780] =	vst v63  }
0x17: {  	_ =	swait.ge [sflag:s15], $0x4000  }
0x18: {  	[sflag:s15] =	ssyncset.done $0x0  }
0x19: {  	[sflag:s15] =	ssyncadd.s32 $0xFFFFC000  }
.LBB2_4:
0x1a: {  	s29 =	sshra.s32 s28, $0x2  }
0x1b: {  	v2 =	vld [tilespmem:s29+$0x0];
	_ =	sdelay $0x7  }
0x1c: {  	[tilespmem:v2+s16+$0x0] =	vst.idx.add.f32.msk $0xffff, v1  }
0x1d: {  	v2 =	vld [tilespmem:s29+$0x10];
	_ =	sdelay $0x7  }
0x1e: {  	[tilespmem:v2+s16+$0x0] =	vst.idx.add.f32.msk $0xffff, v1  }
0x1f: {  	v2 =	vld [tilespmem:s29+$0x20];
	_ =	sdelay $0x7  }
0x20: {  	[tilespmem:v2+s16+$0x0] =	vst.idx.add.f32.msk $0xffff, v1  }
0x21: {  	v2 =	vld [tilespmem:s29+$0x30];
	_ =	sdelay $0x7  }
0x22: {  	[tilespmem:v2+s16+$0x0] =	vst.idx.add.f32.msk $0xffff, v1  }
0x23: {  	v2 =	vld [tilespmem:s29+$0x40];
	_ =	sdelay $0x2  }
0x24: {  	p0 =	sne.s32 s28, $0xF800  }
.Ltmp1:
0x25: {  	_ = 	snop;
	(pc) =	sbr.rel @p0 .LBB2_4-.Ltmp1, $2  }
0x26: {  	_ =	sdelay $0x2  }
0x27: {  	s28 =	sadd.s32 $0x200, s28;
	[tilespmem:v2+s16+$0x0] =	vst.idx.add.f32.msk $0xffff, v1  }
0x28: {  	[hbm4b:s4+s2] =	stream.linear.scatter [tilespmem:s16], [sflag:$0x1], $0x3E8, $0x38;
	[tilespmem:$0x6780] =	vst v63  }
0x29: {  	_ =	swait.ge [sflag:s15], $0x3E8  }
0x2a: {  	[sflag:s15] =	ssyncset.done $0x0  }
0x2b: {  	[sflag:s15] =	ssyncadd.s32 $0xFFFFFC18  }
0x2c: {  	[hbm4b:s5+s2] =	stream.linear.scatter [tilespmem:s17], [sflag:$0x1], $0x3E8, $0x38;
	[tilespmem:$0x6780] =	vst v63  }
0x2d: {  	_ =	swait.ge [sflag:s15], $0x3E8  }
0x2e: {  	[sflag:s15] =	ssyncset.done $0x0  }
0x2f: {  	[sflag:s15] =	ssyncadd.s32 $0xFFFFFC18  }
0x30: {  	[hbm4b:s6+s2] =	stream.linear.scatter [tilespmem:s18], [sflag:$0x1], $0x3E8, $0x38;
	[tilespmem:$0x6780] =	vst v63  }
0x31: {  	_ =	swait.ge [sflag:s15], $0x3E8  }
0x32: {  	[sflag:s15] =	ssyncset.done $0x0  }
0x33: {  	[sflag:s15] =	ssyncadd.s32 $0xFFFFFC18  }
0x34: {  	[hbm4b:s7+s2] =	stream.linear.scatter [tilespmem:s19], [sflag:$0x1], $0x3E8, $0x38;
	[tilespmem:$0x6780] =	vst v63  }
0x35: {  	_ =	swait.ge [sflag:s15], $0x3E8  }
0x36: {  	[sflag:s15] =	ssyncset.done $0x0  }
0x37: {  	[sflag:s15] =	ssyncadd.s32 $0xFFFFFC18  }
0x38: {  	[hbm4b:s8+s2] =	stream.linear.scatter [tilespmem:s20], [sflag:$0x1], $0x3E8, $0x38;
	[tilespmem:$0x6780] =	vst v63  }
0x39: {  	_ =	swait.ge [sflag:s15], $0x3E8  }
0x3a: {  	[sflag:s15] =	ssyncset.done $0x0  }
0x3b: {  	[sflag:s15] =	ssyncadd.s32 $0xFFFFFC18  }
0x3c: {  	[hbm4b:s9+s2] =	stream.linear.scatter [tilespmem:s21], [sflag:$0x1], $0x3E8, $0x38;
	[tilespmem:$0x6780] =	vst v63  }
0x3d: {  	_ =	swait.ge [sflag:s15], $0x3E8  }
0x3e: {  	[sflag:s15] =	ssyncset.done $0x0  }
0x3f: {  	[sflag:s15] =	ssyncadd.s32 $0xFFFFFC18  }
0x40: {  	[hbm4b:s10+s2] =	stream.linear.scatter [tilespmem:s22], [sflag:$0x1], $0x3E8, $0x38;
	[tilespmem:$0x6780] =	vst v63  }
0x41: {  	_ =	swait.ge [sflag:s15], $0x3E8  }
0x42: {  	[sflag:s15] =	ssyncset.done $0x0  }
0x43: {  	[sflag:s15] =	ssyncadd.s32 $0xFFFFFC18  }
0x44: {  	[hbm4b:s11+s2] =	stream.linear.scatter [tilespmem:s23], [sflag:$0x1], $0x3E8, $0x38;
	[tilespmem:$0x6780] =	vst v63  }
0x45: {  	_ =	swait.ge [sflag:s15], $0x3E8  }
0x46: {  	[sflag:s15] =	ssyncset.done $0x0  }
0x47: {  	[sflag:s15] =	ssyncadd.s32 $0xFFFFFC18  }
0x48: {  	[hbm4b:s12+s2] =	stream.linear.scatter [tilespmem:s24], [sflag:$0x1], $0x3E8, $0x38;
	[tilespmem:$0x6780] =	vst v63  }
0x49: {  	s26 =	sadd.s32 $0x1, s26;
	_ =	swait.ge [sflag:s15], $0x3E8  }
0x4a: {  	p0 =	sne.s32 s26, s14;
	[sflag:s15] =	ssyncset.done $0x0  }
.Ltmp2:
0x4b: {  	[sflag:s15] =	ssyncadd.s32 $0xFFFFFC18;
	(pc) =	sbr.rel @p0 .LBB2_1-.Ltmp2, $4  }
0x4c: {  	[hbm4b:s13+s2] =	stream.linear.scatter [tilespmem:s25], [sflag:$0x1], $0x3E8, $0x38;
	[tilespmem:$0x6780] =	vst v63  }
0x4d: {  	_ =	swait.ge [sflag:s15], $0x3E8  }
0x4e: {  	[sflag:s15] =	ssyncset.done $0x0  }
0x4f: {  	[sflag:s15] =	ssyncadd.s32 $0xFFFFFC18  }
0x50: {  	_ =	sfence.sel $0x180000  }
0x51: {  	[bflag:$0x0] =	sbarrier.arrive $0xFFFF  }
0x52: {  	p0 =	sne.s32 s1, $0x0;
	_ =	strace $0x90000047  }
0x53: {  	s0 =	sadd.s32 @!p0 $0x100000, s0;
	[bflag:$0x2] =	sbarrier.arrive $0xFFFF  }
0x54: {  	[sflag:s0] =	ssyncadd.tile.s32 @!p0 $0x1;
	_ =	shalt  }
.Lfunc_end2:
_tile_overlayer_lowered:
.L_overlay_start_2:
0x55: {  	(tag) =	ssettag $0x2  }
0x56: {  	s0 =	rddreg [dreg:$0x0];
	s2 =	stileid.u32  }
0x57: {  	s1 =	rddreg [dreg:$0x1];
	p0 =	sne.s32 s2, $0x0  }
0x58: {  	s3 =	rddreg [dreg:$0x2];
	[bflag:$0x3] =	sbarrier.arrive $0xFFFF;
	s2 =	simm.s32 @!p0 $0x1C01  }
0x59: {  	[timem:s3], [sflag:s2] =	dma.local @!p0 [hbm:s0], s1  }
0x5a: {  	s0 =	simm.s32 @!p0 $0x1  }
0x5b: {  	_ =	swait.ge @!p0 [sflag:s0], s1  }
0x5c: {  	s1 =	ssub.s32 @!p0 $0x0, s1;
	[sflag:s0] =	ssyncset.done @!p0 $0x0  }
0x5d: {  	[sflag:s0] =	ssyncadd.s32 @!p0 s1  }
0x5e: {  	[bflag:$0x3] =	sbarrier.arrive $0xFFFF  }
0x5f: {  	_ =	shalt  }

</sc_bundles>
